<compile_context>
chip_gen: v7x
topology: tpu7x:2x2x1
jax: 0.10.2.dev20260603
libtpu: 0.0.44.dev20260713+nightly
codegen_flags: <defaults>
</compile_context>

<pallas_src>
import functools

import jax
import jax.numpy as jnp
from jax import lax
from jax.experimental import pallas as pl
from jax.experimental.pallas import tpu as pltpu
from jax.experimental.pallas import tpu_sc as plsc

PRE = 128
D = 18432
B = 2048
NW = 32
GCOL = 1152
W_CACHE = 640
NG = B // 16

_mesh = plsc.VectorSubcoreMesh(core_axis_name="c", subcore_axis_name="s")


@functools.partial(
    pl.kernel,
    mesh=_mesh,
    out_type=jax.ShapeDtypeStruct((B, D), jnp.float32),
    scratch_types=[
        pltpu.VMEM((B,), jnp.int32),
        pltpu.VMEM((PRE, W_CACHE), jnp.float32),
        pltpu.SemaphoreType.DMA,
    ],
)
def _gather_kernel(idx_hbm, table_hbm, out_hbm, idx_v, table_v, sem):
    wid = lax.axis_index("s") * 2 + lax.axis_index("c")
    k = wid // 2
    p = wid % 2
    cache_col = pl.multiple_of(k * GCOL + p * 512, 128)

    pltpu.async_copy(idx_hbm, idx_v, sem)
    pltpu.async_copy(table_hbm.at[:, pl.ds(cache_col, W_CACHE)], table_v, sem)
    pltpu.make_async_copy(idx_hbm, idx_v, sem).wait()
    pltpu.make_async_copy(
        table_hbm.at[:, pl.ds(cache_col, W_CACHE)], table_v, sem
    ).wait()

    def run_phase(g0, n_groups, width, colg, colv):
        colg = pl.multiple_of(colg, 128)

        def body(g, carry):
            base = (g0 + g) * 16
            idx16 = idx_v[pl.ds(base, 16)]
            for j in range(16):
                row = idx16[j]
                pltpu.async_copy(
                    table_v.at[row, pl.ds(colv, width)],
                    out_hbm.at[base + j, pl.ds(colg, width)],
                    sem,
                )

            @pl.when(g > 1)
            def _():
                pltpu.make_async_copy(
                    table_v.at[pl.ds(0, 16), pl.ds(colv, width)],
                    out_hbm.at[pl.ds(0, 16), pl.ds(colg, width)],
                    sem,
                ).wait()

            return carry

        lax.fori_loop(0, n_groups, body, 0)
        for _ in range(2):
            pltpu.make_async_copy(
                table_v.at[pl.ds(0, 16), pl.ds(colv, width)],
                out_hbm.at[pl.ds(0, 16), pl.ds(colg, width)],
                sem,
            ).wait()

    @pl.when(p == 0)
    def _():
        run_phase(0, NG // 2, W_CACHE, k * GCOL, 0)
        run_phase(NG // 2, NG // 2, 512, k * GCOL, 0)

    @pl.when(p == 1)
    def _():
        run_phase(0, NG // 2, 512, k * GCOL + W_CACHE, 128)
        run_phase(NG // 2, NG // 2, W_CACHE, k * GCOL + 512, 0)


def kernel(prefix, embedding):
    idx = prefix.reshape(B)
    out = _gather_kernel(idx, embedding)
    return out.reshape(prefix.shape[0], prefix.shape[1], D)

# --- scband reference (transcript-rebuilt; emitter-appended) ---
"""Pipeline reference for scband-prefix-encoder-1073741824618 (READ-ONLY COPY).

The authoritative reference and input builder live on the scoring server;
editing this copy changes nothing except your own understanding.
"""

import jax, jax.numpy as jnp
import numpy as np

PRE_SEQ_LEN = 128
HIDDEN = 768
N_LAYERS = 12
EMB_DIM = N_LAYERS * 2 * HIDDEN  # 18432
BATCH = 16


def setup_inputs(seed: int = 0) -> dict:
    key = jax.random.key(seed)
    k1, k2 = jax.random.split(key)
    prefix = jax.random.randint(k1, (BATCH, PRE_SEQ_LEN), 0, PRE_SEQ_LEN, dtype=jnp.int32)
    # learned embedding table: (pre_seq_len, num_hidden_layers * 2 * hidden_size)
    embedding = jax.random.normal(k2, (PRE_SEQ_LEN, EMB_DIM), dtype=jnp.float32) * 0.02
    return {"prefix": prefix, "embedding": embedding}


def reference(prefix, embedding):
    # prefix_projection=False branch: past_key_values = self.embedding(prefix)
    past_key_values = jnp.take(embedding, prefix, axis=0)
    return past_key_values

if __name__ == "__main__":
    import jax
    _d = setup_inputs()
    print(jax.jit(kernel)(*tuple(_d.values())))

</pallas_src>

<mosaic_0001>
#map = affine_map<(d0, d1) -> (0)>
#map1 = affine_map<(d0, d1) -> (0, 0)>
module attributes {stable_mosaic.version = 14 : i64} {
  func.func @_gather_kernel(%arg0: i32, %arg1: i32, %arg2: memref<2048xi32, #tpu.memory_space<hbm>>, %arg3: memref<128x18432xf32, #tpu.memory_space<hbm>>, %arg4: memref<2048x18432xf32, #tpu.memory_space<hbm>>, %arg5: memref<2048xi32, #tpu.memory_space<vmem>>, %arg6: memref<128x640xf32, #tpu.memory_space<vmem>>, %arg7: memref<!tpu.dma_semaphore, #tpu.memory_space<semaphore_mem>>) attributes {dimension_semantics = [#tpu.dimension_semantics<core_parallel>, #tpu.dimension_semantics<subcore_parallel>], iteration_bounds = array<i64: 2, 16>, scalar_prefetch = 0 : i64, scratch_operands = 3 : i64, tpu.core_type = #tpu.core_type<sc_vector_subcore>, window_params = [{transform_indices = #map}, {transform_indices = #map1}, {transform_indices = #map1}]} {
    %mul3A = arith.constant 2 : i32
    %mul3A_0 = arith.muli %arg1, %mul3A : i32
    %add3A = arith.addi %mul3A_0, %arg0 : i32
    %jit3A = arith.constant 2 : i32
    %div3A = arith.divsi %add3A, %jit3A : i32
    %sign3A = arith.constant 0 : i32
    %sign3A_1 = arith.cmpi sgt, %add3A, %sign3A : i32
    %sign3A_2 = arith.extui %sign3A_1 : i1 to i32
    %sign3A_3 = arith.constant 0 : i32
    %sign3A_4 = arith.cmpi slt, %add3A, %sign3A_3 : i32
    %sign3A_5 = arith.extui %sign3A_4 : i1 to i32
    %sign3A_6 = arith.subi %sign3A_2, %sign3A_5 : i32
    %sign3A_7 = arith.constant 0 : i32
    %sign3A_8 = arith.cmpi sgt, %jit3A, %sign3A_7 : i32
    %sign3A_9 = arith.extui %sign3A_8 : i1 to i32
    %sign3A_10 = arith.constant 0 : i32
    %sign3A_11 = arith.cmpi slt, %jit3A, %sign3A_10 : i32
    %sign3A_12 = arith.extui %sign3A_11 : i1 to i32
    %sign3A_13 = arith.subi %sign3A_9, %sign3A_12 : i32
    %ne3A = arith.cmpi ne, %sign3A_6, %sign3A_13 : i32
    %rem3A = arith.remsi %add3A, %jit3A : i32
    %ne3A_14 = arith.constant 0 : i32
    %ne3A_15 = arith.cmpi ne, %rem3A, %ne3A_14 : i32
    %and3A = arith.andi %ne3A, %ne3A_15 : i1
    %sub3A = arith.constant 1 : i32
    %sub3A_16 = arith.subi %div3A, %sub3A : i32
    %select_n3A = arith.select %and3A, %sub3A_16, %div3A : i32
    %jit3A_17 = arith.constant 2 : i32
    %eq3A = arith.constant 0 : i32
    %eq3A_18 = arith.cmpi eq, %jit3A_17, %eq3A : i32
    %jit3A_19 = arith.constant 1 : i32
    %select_n3A_20 = arith.select %eq3A_18, %jit3A_19, %jit3A_17 : i32
    %rem3A_21 = arith.remsi %add3A, %select_n3A_20 : i32
    %ne3A_22 = arith.constant 0 : i32
    %ne3A_23 = arith.cmpi ne, %rem3A_21, %ne3A_22 : i32
    %lt3A = arith.constant 0 : i32
    %lt3A_24 = arith.cmpi slt, %rem3A_21, %lt3A : i32
    %lt3A_25 = arith.constant 0 : i32
    %lt3A_26 = arith.cmpi slt, %select_n3A_20, %lt3A_25 : i32
    %ne3A_27 = arith.xori %lt3A_24, %lt3A_26 : i1
    %and3A_28 = arith.andi %ne3A_27, %ne3A_23 : i1
    %add3A_29 = arith.addi %rem3A_21, %select_n3A_20 : i32
    %select_n3A_30 = arith.select %and3A_28, %add3A_29, %rem3A_21 : i32
    %mul3A_31 = arith.constant 1152 : i32
    %mul3A_32 = arith.muli %select_n3A, %mul3A_31 : i32
    %mul3A_33 = arith.constant 512 : i32
    %mul3A_34 = arith.muli %select_n3A_30, %mul3A_33 : i32
    %add3A_35 = arith.addi %mul3A_32, %mul3A_34 : i32
    %multiple_of3A = tpu.assume_multiple %add3A_35, 128 : i32
    tpu.enqueue_dma source(%arg2 : memref<2048xi32, #tpu.memory_space<hbm>>) target(%arg5 : memref<2048xi32, #tpu.memory_space<vmem>>) target_semaphore(%arg7 : memref<!tpu.dma_semaphore, #tpu.memory_space<semaphore_mem>>)
    %dma_start3A = arith.constant 0 : i32
    %dma_start3A_36 = tpu.memref_slice %arg3[%dma_start3A, %multiple_of3A] : memref<128x18432xf32, #tpu.memory_space<hbm>> -> memref<128x640xf32, #tpu.memory_space<hbm>>
    %dma_start3A_37 = arith.constant 0 : i32
    %dma_start3A_38 = tpu.memref_slice %arg3[%dma_start3A_37, %multiple_of3A] : memref<128x18432xf32, #tpu.memory_space<hbm>> -> memref<128x640xf32, #tpu.memory_space<hbm>>
    tpu.enqueue_dma source(%dma_start3A_38 : memref<128x640xf32, #tpu.memory_space<hbm>>) target(%arg6 : memref<128x640xf32, #tpu.memory_space<vmem>>) target_semaphore(%arg7 : memref<!tpu.dma_semaphore, #tpu.memory_space<semaphore_mem>>)
    tpu.wait_dma2 semaphore(%arg7 : memref<!tpu.dma_semaphore, #tpu.memory_space<semaphore_mem>>) src(%arg2 : memref<2048xi32, #tpu.memory_space<hbm>>) dst(%arg5 : memref<2048xi32, #tpu.memory_space<vmem>>)
    %dma_wait3A = arith.constant 0 : i32
    %dma_wait3A_39 = tpu.memref_slice %arg3[%dma_wait3A, %multiple_of3A] : memref<128x18432xf32, #tpu.memory_space<hbm>> -> memref<128x640xf32, #tpu.memory_space<hbm>>
    %dma_wait3A_40 = arith.constant 0 : i32
    %dma_wait3A_41 = tpu.memref_slice %arg3[%dma_wait3A_40, %multiple_of3A] : memref<128x18432xf32, #tpu.memory_space<hbm>> -> memref<128x640xf32, #tpu.memory_space<hbm>>
    tpu.wait_dma2 semaphore(%arg7 : memref<!tpu.dma_semaphore, #tpu.memory_space<semaphore_mem>>) src(%dma_wait3A_41 : memref<128x640xf32, #tpu.memory_space<hbm>>) dst(%arg6 : memref<128x640xf32, #tpu.memory_space<vmem>>)
    %eq3A_42 = arith.constant 0 : i32
    %eq3A_43 = arith.cmpi eq, %select_n3A_30, %eq3A_42 : i32
    %convert_element_type3A = arith.extui %eq3A_43 : i1 to i32
    %cond3A = arith.constant 0 : i32
    %cond3A_44 = arith.cmpi ne, %convert_element_type3A, %cond3A : i32
    scf.if %cond3A_44 {
      %mul3A_50 = arith.constant 1152 : i32
      %mul3A_51 = arith.muli %select_n3A, %mul3A_50 : i32
      %multiple_of3A_52 = tpu.assume_multiple %mul3A_51, 128 : i32
      %scan3A = arith.constant 0 : i32
      %scan3A_53 = arith.constant 0 : i32
      %scan3A_54 = arith.constant 64 : i32
      %scan3A_55 = arith.addi %scan3A_53, %scan3A_54 : i32
      %scan3A_56 = arith.constant 1 : i32
      scf.for %scan3A_107 = %scan3A_53 to %scan3A_55 step %scan3A_56  : i32 {
        %add3A_108 = arith.constant 0 : i32
        %add3A_109 = arith.addi %add3A_108, %scan3A_107 : i32
        %mul3A_110 = arith.constant 16 : i32
        %mul3A_111 = arith.muli %add3A_109, %mul3A_110 : i32
        %get3A = arith.index_cast %mul3A_111 : i32 to index
        %get3A_112 = tpu.vector_load %arg5[%get3A] {strides = array<i32>} : memref<2048xi32, #tpu.memory_space<vmem>>, vector<16xi32>,
        %get3A_113 = vector.shape_cast %get3A_112 : vector<16xi32> to vector<16xi32>
        %slice3A = vector.extract_strided_slice %get3A_113 {offsets = [0], sizes = [1], strides = [1]} : vector<16xi32> to vector<1xi32>
        %squeeze3A = vector.extract %slice3A[0] : i32 from vector<1xi32>
        %add3A_114 = arith.constant 0 : i32
        %add3A_115 = arith.addi %mul3A_111, %add3A_114 : i32
        %dma_start3A_116 = arith.constant 0 : i32
        %dma_start3A_117 = tpu.memref_slice %arg6[%squeeze3A, %dma_start3A_116] : memref<128x640xf32, #tpu.memory_space<vmem>> -> memref<1x640xf32, #tpu.memory_space<vmem>>
        %dma_start3A_118 = tpu.memref_squeeze %dma_start3A_117 : memref<1x640xf32, #tpu.memory_space<vmem>> -> memref<640xf32, #tpu.memory_space<vmem>>
        %dma_start3A_119 = tpu.memref_slice %arg4[%add3A_115, %multiple_of3A_52] : memref<2048x18432xf32, #tpu.memory_space<hbm>> -> memref<1x640xf32, #tpu.memory_space<hbm>>
        %dma_start3A_120 = tpu.memref_squeeze %dma_start3A_119 : memref<1x640xf32, #tpu.memory_space<hbm>> -> memref<640xf32, #tpu.memory_space<hbm>>
        %dma_start3A_121 = tpu.memref_slice %arg4[%add3A_115, %multiple_of3A_52] : memref<2048x18432xf32, #tpu.memory_space<hbm>> -> memref<1x640xf32, #tpu.memory_space<hbm>>
        %dma_start3A_122 = tpu.memref_squeeze %dma_start3A_121 : memref<1x640xf32, #tpu.memory_space<hbm>> -> memref<640xf32, #tpu.memory_space<hbm>>
        %dma_start3A_123 = arith.constant 0 : i32
        %dma_start3A_124 = tpu.memref_slice %arg6[%squeeze3A, %dma_start3A_123] : memref<128x640xf32, #tpu.memory_space<vmem>> -> memref<1x640xf32, #tpu.memory_space<vmem>>
        %dma_start3A_125 = tpu.memref_squeeze %dma_start3A_124 : memref<1x640xf32, #tpu.memory_space<vmem>> -> memref<640xf32, #tpu.memory_space<vmem>>
        tpu.enqueue_dma source(%dma_start3A_125 : memref<640xf32, #tpu.memory_space<vmem>>) target(%dma_start3A_122 : memref<640xf32, #tpu.memory_space<hbm>>) target_semaphore(%arg7 : memref<!tpu.dma_semaphore, #tpu.memory_space<semaphore_mem>>)
        %slice3A_126 = vector.extract_strided_slice %get3A_113 {offsets = [1], sizes = [1], strides = [1]} : vector<16xi32> to vector<1xi32>
        %squeeze3A_127 = vector.extract %slice3A_126[0] : i32 from vector<1xi32>
        %add3A_128 = arith.constant 1 : i32
        %add3A_129 = arith.addi %mul3A_111, %add3A_128 : i32
        %dma_start3A_130 = arith.constant 0 : i32
        %dma_start3A_131 = tpu.memref_slice %arg6[%squeeze3A_127, %dma_start3A_130] : memref<128x640xf32, #tpu.memory_space<vmem>> -> memref<1x640xf32, #tpu.memory_space<vmem>>
        %dma_start3A_132 = tpu.memref_squeeze %dma_start3A_131 : memref<1x640xf32, #tpu.memory_space<vmem>> -> memref<640xf32, #tpu.memory_space<vmem>>
        %dma_start3A_133 = tpu.memref_slice %arg4[%add3A_129, %multiple_of3A_52] : memref<2048x18432xf32, #tpu.memory_space<hbm>> -> memref<1x640xf32, #tpu.memory_space<hbm>>
        %dma_start3A_134 = tpu.memref_squeeze %dma_start3A_133 : memref<1x640xf32, #tpu.memory_space<hbm>> -> memref<640xf32, #tpu.memory_space<hbm>>
        %dma_start3A_135 = tpu.memref_slice %arg4[%add3A_129, %multiple_of3A_52] : memref<2048x18432xf32, #tpu.memory_space<hbm>> -> memref<1x640xf32, #tpu.memory_space<hbm>>
        %dma_start3A_136 = tpu.memref_squeeze %dma_start3A_135 : memref<1x640xf32, #tpu.memory_space<hbm>> -> memref<640xf32, #tpu.memory_space<hbm>>
        %dma_start3A_137 = arith.constant 0 : i32
        %dma_start3A_138 = tpu.memref_slice %arg6[%squeeze3A_127, %dma_start3A_137] : memref<128x640xf32, #tpu.memory_space<vmem>> -> memref<1x640xf32, #tpu.memory_space<vmem>>
        %dma_start3A_139 = tpu.memref_squeeze %dma_start3A_138 : memref<1x640xf32, #tpu.memory_space<vmem>> -> memref<640xf32, #tpu.memory_space<vmem>>
        tpu.enqueue_dma source(%dma_start3A_139 : memref<640xf32, #tpu.memory_space<vmem>>) target(%dma_start3A_136 : memref<640xf32, #tpu.memory_space<hbm>>) target_semaphore(%arg7 : memref<!tpu.dma_semaphore, #tpu.memory_space<semaphore_mem>>)
        %slice3A_140 = vector.extract_strided_slice %get3A_113 {offsets = [2], sizes = [1], strides = [1]} : vector<16xi32> to vector<1xi32>
        %squeeze3A_141 = vector.extract %slice3A_140[0] : i32 from vector<1xi32>
        %add3A_142 = arith.constant 2 : i32
        %add3A_143 = arith.addi %mul3A_111, %add3A_142 : i32
        %dma_start3A_144 = arith.constant 0 : i32
        %dma_start3A_145 = tpu.memref_slice %arg6[%squeeze3A_141, %dma_start3A_144] : memref<128x640xf32, #tpu.memory_space<vmem>> -> memref<1x640xf32, #tpu.memory_space<vmem>>
        %dma_start3A_146 = tpu.memref_squeeze %dma_start3A_145 : memref<1x640xf32, #tpu.memory_space<vmem>> -> memref<640xf32, #tpu.memory_space<vmem>>
        %dma_start3A_147 = tpu.memref_slice %arg4[%add3A_143, %multiple_of3A_52] : memref<2048x18432xf32, #tpu.memory_space<hbm>> -> memref<1x640xf32, #tpu.memory_space<hbm>>
        %dma_start3A_148 = tpu.memref_squeeze %dma_start3A_147 : memref<1x640xf32, #tpu.memory_space<hbm>> -> memref<640xf32, #tpu.memory_space<hbm>>
        %dma_start3A_149 = tpu.memref_slice %arg4[%add3A_143, %multiple_of3A_52] : memref<2048x18432xf32, #tpu.memory_space<hbm>> -> memref<1x640xf32, #tpu.memory_space<hbm>>
        %dma_start3A_150 = tpu.memref_squeeze %dma_start3A_149 : memref<1x640xf32, #tpu.memory_space<hbm>> -> memref<640xf32, #tpu.memory_space<hbm>>
        %dma_start3A_151 = arith.constant 0 : i32
        %dma_start3A_152 = tpu.memref_slice %arg6[%squeeze3A_141, %dma_start3A_151] : memref<128x640xf32, #tpu.memory_space<vmem>> -> memref<1x640xf32, #tpu.memory_space<vmem>>
        %dma_start3A_153 = tpu.memref_squeeze %dma_start3A_152 : memref<1x640xf32, #tpu.memory_space<vmem>> -> memref<640xf32, #tpu.memory_space<vmem>>
        tpu.enqueue_dma source(%dma_start3A_153 : memref<640xf32, #tpu.memory_space<vmem>>) target(%dma_start3A_150 : memref<640xf32, #tpu.memory_space<hbm>>) target_semaphore(%arg7 : memref<!tpu.dma_semaphore, #tpu.memory_space<semaphore_mem>>)
        %slice3A_154 = vector.extract_strided_slice %get3A_113 {offsets = [3], sizes = [1], strides = [1]} : vector<16xi32> to vector<1xi32>
        %squeeze3A_155 = vector.extract %slice3A_154[0] : i32 from vector<1xi32>
        %add3A_156 = arith.constant 3 : i32
        %add3A_157 = arith.addi %mul3A_111, %add3A_156 : i32
        %dma_start3A_158 = arith.constant 0 : i32
        %dma_start3A_159 = tpu.memref_slice %arg6[%squeeze3A_155, %dma_start3A_158] : memref<128x640xf32, #tpu.memory_space<vmem>> -> memref<1x640xf32, #tpu.memory_space<vmem>>
        %dma_start3A_160 = tpu.memref_squeeze %dma_start3A_159 : memref<1x640xf32, #tpu.memory_space<vmem>> -> memref<640xf32, #tpu.memory_space<vmem>>
        %dma_start3A_161 = tpu.memref_slice %arg4[%add3A_157, %multiple_of3A_52] : memref<2048x18432xf32, #tpu.memory_space<hbm>> -> memref<1x640xf32, #tpu.memory_space<hbm>>
        %dma_start3A_162 = tpu.memref_squeeze %dma_start3A_161 : memref<1x640xf32, #tpu.memory_space<hbm>> -> memref<640xf32, #tpu.memory_space<hbm>>
        %dma_start3A_163 = tpu.memref_slice %arg4[%add3A_157, %multiple_of3A_52] : memref<2048x18432xf32, #tpu.memory_space<hbm>> -> memref<1x640xf32, #tpu.memory_space<hbm>>
        %dma_start3A_164 = tpu.memref_squeeze %dma_start3A_163 : memref<1x640xf32, #tpu.memory_space<hbm>> -> memref<640xf32, #tpu.memory_space<hbm>>
        %dma_start3A_165 = arith.constant 0 : i32
        %dma_start3A_166 = tpu.memref_slice %arg6[%squeeze3A_155, %dma_start3A_165] : memref<128x640xf32, #tpu.memory_space<vmem>> -> memref<1x640xf32, #tpu.memory_space<vmem>>
        %dma_start3A_167 = tpu.memref_squeeze %dma_start3A_166 : memref<1x640xf32, #tpu.memory_space<vmem>> -> memref<640xf32, #tpu.memory_space<vmem>>
        tpu.enqueue_dma source(%dma_start3A_167 : memref<640xf32, #tpu.memory_space<vmem>>) target(%dma_start3A_164 : memref<640xf32, #tpu.memory_space<hbm>>) target_semaphore(%arg7 : memref<!tpu.dma_semaphore, #tpu.memory_space<semaphore_mem>>)
        %slice3A_168 = vector.extract_strided_slice %get3A_113 {offsets = [4], sizes = [1], strides = [1]} : vector<16xi32> to vector<1xi32>
        %squeeze3A_169 = vector.extract %slice3A_168[0] : i32 from vector<1xi32>
        %add3A_170 = arith.constant 4 : i32
        %add3A_171 = arith.addi %mul3A_111, %add3A_170 : i32
        %dma_start3A_172 = arith.constant 0 : i32
        %dma_start3A_173 = tpu.memref_slice %arg6[%squeeze3A_169, %dma_start3A_172] : memref<128x640xf32, #tpu.memory_space<vmem>> -> memref<1x640xf32, #tpu.memory_space<vmem>>
        %dma_start3A_174 = tpu.memref_squeeze %dma_start3A_173 : memref<1x640xf32, #tpu.memory_space<vmem>> -> memref<640xf32, #tpu.memory_space<vmem>>
        %dma_start3A_175 = tpu.memref_slice %arg4[%add3A_171, %multiple_of3A_52] : memref<2048x18432xf32, #tpu.memory_space<hbm>> -> memref<1x640xf32, #tpu.memory_space<hbm>>
        %dma_start3A_176 = tpu.memref_squeeze %dma_start3A_175 : memref<1x640xf32, #tpu.memory_space<hbm>> -> memref<640xf32, #tpu.memory_space<hbm>>
        %dma_start3A_177 = tpu.memref_slice %arg4[%add3A_171, %multiple_of3A_52] : memref<2048x18432xf32, #tpu.memory_space<hbm>> -> memref<1x640xf32, #tpu.memory_space<hbm>>
        %dma_start3A_178 = tpu.memref_squeeze %dma_start3A_177 : memref<1x640xf32, #tpu.memory_space<hbm>> -> memref<640xf32, #tpu.memory_space<hbm>>
        %dma_start3A_179 = arith.constant 0 : i32
        %dma_start3A_180 = tpu.memref_slice %arg6[%squeeze3A_169, %dma_start3A_179] : memref<128x640xf32, #tpu.memory_space<vmem>> -> memref<1x640xf32, #tpu.memory_space<vmem>>
        %dma_start3A_181 = tpu.memref_squeeze %dma_start3A_180 : memref<1x640xf32, #tpu.memory_space<vmem>> -> memref<640xf32, #tpu.memory_space<vmem>>
        tpu.enqueue_dma source(%dma_start3A_181 : memref<640xf32, #tpu.memory_space<vmem>>) target(%dma_start3A_178 : memref<640xf32, #tpu.memory_space<hbm>>) target_semaphore(%arg7 : memref<!tpu.dma_semaphore, #tpu.memory_space<semaphore_mem>>)
        %slice3A_182 = vector.extract_strided_slice %get3A_113 {offsets = [5], sizes = [1], strides = [1]} : vector<16xi32> to vector<1xi32>
        %squeeze3A_183 = vector.extract %slice3A_182[0] : i32 from vector<1xi32>
        %add3A_184 = arith.constant 5 : i32
        %add3A_185 = arith.addi %mul3A_111, %add3A_184 : i32
        %dma_start3A_186 = arith.constant 0 : i32
        %dma_start3A_187 = tpu.memref_slice %arg6[%squeeze3A_183, %dma_start3A_186] : memref<128x640xf32, #tpu.memory_space<vmem>> -> memref<1x640xf32, #tpu.memory_space<vmem>>
        %dma_start3A_188 = tpu.memref_squeeze %dma_start3A_187 : memref<1x640xf32, #tpu.memory_space<vmem>> -> memref<640xf32, #tpu.memory_space<vmem>>
        %dma_start3A_189 = tpu.memref_slice %arg4[%add3A_185, %multiple_of3A_52] : memref<2048x18432xf32, #tpu.memory_space<hbm>> -> memref<1x640xf32, #tpu.memory_space<hbm>>
        %dma_start3A_190 = tpu.memref_squeeze %dma_start3A_189 : memref<1x640xf32, #tpu.memory_space<hbm>> -> memref<640xf32, #tpu.memory_space<hbm>>
        %dma_start3A_191 = tpu.memref_slice %arg4[%add3A_185, %multiple_of3A_52] : memref<2048x18432xf32, #tpu.memory_space<hbm>> -> memref<1x640xf32, #tpu.memory_space<hbm>>
        %dma_start3A_192 = tpu.memref_squeeze %dma_start3A_191 : memref<1x640xf32, #tpu.memory_space<hbm>> -> memref<640xf32, #tpu.memory_space<hbm>>
        %dma_start3A_193 = arith.constant 0 : i32
        %dma_start3A_194 = tpu.memref_slice %arg6[%squeeze3A_183, %dma_start3A_193] : memref<128x640xf32, #tpu.memory_space<vmem>> -> memref<1x640xf32, #tpu.memory_space<vmem>>
        %dma_start3A_195 = tpu.memref_squeeze %dma_start3A_194 : memref<1x640xf32, #tpu.memory_space<vmem>> -> memref<640xf32, #tpu.memory_space<vmem>>
        tpu.enqueue_dma source(%dma_start3A_195 : memref<640xf32, #tpu.memory_space<vmem>>) target(%dma_start3A_192 : memref<640xf32, #tpu.memory_space<hbm>>) target_semaphore(%arg7 : memref<!tpu.dma_semaphore, #tpu.memory_space<semaphore_mem>>)
        %slice3A_196 = vector.extract_strided_slice %get3A_113 {offsets = [6], sizes = [1], strides = [1]} : vector<16xi32> to vector<1xi32>
        %squeeze3A_197 = vector.extract %slice3A_196[0] : i32 from vector<1xi32>
        %add3A_198 = arith.constant 6 : i32
        %add3A_199 = arith.addi %mul3A_111, %add3A_198 : i32
        %dma_start3A_200 = arith.constant 0 : i32
        %dma_start3A_201 = tpu.memref_slice %arg6[%squeeze3A_197, %dma_start3A_200] : memref<128x640xf32, #tpu.memory_space<vmem>> -> memref<1x640xf32, #tpu.memory_space<vmem>>
        %dma_start3A_202 = tpu.memref_squeeze %dma_start3A_201 : memref<1x640xf32, #tpu.memory_space<vmem>> -> memref<640xf32, #tpu.memory_space<vmem>>
        %dma_start3A_203 = tpu.memref_slice %arg4[%add3A_199, %multiple_of3A_52] : memref<2048x18432xf32, #tpu.memory_space<hbm>> -> memref<1x640xf32, #tpu.memory_space<hbm>>
        %dma_start3A_204 = tpu.memref_squeeze %dma_start3A_203 : memref<1x640xf32, #tpu.memory_space<hbm>> -> memref<640xf32, #tpu.memory_space<hbm>>
        %dma_start3A_205 = tpu.memref_slice %arg4[%add3A_199, %multiple_of3A_52] : memref<2048x18432xf32, #tpu.memory_space<hbm>> -> memref<1x640xf32, #tpu.memory_space<hbm>>
        %dma_start3A_206 = tpu.memref_squeeze %dma_start3A_205 : memref<1x640xf32, #tpu.memory_space<hbm>> -> memref<640xf32, #tpu.memory_space<hbm>>
        %dma_start3A_207 = arith.constant 0 : i32
        %dma_start3A_208 = tpu.memref_slice %arg6[%squeeze3A_197, %dma_start3A_207] : memref<128x640xf32, #tpu.memory_space<vmem>> -> memref<1x640xf32, #tpu.memory_space<vmem>>
        %dma_start3A_209 = tpu.memref_squeeze %dma_start3A_208 : memref<1x640xf32, #tpu.memory_space<vmem>> -> memref<640xf32, #tpu.memory_space<vmem>>
        tpu.enqueue_dma source(%dma_start3A_209 : memref<640xf32, #tpu.memory_space<vmem>>) target(%dma_start3A_206 : memref<640xf32, #tpu.memory_space<hbm>>) target_semaphore(%arg7 : memref<!tpu.dma_semaphore, #tpu.memory_space<semaphore_mem>>)
        %slice3A_210 = vector.extract_strided_slice %get3A_113 {offsets = [7], sizes = [1], strides = [1]} : vector<16xi32> to vector<1xi32>
        %squeeze3A_211 = vector.extract %slice3A_210[0] : i32 from vector<1xi32>
        %add3A_212 = arith.constant 7 : i32
        %add3A_213 = arith.addi %mul3A_111, %add3A_212 : i32
        %dma_start3A_214 = arith.constant 0 : i32
        %dma_start3A_215 = tpu.memref_slice %arg6[%squeeze3A_211, %dma_start3A_214] : memref<128x640xf32, #tpu.memory_space<vmem>> -> memref<1x640xf32, #tpu.memory_space<vmem>>
        %dma_start3A_216 = tpu.memref_squeeze %dma_start3A_215 : memref<1x640xf32, #tpu.memory_space<vmem>> -> memref<640xf32, #tpu.memory_space<vmem>>
        %dma_start3A_217 = tpu.memref_slice %arg4[%add3A_213, %multiple_of3A_52] : memref<2048x18432xf32, #tpu.memory_space<hbm>> -> memref<1x640xf32, #tpu.memory_space<hbm>>
        %dma_start3A_218 = tpu.memref_squeeze %dma_start3A_217 : memref<1x640xf32, #tpu.memory_space<hbm>> -> memref<640xf32, #tpu.memory_space<hbm>>
        %dma_start3A_219 = tpu.memref_slice %arg4[%add3A_213, %multiple_of3A_52] : memref<2048x18432xf32, #tpu.memory_space<hbm>> -> memref<1x640xf32, #tpu.memory_space<hbm>>
        %dma_start3A_220 = tpu.memref_squeeze %dma_start3A_219 : memref<1x640xf32, #tpu.memory_space<hbm>> -> memref<640xf32, #tpu.memory_space<hbm>>
        %dma_start3A_221 = arith.constant 0 : i32
        %dma_start3A_222 = tpu.memref_slice %arg6[%squeeze3A_211, %dma_start3A_221] : memref<128x640xf32, #tpu.memory_space<vmem>> -> memref<1x640xf32, #tpu.memory_space<vmem>>
        %dma_start3A_223 = tpu.memref_squeeze %dma_start3A_222 : memref<1x640xf32, #tpu.memory_space<vmem>> -> memref<640xf32, #tpu.memory_space<vmem>>
        tpu.enqueue_dma source(%dma_start3A_223 : memref<640xf32, #tpu.memory_space<vmem>>) target(%dma_start3A_220 : memref<640xf32, #tpu.memory_space<hbm>>) target_semaphore(%arg7 : memref<!tpu.dma_semaphore, #tpu.memory_space<semaphore_mem>>)
        %slice3A_224 = vector.extract_strided_slice %get3A_113 {offsets = [8], sizes = [1], strides = [1]} : vector<16xi32> to vector<1xi32>
        %squeeze3A_225 = vector.extract %slice3A_224[0] : i32 from vector<1xi32>
        %add3A_226 = arith.constant 8 : i32
        %add3A_227 = arith.addi %mul3A_111, %add3A_226 : i32
        %dma_start3A_228 = arith.constant 0 : i32
        %dma_start3A_229 = tpu.memref_slice %arg6[%squeeze3A_225, %dma_start3A_228] : memref<128x640xf32, #tpu.memory_space<vmem>> -> memref<1x640xf32, #tpu.memory_space<vmem>>
        %dma_start3A_230 = tpu.memref_squeeze %dma_start3A_229 : memref<1x640xf32, #tpu.memory_space<vmem>> -> memref<640xf32, #tpu.memory_space<vmem>>
        %dma_start3A_231 = tpu.memref_slice %arg4[%add3A_227, %multiple_of3A_52] : memref<2048x18432xf32, #tpu.memory_space<hbm>> -> memref<1x640xf32, #tpu.memory_space<hbm>>
        %dma_start3A_232 = tpu.memref_squeeze %dma_start3A_231 : memref<1x640xf32, #tpu.memory_space<hbm>> -> memref<640xf32, #tpu.memory_space<hbm>>
        %dma_start3A_233 = tpu.memref_slice %arg4[%add3A_227, %multiple_of3A_52] : memref<2048x18432xf32, #tpu.memory_space<hbm>> -> memref<1x640xf32, #tpu.memory_space<hbm>>
        %dma_start3A_234 = tpu.memref_squeeze %dma_start3A_233 : memref<1x640xf32, #tpu.memory_space<hbm>> -> memref<640xf32, #tpu.memory_space<hbm>>
        %dma_start3A_235 = arith.constant 0 : i32
        %dma_start3A_236 = tpu.memref_slice %arg6[%squeeze3A_225, %dma_start3A_235] : memref<128x640xf32, #tpu.memory_space<vmem>> -> memref<1x640xf32, #tpu.memory_space<vmem>>
        %dma_start3A_237 = tpu.memref_squeeze %dma_start3A_236 : memref<1x640xf32, #tpu.memory_space<vmem>> -> memref<640xf32, #tpu.memory_space<vmem>>
        tpu.enqueue_dma source(%dma_start3A_237 : memref<640xf32, #tpu.memory_space<vmem>>) target(%dma_start3A_234 : memref<640xf32, #tpu.memory_space<hbm>>) target_semaphore(%arg7 : memref<!tpu.dma_semaphore, #tpu.memory_space<semaphore_mem>>)
        %slice3A_238 = vector.extract_strided_slice %get3A_113 {offsets = [9], sizes = [1], strides = [1]} : vector<16xi32> to vector<1xi32>
        %squeeze3A_239 = vector.extract %slice3A_238[0] : i32 from vector<1xi32>
        %add3A_240 = arith.constant 9 : i32
        %add3A_241 = arith.addi %mul3A_111, %add3A_240 : i32
        %dma_start3A_242 = arith.constant 0 : i32
        %dma_start3A_243 = tpu.memref_slice %arg6[%squeeze3A_239, %dma_start3A_242] : memref<128x640xf32, #tpu.memory_space<vmem>> -> memref<1x640xf32, #tpu.memory_space<vmem>>
        %dma_start3A_244 = tpu.memref_squeeze %dma_start3A_243 : memref<1x640xf32, #tpu.memory_space<vmem>> -> memref<640xf32, #tpu.memory_space<vmem>>
        %dma_start3A_245 = tpu.memref_slice %arg4[%add3A_241, %multiple_of3A_52] : memref<2048x18432xf32, #tpu.memory_space<hbm>> -> memref<1x640xf32, #tpu.memory_space<hbm>>
        %dma_start3A_246 = tpu.memref_squeeze %dma_start3A_245 : memref<1x640xf32, #tpu.memory_space<hbm>> -> memref<640xf32, #tpu.memory_space<hbm>>
        %dma_start3A_247 = tpu.memref_slice %arg4[%add3A_241, %multiple_of3A_52] : memref<2048x18432xf32, #tpu.memory_space<hbm>> -> memref<1x640xf32, #tpu.memory_space<hbm>>
        %dma_start3A_248 = tpu.memref_squeeze %dma_start3A_247 : memref<1x640xf32, #tpu.memory_space<hbm>> -> memref<640xf32, #tpu.memory_space<hbm>>
        %dma_start3A_249 = arith.constant 0 : i32
        %dma_start3A_250 = tpu.memref_slice %arg6[%squeeze3A_239, %dma_start3A_249] : memref<128x640xf32, #tpu.memory_space<vmem>> -> memref<1x640xf32, #tpu.memory_space<vmem>>
        %dma_start3A_251 = tpu.memref_squeeze %dma_start3A_250 : memref<1x640xf32, #tpu.memory_space<vmem>> -> memref<640xf32, #tpu.memory_space<vmem>>
        tpu.enqueue_dma source(%dma_start3A_251 : memref<640xf32, #tpu.memory_space<vmem>>) target(%dma_start3A_248 : memref<640xf32, #tpu.memory_space<hbm>>) target_semaphore(%arg7 : memref<!tpu.dma_semaphore, #tpu.memory_space<semaphore_mem>>)
        %slice3A_252 = vector.extract_strided_slice %get3A_113 {offsets = [10], sizes = [1], strides = [1]} : vector<16xi32> to vector<1xi32>
        %squeeze3A_253 = vector.extract %slice3A_252[0] : i32 from vector<1xi32>
        %add3A_254 = arith.constant 10 : i32
        %add3A_255 = arith.addi %mul3A_111, %add3A_254 : i32
        %dma_start3A_256 = arith.constant 0 : i32
        %dma_start3A_257 = tpu.memref_slice %arg6[%squeeze3A_253, %dma_start3A_256] : memref<128x640xf32, #tpu.memory_space<vmem>> -> memref<1x640xf32, #tpu.memory_space<vmem>>
        %dma_start3A_258 = tpu.memref_squeeze %dma_start3A_257 : memref<1x640xf32, #tpu.memory_space<vmem>> -> memref<640xf32, #tpu.memory_space<vmem>>
        %dma_start3A_259 = tpu.memref_slice %arg4[%add3A_255, %multiple_of3A_52] : memref<2048x18432xf32, #tpu.memory_space<hbm>> -> memref<1x640xf32, #tpu.memory_space<hbm>>
        %dma_start3A_260 = tpu.memref_squeeze %dma_start3A_259 : memref<1x640xf32, #tpu.memory_space<hbm>> -> memref<640xf32, #tpu.memory_space<hbm>>
        %dma_start3A_261 = tpu.memref_slice %arg4[%add3A_255, %multiple_of3A_52] : memref<2048x18432xf32, #tpu.memory_space<hbm>> -> memref<1x640xf32, #tpu.memory_space<hbm>>
        %dma_start3A_262 = tpu.memref_squeeze %dma_start3A_261 : memref<1x640xf32, #tpu.memory_space<hbm>> -> memref<640xf32, #tpu.memory_space<hbm>>
        %dma_start3A_263 = arith.constant 0 : i32
        %dma_start3A_264 = tpu.memref_slice %arg6[%squeeze3A_253, %dma_start3A_263] : memref<128x640xf32, #tpu.memory_space<vmem>> -> memref<1x640xf32, #tpu.memory_space<vmem>>
        %dma_start3A_265 = tpu.memref_squeeze %dma_start3A_264 : memref<1x640xf32, #tpu.memory_space<vmem>> -> memref<640xf32, #tpu.memory_space<vmem>>
        tpu.enqueue_dma source(%dma_start3A_265 : memref<640xf32, #tpu.memory_space<vmem>>) target(%dma_start3A_262 : memref<640xf32, #tpu.memory_space<hbm>>) target_semaphore(%arg7 : memref<!tpu.dma_semaphore, #tpu.memory_space<semaphore_mem>>)
        %slice3A_266 = vector.extract_strided_slice %get3A_113 {offsets = [11], sizes = [1], strides = [1]} : vector<16xi32> to vector<1xi32>
        %squeeze3A_267 = vector.extract %slice3A_266[0] : i32 from vector<1xi32>
        %add3A_268 = arith.constant 11 : i32
        %add3A_269 = arith.addi %mul3A_111, %add3A_268 : i32
        %dma_start3A_270 = arith.constant 0 : i32
        %dma_start3A_271 = tpu.memref_slice %arg6[%squeeze3A_267, %dma_start3A_270] : memref<128x640xf32, #tpu.memory_space<vmem>> -> memref<1x640xf32, #tpu.memory_space<vmem>>
        %dma_start3A_272 = tpu.memref_squeeze %dma_start3A_271 : memref<1x640xf32, #tpu.memory_space<vmem>> -> memref<640xf32, #tpu.memory_space<vmem>>
        %dma_start3A_273 = tpu.memref_slice %arg4[%add3A_269, %multiple_of3A_52] : memref<2048x18432xf32, #tpu.memory_space<hbm>> -> memref<1x640xf32, #tpu.memory_space<hbm>>
        %dma_start3A_274 = tpu.memref_squeeze %dma_start3A_273 : memref<1x640xf32, #tpu.memory_space<hbm>> -> memref<640xf32, #tpu.memory_space<hbm>>
        %dma_start3A_275 = tpu.memref_slice %arg4[%add3A_269, %multiple_of3A_52] : memref<2048x18432xf32, #tpu.memory_space<hbm>> -> memref<1x640xf32, #tpu.memory_space<hbm>>
        %dma_start3A_276 = tpu.memref_squeeze %dma_start3A_275 : memref<1x640xf32, #tpu.memory_space<hbm>> -> memref<640xf32, #tpu.memory_space<hbm>>
        %dma_start3A_277 = arith.constant 0 : i32
        %dma_start3A_278 = tpu.memref_slice %arg6[%squeeze3A_267, %dma_start3A_277] : memref<128x640xf32, #tpu.memory_space<vmem>> -> memref<1x640xf32, #tpu.memory_space<vmem>>
        %dma_start3A_279 = tpu.memref_squeeze %dma_start3A_278 : memref<1x640xf32, #tpu.memory_space<vmem>> -> memref<640xf32, #tpu.memory_space<vmem>>
        tpu.enqueue_dma source(%dma_start3A_279 : memref<640xf32, #tpu.memory_space<vmem>>) target(%dma_start3A_276 : memref<640xf32, #tpu.memory_space<hbm>>) target_semaphore(%arg7 : memref<!tpu.dma_semaphore, #tpu.memory_space<semaphore_mem>>)
        %slice3A_280 = vector.extract_strided_slice %get3A_113 {offsets = [12], sizes = [1], strides = [1]} : vector<16xi32> to vector<1xi32>
        %squeeze3A_281 = vector.extract %slice3A_280[0] : i32 from vector<1xi32>
        %add3A_282 = arith.constant 12 : i32
        %add3A_283 = arith.addi %mul3A_111, %add3A_282 : i32
        %dma_start3A_284 = arith.constant 0 : i32
        %dma_start3A_285 = tpu.memref_slice %arg6[%squeeze3A_281, %dma_start3A_284] : memref<128x640xf32, #tpu.memory_space<vmem>> -> memref<1x640xf32, #tpu.memory_space<vmem>>
        %dma_start3A_286 = tpu.memref_squeeze %dma_start3A_285 : memref<1x640xf32, #tpu.memory_space<vmem>> -> memref<640xf32, #tpu.memory_space<vmem>>
        %dma_start3A_287 = tpu.memref_slice %arg4[%add3A_283, %multiple_of3A_52] : memref<2048x18432xf32, #tpu.memory_space<hbm>> -> memref<1x640xf32, #tpu.memory_space<hbm>>
        %dma_start3A_288 = tpu.memref_squeeze %dma_start3A_287 : memref<1x640xf32, #tpu.memory_space<hbm>> -> memref<640xf32, #tpu.memory_space<hbm>>
        %dma_start3A_289 = tpu.memref_slice %arg4[%add3A_283, %multiple_of3A_52] : memref<2048x18432xf32, #tpu.memory_space<hbm>> -> memref<1x640xf32, #tpu.memory_space<hbm>>
        %dma_start3A_290 = tpu.memref_squeeze %dma_start3A_289 : memref<1x640xf32, #tpu.memory_space<hbm>> -> memref<640xf32, #tpu.memory_space<hbm>>
        %dma_start3A_291 = arith.constant 0 : i32
        %dma_start3A_292 = tpu.memref_slice %arg6[%squeeze3A_281, %dma_start3A_291] : memref<128x640xf32, #tpu.memory_space<vmem>> -> memref<1x640xf32, #tpu.memory_space<vmem>>
        %dma_start3A_293 = tpu.memref_squeeze %dma_start3A_292 : memref<1x640xf32, #tpu.memory_space<vmem>> -> memref<640xf32, #tpu.memory_space<vmem>>
        tpu.enqueue_dma source(%dma_start3A_293 : memref<640xf32, #tpu.memory_space<vmem>>) target(%dma_start3A_290 : memref<640xf32, #tpu.memory_space<hbm>>) target_semaphore(%arg7 : memref<!tpu.dma_semaphore, #tpu.memory_space<semaphore_mem>>)
        %slice3A_294 = vector.extract_strided_slice %get3A_113 {offsets = [13], sizes = [1], strides = [1]} : vector<16xi32> to vector<1xi32>
        %squeeze3A_295 = vector.extract %slice3A_294[0] : i32 from vector<1xi32>
        %add3A_296 = arith.constant 13 : i32
        %add3A_297 = arith.addi %mul3A_111, %add3A_296 : i32
        %dma_start3A_298 = arith.constant 0 : i32
        %dma_start3A_299 = tpu.memref_slice %arg6[%squeeze3A_295, %dma_start3A_298] : memref<128x640xf32, #tpu.memory_space<vmem>> -> memref<1x640xf32, #tpu.memory_space<vmem>>
        %dma_start3A_300 = tpu.memref_squeeze %dma_start3A_299 : memref<1x640xf32, #tpu.memory_space<vmem>> -> memref<640xf32, #tpu.memory_space<vmem>>
        %dma_start3A_301 = tpu.memref_slice %arg4[%add3A_297, %multiple_of3A_52] : memref<2048x18432xf32, #tpu.memory_space<hbm>> -> memref<1x640xf32, #tpu.memory_space<hbm>>
        %dma_start3A_302 = tpu.memref_squeeze %dma_start3A_301 : memref<1x640xf32, #tpu.memory_space<hbm>> -> memref<640xf32, #tpu.memory_space<hbm>>
        %dma_start3A_303 = tpu.memref_slice %arg4[%add3A_297, %multiple_of3A_52] : memref<2048x18432xf32, #tpu.memory_space<hbm>> -> memref<1x640xf32, #tpu.memory_space<hbm>>
        %dma_start3A_304 = tpu.memref_squeeze %dma_start3A_303 : memref<1x640xf32, #tpu.memory_space<hbm>> -> memref<640xf32, #tpu.memory_space<hbm>>
        %dma_start3A_305 = arith.constant 0 : i32
        %dma_start3A_306 = tpu.memref_slice %arg6[%squeeze3A_295, %dma_start3A_305] : memref<128x640xf32, #tpu.memory_space<vmem>> -> memref<1x640xf32, #tpu.memory_space<vmem>>
        %dma_start3A_307 = tpu.memref_squeeze %dma_start3A_306 : memref<1x640xf32, #tpu.memory_space<vmem>> -> memref<640xf32, #tpu.memory_space<vmem>>
        tpu.enqueue_dma source(%dma_start3A_307 : memref<640xf32, #tpu.memory_space<vmem>>) target(%dma_start3A_304 : memref<640xf32, #tpu.memory_space<hbm>>) target_semaphore(%arg7 : memref<!tpu.dma_semaphore, #tpu.memory_space<semaphore_mem>>)
        %slice3A_308 = vector.extract_strided_slice %get3A_113 {offsets = [14], sizes = [1], strides = [1]} : vector<16xi32> to vector<1xi32>
        %squeeze3A_309 = vector.extract %slice3A_308[0] : i32 from vector<1xi32>
        %add3A_310 = arith.constant 14 : i32
        %add3A_311 = arith.addi %mul3A_111, %add3A_310 : i32
        %dma_start3A_312 = arith.constant 0 : i32
        %dma_start3A_313 = tpu.memref_slice %arg6[%squeeze3A_309, %dma_start3A_312] : memref<128x640xf32, #tpu.memory_space<vmem>> -> memref<1x640xf32, #tpu.memory_space<vmem>>
        %dma_start3A_314 = tpu.memref_squeeze %dma_start3A_313 : memref<1x640xf32, #tpu.memory_space<vmem>> -> memref<640xf32, #tpu.memory_space<vmem>>
        %dma_start3A_315 = tpu.memref_slice %arg4[%add3A_311, %multiple_of3A_52] : memref<2048x18432xf32, #tpu.memory_space<hbm>> -> memref<1x640xf32, #tpu.memory_space<hbm>>
        %dma_start3A_316 = tpu.memref_squeeze %dma_start3A_315 : memref<1x640xf32, #tpu.memory_space<hbm>> -> memref<640xf32, #tpu.memory_space<hbm>>
        %dma_start3A_317 = tpu.memref_slice %arg4[%add3A_311, %multiple_of3A_52] : memref<2048x18432xf32, #tpu.memory_space<hbm>> -> memref<1x640xf32, #tpu.memory_space<hbm>>
        %dma_start3A_318 = tpu.memref_squeeze %dma_start3A_317 : memref<1x640xf32, #tpu.memory_space<hbm>> -> memref<640xf32, #tpu.memory_space<hbm>>
        %dma_start3A_319 = arith.constant 0 : i32
        %dma_start3A_320 = tpu.memref_slice %arg6[%squeeze3A_309, %dma_start3A_319] : memref<128x640xf32, #tpu.memory_space<vmem>> -> memref<1x640xf32, #tpu.memory_space<vmem>>
        %dma_start3A_321 = tpu.memref_squeeze %dma_start3A_320 : memref<1x640xf32, #tpu.memory_space<vmem>> -> memref<640xf32, #tpu.memory_space<vmem>>
        tpu.enqueue_dma source(%dma_start3A_321 : memref<640xf32, #tpu.memory_space<vmem>>) target(%dma_start3A_318 : memref<640xf32, #tpu.memory_space<hbm>>) target_semaphore(%arg7 : memref<!tpu.dma_semaphore, #tpu.memory_space<semaphore_mem>>)
        %slice3A_322 = vector.extract_strided_slice %get3A_113 {offsets = [15], sizes = [1], strides = [1]} : vector<16xi32> to vector<1xi32>
        %squeeze3A_323 = vector.extract %slice3A_322[0] : i32 from vector<1xi32>
        %add3A_324 = arith.constant 15 : i32
        %add3A_325 = arith.addi %mul3A_111, %add3A_324 : i32
        %dma_start3A_326 = arith.constant 0 : i32
        %dma_start3A_327 = tpu.memref_slice %arg6[%squeeze3A_323, %dma_start3A_326] : memref<128x640xf32, #tpu.memory_space<vmem>> -> memref<1x640xf32, #tpu.memory_space<vmem>>
        %dma_start3A_328 = tpu.memref_squeeze %dma_start3A_327 : memref<1x640xf32, #tpu.memory_space<vmem>> -> memref<640xf32, #tpu.memory_space<vmem>>
        %dma_start3A_329 = tpu.memref_slice %arg4[%add3A_325, %multiple_of3A_52] : memref<2048x18432xf32, #tpu.memory_space<hbm>> -> memref<1x640xf32, #tpu.memory_space<hbm>>
        %dma_start3A_330 = tpu.memref_squeeze %dma_start3A_329 : memref<1x640xf32, #tpu.memory_space<hbm>> -> memref<640xf32, #tpu.memory_space<hbm>>
        %dma_start3A_331 = tpu.memref_slice %arg4[%add3A_325, %multiple_of3A_52] : memref<2048x18432xf32, #tpu.memory_space<hbm>> -> memref<1x640xf32, #tpu.memory_space<hbm>>
        %dma_start3A_332 = tpu.memref_squeeze %dma_start3A_331 : memref<1x640xf32, #tpu.memory_space<hbm>> -> memref<640xf32, #tpu.memory_space<hbm>>
        %dma_start3A_333 = arith.constant 0 : i32
        %dma_start3A_334 = tpu.memref_slice %arg6[%squeeze3A_323, %dma_start3A_333] : memref<128x640xf32, #tpu.memory_space<vmem>> -> memref<1x640xf32, #tpu.memory_space<vmem>>
        %dma_start3A_335 = tpu.memref_squeeze %dma_start3A_334 : memref<1x640xf32, #tpu.memory_space<vmem>> -> memref<640xf32, #tpu.memory_space<vmem>>
        tpu.enqueue_dma source(%dma_start3A_335 : memref<640xf32, #tpu.memory_space<vmem>>) target(%dma_start3A_332 : memref<640xf32, #tpu.memory_space<hbm>>) target_semaphore(%arg7 : memref<!tpu.dma_semaphore, #tpu.memory_space<semaphore_mem>>)
        %gt3A = arith.constant 1 : i32
        %gt3A_336 = arith.cmpi sgt, %scan3A_107, %gt3A : i32
        %convert_element_type3A_337 = arith.extui %gt3A_336 : i1 to i32
        %cond3A_338 = arith.constant 0 : i32
        %cond3A_339 = arith.cmpi ne, %convert_element_type3A_337, %cond3A_338 : i32
        scf.if %cond3A_339 {
          %dma_wait3A_340 = arith.constant 0 : i32
          %dma_wait3A_341 = arith.constant 0 : i32
          %dma_wait3A_342 = tpu.memref_slice %arg6[%dma_wait3A_340, %dma_wait3A_341] : memref<128x640xf32, #tpu.memory_space<vmem>> -> memref<16x640xf32, #tpu.memory_space<vmem>>
          %dma_wait3A_343 = arith.constant 0 : i32
          %dma_wait3A_344 = tpu.memref_slice %arg4[%dma_wait3A_343, %multiple_of3A_52] : memref<2048x18432xf32, #tpu.memory_space<hbm>> -> memref<16x640xf32, #tpu.memory_space<hbm>>
          %dma_wait3A_345 = arith.constant 0 : i32
          %dma_wait3A_346 = tpu.memref_slice %arg4[%dma_wait3A_345, %multiple_of3A_52] : memref<2048x18432xf32, #tpu.memory_space<hbm>> -> memref<16x640xf32, #tpu.memory_space<hbm>>
          %dma_wait3A_347 = arith.constant 0 : i32
          %dma_wait3A_348 = arith.constant 0 : i32
          %dma_wait3A_349 = tpu.memref_slice %arg6[%dma_wait3A_347, %dma_wait3A_348] : memref<128x640xf32, #tpu.memory_space<vmem>> -> memref<16x640xf32, #tpu.memory_space<vmem>>
          tpu.wait_dma2 semaphore(%arg7 : memref<!tpu.dma_semaphore, #tpu.memory_space<semaphore_mem>>) src(%dma_wait3A_349 : memref<16x640xf32, #tpu.memory_space<vmem>>) dst(%dma_wait3A_346 : memref<16x640xf32, #tpu.memory_space<hbm>>)
        } else {
        }
      }
      %scan3A_57 = arith.constant 64 : i32
      %dma_wait3A_58 = arith.constant 0 : i32
      %dma_wait3A_59 = arith.constant 0 : i32
      %dma_wait3A_60 = tpu.memref_slice %arg6[%dma_wait3A_58, %dma_wait3A_59] : memref<128x640xf32, #tpu.memory_space<vmem>> -> memref<16x640xf32, #tpu.memory_space<vmem>>
      %dma_wait3A_61 = arith.constant 0 : i32
      %dma_wait3A_62 = tpu.memref_slice %arg4[%dma_wait3A_61, %multiple_of3A_52] : memref<2048x18432xf32, #tpu.memory_space<hbm>> -> memref<16x640xf32, #tpu.memory_space<hbm>>
      %dma_wait3A_63 = arith.constant 0 : i32
      %dma_wait3A_64 = tpu.memref_slice %arg4[%dma_wait3A_63, %multiple_of3A_52] : memref<2048x18432xf32, #tpu.memory_space<hbm>> -> memref<16x640xf32, #tpu.memory_space<hbm>>
      %dma_wait3A_65 = arith.constant 0 : i32
      %dma_wait3A_66 = arith.constant 0 : i32
      %dma_wait3A_67 = tpu.memref_slice %arg6[%dma_wait3A_65, %dma_wait3A_66] : memref<128x640xf32, #tpu.memory_space<vmem>> -> memref<16x640xf32, #tpu.memory_space<vmem>>
      tpu.wait_dma2 semaphore(%arg7 : memref<!tpu.dma_semaphore, #tpu.memory_space<semaphore_mem>>) src(%dma_wait3A_67 : memref<16x640xf32, #tpu.memory_space<vmem>>) dst(%dma_wait3A_64 : memref<16x640xf32, #tpu.memory_space<hbm>>)
      %dma_wait3A_68 = arith.constant 0 : i32
      %dma_wait3A_69 = arith.constant 0 : i32
      %dma_wait3A_70 = tpu.memref_slice %arg6[%dma_wait3A_68, %dma_wait3A_69] : memref<128x640xf32, #tpu.memory_space<vmem>> -> memref<16x640xf32, #tpu.memory_space<vmem>>
      %dma_wait3A_71 = arith.constant 0 : i32
      %dma_wait3A_72 = tpu.memref_slice %arg4[%dma_wait3A_71, %multiple_of3A_52] : memref<2048x18432xf32, #tpu.memory_space<hbm>> -> memref<16x640xf32, #tpu.memory_space<hbm>>
      %dma_wait3A_73 = arith.constant 0 : i32
      %dma_wait3A_74 = tpu.memref_slice %arg4[%dma_wait3A_73, %multiple_of3A_52] : memref<2048x18432xf32, #tpu.memory_space<hbm>> -> memref<16x640xf32, #tpu.memory_space<hbm>>
      %dma_wait3A_75 = arith.constant 0 : i32
      %dma_wait3A_76 = arith.constant 0 : i32
      %dma_wait3A_77 = tpu.memref_slice %arg6[%dma_wait3A_75, %dma_wait3A_76] : memref<128x640xf32, #tpu.memory_space<vmem>> -> memref<16x640xf32, #tpu.memory_space<vmem>>
      tpu.wait_dma2 semaphore(%arg7 : memref<!tpu.dma_semaphore, #tpu.memory_space<semaphore_mem>>) src(%dma_wait3A_77 : memref<16x640xf32, #tpu.memory_space<vmem>>) dst(%dma_wait3A_74 : memref<16x640xf32, #tpu.memory_space<hbm>>)
      %mul3A_78 = arith.constant 1152 : i32
      %mul3A_79 = arith.muli %select_n3A, %mul3A_78 : i32
      %multiple_of3A_80 = tpu.assume_multiple %mul3A_79, 128 : i32
      %scan3A_81 = arith.constant 0 : i32
      %scan3A_82 = arith.constant 0 : i32
      %scan3A_83 = arith.constant 64 : i32
      %scan3A_84 = arith.addi %scan3A_82, %scan3A_83 : i32
      %scan3A_85 = arith.constant 1 : i32
      scf.for %scan3A_107 = %scan3A_82 to %scan3A_84 step %scan3A_85  : i32 {
        %add3A_108 = arith.constant 64 : i32
        %add3A_109 = arith.addi %add3A_108, %scan3A_107 : i32
        %mul3A_110 = arith.constant 16 : i32
        %mul3A_111 = arith.muli %add3A_109, %mul3A_110 : i32
        %get3A = arith.index_cast %mul3A_111 : i32 to index
        %get3A_112 = tpu.vector_load %arg5[%get3A] {strides = array<i32>} : memref<2048xi32, #tpu.memory_space<vmem>>, vector<16xi32>,
        %get3A_113 = vector.shape_cast %get3A_112 : vector<16xi32> to vector<16xi32>
        %slice3A = vector.extract_strided_slice %get3A_113 {offsets = [0], sizes = [1], strides = [1]} : vector<16xi32> to vector<1xi32>
        %squeeze3A = vector.extract %slice3A[0] : i32 from vector<1xi32>
        %add3A_114 = arith.constant 0 : i32
        %add3A_115 = arith.addi %mul3A_111, %add3A_114 : i32
        %dma_start3A_116 = arith.constant 0 : i32
        %dma_start3A_117 = tpu.memref_slice %arg6[%squeeze3A, %dma_start3A_116] : memref<128x640xf32, #tpu.memory_space<vmem>> -> memref<1x512xf32, #tpu.memory_space<vmem>>
        %dma_start3A_118 = tpu.memref_squeeze %dma_start3A_117 : memref<1x512xf32, #tpu.memory_space<vmem>> -> memref<512xf32, #tpu.memory_space<vmem>>
        %dma_start3A_119 = tpu.memref_slice %arg4[%add3A_115, %multiple_of3A_80] : memref<2048x18432xf32, #tpu.memory_space<hbm>> -> memref<1x512xf32, #tpu.memory_space<hbm>>
        %dma_start3A_120 = tpu.memref_squeeze %dma_start3A_119 : memref<1x512xf32, #tpu.memory_space<hbm>> -> memref<512xf32, #tpu.memory_space<hbm>>
        %dma_start3A_121 = tpu.memref_slice %arg4[%add3A_115, %multiple_of3A_80] : memref<2048x18432xf32, #tpu.memory_space<hbm>> -> memref<1x512xf32, #tpu.memory_space<hbm>>
        %dma_start3A_122 = tpu.memref_squeeze %dma_start3A_121 : memref<1x512xf32, #tpu.memory_space<hbm>> -> memref<512xf32, #tpu.memory_space<hbm>>
        %dma_start3A_123 = arith.constant 0 : i32
        %dma_start3A_124 = tpu.memref_slice %arg6[%squeeze3A, %dma_start3A_123] : memref<128x640xf32, #tpu.memory_space<vmem>> -> memref<1x512xf32, #tpu.memory_space<vmem>>
        %dma_start3A_125 = tpu.memref_squeeze %dma_start3A_124 : memref<1x512xf32, #tpu.memory_space<vmem>> -> memref<512xf32, #tpu.memory_space<vmem>>
        tpu.enqueue_dma source(%dma_start3A_125 : memref<512xf32, #tpu.memory_space<vmem>>) target(%dma_start3A_122 : memref<512xf32, #tpu.memory_space<hbm>>) target_semaphore(%arg7 : memref<!tpu.dma_semaphore, #tpu.memory_space<semaphore_mem>>)
        %slice3A_126 = vector.extract_strided_slice %get3A_113 {offsets = [1], sizes = [1], strides = [1]} : vector<16xi32> to vector<1xi32>
        %squeeze3A_127 = vector.extract %slice3A_126[0] : i32 from vector<1xi32>
        %add3A_128 = arith.constant 1 : i32
        %add3A_129 = arith.addi %mul3A_111, %add3A_128 : i32
        %dma_start3A_130 = arith.constant 0 : i32
        %dma_start3A_131 = tpu.memref_slice %arg6[%squeeze3A_127, %dma_start3A_130] : memref<128x640xf32, #tpu.memory_space<vmem>> -> memref<1x512xf32, #tpu.memory_space<vmem>>
        %dma_start3A_132 = tpu.memref_squeeze %dma_start3A_131 : memref<1x512xf32, #tpu.memory_space<vmem>> -> memref<512xf32, #tpu.memory_space<vmem>>
        %dma_start3A_133 = tpu.memref_slice %arg4[%add3A_129, %multiple_of3A_80] : memref<2048x18432xf32, #tpu.memory_space<hbm>> -> memref<1x512xf32, #tpu.memory_space<hbm>>
        %dma_start3A_134 = tpu.memref_squeeze %dma_start3A_133 : memref<1x512xf32, #tpu.memory_space<hbm>> -> memref<512xf32, #tpu.memory_space<hbm>>
        %dma_start3A_135 = tpu.memref_slice %arg4[%add3A_129, %multiple_of3A_80] : memref<2048x18432xf32, #tpu.memory_space<hbm>> -> memref<1x512xf32, #tpu.memory_space<hbm>>
        %dma_start3A_136 = tpu.memref_squeeze %dma_start3A_135 : memref<1x512xf32, #tpu.memory_space<hbm>> -> memref<512xf32, #tpu.memory_space<hbm>>
        %dma_start3A_137 = arith.constant 0 : i32
        %dma_start3A_138 = tpu.memref_slice %arg6[%squeeze3A_127, %dma_start3A_137] : memref<128x640xf32, #tpu.memory_space<vmem>> -> memref<1x512xf32, #tpu.memory_space<vmem>>
        %dma_start3A_139 = tpu.memref_squeeze %dma_start3A_138 : memref<1x512xf32, #tpu.memory_space<vmem>> -> memref<512xf32, #tpu.memory_space<vmem>>
        tpu.enqueue_dma source(%dma_start3A_139 : memref<512xf32, #tpu.memory_space<vmem>>) target(%dma_start3A_136 : memref<512xf32, #tpu.memory_space<hbm>>) target_semaphore(%arg7 : memref<!tpu.dma_semaphore, #tpu.memory_space<semaphore_mem>>)
        %slice3A_140 = vector.extract_strided_slice %get3A_113 {offsets = [2], sizes = [1], strides = [1]} : vector<16xi32> to vector<1xi32>
        %squeeze3A_141 = vector.extract %slice3A_140[0] : i32 from vector<1xi32>
        %add3A_142 = arith.constant 2 : i32
        %add3A_143 = arith.addi %mul3A_111, %add3A_142 : i32
        %dma_start3A_144 = arith.constant 0 : i32
        %dma_start3A_145 = tpu.memref_slice %arg6[%squeeze3A_141, %dma_start3A_144] : memref<128x640xf32, #tpu.memory_space<vmem>> -> memref<1x512xf32, #tpu.memory_space<vmem>>
        %dma_start3A_146 = tpu.memref_squeeze %dma_start3A_145 : memref<1x512xf32, #tpu.memory_space<vmem>> -> memref<512xf32, #tpu.memory_space<vmem>>
        %dma_start3A_147 = tpu.memref_slice %arg4[%add3A_143, %multiple_of3A_80] : memref<2048x18432xf32, #tpu.memory_space<hbm>> -> memref<1x512xf32, #tpu.memory_space<hbm>>
        %dma_start3A_148 = tpu.memref_squeeze %dma_start3A_147 : memref<1x512xf32, #tpu.memory_space<hbm>> -> memref<512xf32, #tpu.memory_space<hbm>>
        %dma_start3A_149 = tpu.memref_slice %arg4[%add3A_143, %multiple_of3A_80] : memref<2048x18432xf32, #tpu.memory_space<hbm>> -> memref<1x512xf32, #tpu.memory_space<hbm>>
        %dma_start3A_150 = tpu.memref_squeeze %dma_start3A_149 : memref<1x512xf32, #tpu.memory_space<hbm>> -> memref<512xf32, #tpu.memory_space<hbm>>
        %dma_start3A_151 = arith.constant 0 : i32
        %dma_start3A_152 = tpu.memref_slice %arg6[%squeeze3A_141, %dma_start3A_151] : memref<128x640xf32, #tpu.memory_space<vmem>> -> memref<1x512xf32, #tpu.memory_space<vmem>>
        %dma_start3A_153 = tpu.memref_squeeze %dma_start3A_152 : memref<1x512xf32, #tpu.memory_space<vmem>> -> memref<512xf32, #tpu.memory_space<vmem>>
        tpu.enqueue_dma source(%dma_start3A_153 : memref<512xf32, #tpu.memory_space<vmem>>) target(%dma_start3A_150 : memref<512xf32, #tpu.memory_space<hbm>>) target_semaphore(%arg7 : memref<!tpu.dma_semaphore, #tpu.memory_space<semaphore_mem>>)
        %slice3A_154 = vector.extract_strided_slice %get3A_113 {offsets = [3], sizes = [1], strides = [1]} : vector<16xi32> to vector<1xi32>
        %squeeze3A_155 = vector.extract %slice3A_154[0] : i32 from vector<1xi32>
        %add3A_156 = arith.constant 3 : i32
        %add3A_157 = arith.addi %mul3A_111, %add3A_156 : i32
        %dma_start3A_158 = arith.constant 0 : i32
        %dma_start3A_159 = tpu.memref_slice %arg6[%squeeze3A_155, %dma_start3A_158] : memref<128x640xf32, #tpu.memory_space<vmem>> -> memref<1x512xf32, #tpu.memory_space<vmem>>
        %dma_start3A_160 = tpu.memref_squeeze %dma_start3A_159 : memref<1x512xf32, #tpu.memory_space<vmem>> -> memref<512xf32, #tpu.memory_space<vmem>>
        %dma_start3A_161 = tpu.memref_slice %arg4[%add3A_157, %multiple_of3A_80] : memref<2048x18432xf32, #tpu.memory_space<hbm>> -> memref<1x512xf32, #tpu.memory_space<hbm>>
        %dma_start3A_162 = tpu.memref_squeeze %dma_start3A_161 : memref<1x512xf32, #tpu.memory_space<hbm>> -> memref<512xf32, #tpu.memory_space<hbm>>
        %dma_start3A_163 = tpu.memref_slice %arg4[%add3A_157, %multiple_of3A_80] : memref<2048x18432xf32, #tpu.memory_space<hbm>> -> memref<1x512xf32, #tpu.memory_space<hbm>>
        %dma_start3A_164 = tpu.memref_squeeze %dma_start3A_163 : memref<1x512xf32, #tpu.memory_space<hbm>> -> memref<512xf32, #tpu.memory_space<hbm>>
        %dma_start3A_165 = arith.constant 0 : i32
        %dma_start3A_166 = tpu.memref_slice %arg6[%squeeze3A_155, %dma_start3A_165] : memref<128x640xf32, #tpu.memory_space<vmem>> -> memref<1x512xf32, #tpu.memory_space<vmem>>
        %dma_start3A_167 = tpu.memref_squeeze %dma_start3A_166 : memref<1x512xf32, #tpu.memory_space<vmem>> -> memref<512xf32, #tpu.memory_space<vmem>>
        tpu.enqueue_dma source(%dma_start3A_167 : memref<512xf32, #tpu.memory_space<vmem>>) target(%dma_start3A_164 : memref<512xf32, #tpu.memory_space<hbm>>) target_semaphore(%arg7 : memref<!tpu.dma_semaphore, #tpu.memory_space<semaphore_mem>>)
        %slice3A_168 = vector.extract_strided_slice %get3A_113 {offsets = [4], sizes = [1], strides = [1]} : vector<16xi32> to vector<1xi32>
        %squeeze3A_169 = vector.extract %slice3A_168[0] : i32 from vector<1xi32>
        %add3A_170 = arith.constant 4 : i32
        %add3A_171 = arith.addi %mul3A_111, %add3A_170 : i32
        %dma_start3A_172 = arith.constant 0 : i32
        %dma_start3A_173 = tpu.memref_slice %arg6[%squeeze3A_169, %dma_start3A_172] : memref<128x640xf32, #tpu.memory_space<vmem>> -> memref<1x512xf32, #tpu.memory_space<vmem>>
        %dma_start3A_174 = tpu.memref_squeeze %dma_start3A_173 : memref<1x512xf32, #tpu.memory_space<vmem>> -> memref<512xf32, #tpu.memory_space<vmem>>
        %dma_start3A_175 = tpu.memref_slice %arg4[%add3A_171, %multiple_of3A_80] : memref<2048x18432xf32, #tpu.memory_space<hbm>> -> memref<1x512xf32, #tpu.memory_space<hbm>>
        %dma_start3A_176 = tpu.memref_squeeze %dma_start3A_175 : memref<1x512xf32, #tpu.memory_space<hbm>> -> memref<512xf32, #tpu.memory_space<hbm>>
        %dma_start3A_177 = tpu.memref_slice %arg4[%add3A_171, %multiple_of3A_80] : memref<2048x18432xf32, #tpu.memory_space<hbm>> -> memref<1x512xf32, #tpu.memory_space<hbm>>
        %dma_start3A_178 = tpu.memref_squeeze %dma_start3A_177 : memref<1x512xf32, #tpu.memory_space<hbm>> -> memref<512xf32, #tpu.memory_space<hbm>>
        %dma_start3A_179 = arith.constant 0 : i32
        %dma_start3A_180 = tpu.memref_slice %arg6[%squeeze3A_169, %dma_start3A_179] : memref<128x640xf32, #tpu.memory_space<vmem>> -> memref<1x512xf32, #tpu.memory_space<vmem>>
        %dma_start3A_181 = tpu.memref_squeeze %dma_start3A_180 : memref<1x512xf32, #tpu.memory_space<vmem>> -> memref<512xf32, #tpu.memory_space<vmem>>
        tpu.enqueue_dma source(%dma_start3A_181 : memref<512xf32, #tpu.memory_space<vmem>>) target(%dma_start3A_178 : memref<512xf32, #tpu.memory_space<hbm>>) target_semaphore(%arg7 : memref<!tpu.dma_semaphore, #tpu.memory_space<semaphore_mem>>)
        %slice3A_182 = vector.extract_strided_slice %get3A_113 {offsets = [5], sizes = [1], strides = [1]} : vector<16xi32> to vector<1xi32>
        %squeeze3A_183 = vector.extract %slice3A_182[0] : i32 from vector<1xi32>
        %add3A_184 = arith.constant 5 : i32
        %add3A_185 = arith.addi %mul3A_111, %add3A_184 : i32
        %dma_start3A_186 = arith.constant 0 : i32
        %dma_start3A_187 = tpu.memref_slice %arg6[%squeeze3A_183, %dma_start3A_186] : memref<128x640xf32, #tpu.memory_space<vmem>> -> memref<1x512xf32, #tpu.memory_space<vmem>>
        %dma_start3A_188 = tpu.memref_squeeze %dma_start3A_187 : memref<1x512xf32, #tpu.memory_space<vmem>> -> memref<512xf32, #tpu.memory_space<vmem>>
        %dma_start3A_189 = tpu.memref_slice %arg4[%add3A_185, %multiple_of3A_80] : memref<2048x18432xf32, #tpu.memory_space<hbm>> -> memref<1x512xf32, #tpu.memory_space<hbm>>
        %dma_start3A_190 = tpu.memref_squeeze %dma_start3A_189 : memref<1x512xf32, #tpu.memory_space<hbm>> -> memref<512xf32, #tpu.memory_space<hbm>>
        %dma_start3A_191 = tpu.memref_slice %arg4[%add3A_185, %multiple_of3A_80] : memref<2048x18432xf32, #tpu.memory_space<hbm>> -> memref<1x512xf32, #tpu.memory_space<hbm>>
        %dma_start3A_192 = tpu.memref_squeeze %dma_start3A_191 : memref<1x512xf32, #tpu.memory_space<hbm>> -> memref<512xf32, #tpu.memory_space<hbm>>
        %dma_start3A_193 = arith.constant 0 : i32
        %dma_start3A_194 = tpu.memref_slice %arg6[%squeeze3A_183, %dma_start3A_193] : memref<128x640xf32, #tpu.memory_space<vmem>> -> memref<1x512xf32, #tpu.memory_space<vmem>>
        %dma_start3A_195 = tpu.memref_squeeze %dma_start3A_194 : memref<1x512xf32, #tpu.memory_space<vmem>> -> memref<512xf32, #tpu.memory_space<vmem>>
        tpu.enqueue_dma source(%dma_start3A_195 : memref<512xf32, #tpu.memory_space<vmem>>) target(%dma_start3A_192 : memref<512xf32, #tpu.memory_space<hbm>>) target_semaphore(%arg7 : memref<!tpu.dma_semaphore, #tpu.memory_space<semaphore_mem>>)
        %slice3A_196 = vector.extract_strided_slice %get3A_113 {offsets = [6], sizes = [1], strides = [1]} : vector<16xi32> to vector<1xi32>
        %squeeze3A_197 = vector.extract %slice3A_196[0] : i32 from vector<1xi32>
        %add3A_198 = arith.constant 6 : i32
        %add3A_199 = arith.addi %mul3A_111, %add3A_198 : i32
        %dma_start3A_200 = arith.constant 0 : i32
        %dma_start3A_201 = tpu.memref_slice %arg6[%squeeze3A_197, %dma_start3A_200] : memref<128x640xf32, #tpu.memory_space<vmem>> -> memref<1x512xf32, #tpu.memory_space<vmem>>
        %dma_start3A_202 = tpu.memref_squeeze %dma_start3A_201 : memref<1x512xf32, #tpu.memory_space<vmem>> -> memref<512xf32, #tpu.memory_space<vmem>>
        %dma_start3A_203 = tpu.memref_slice %arg4[%add3A_199, %multiple_of3A_80] : memref<2048x18432xf32, #tpu.memory_space<hbm>> -> memref<1x512xf32, #tpu.memory_space<hbm>>
        %dma_start3A_204 = tpu.memref_squeeze %dma_start3A_203 : memref<1x512xf32, #tpu.memory_space<hbm>> -> memref<512xf32, #tpu.memory_space<hbm>>
        %dma_start3A_205 = tpu.memref_slice %arg4[%add3A_199, %multiple_of3A_80] : memref<2048x18432xf32, #tpu.memory_space<hbm>> -> memref<1x512xf32, #tpu.memory_space<hbm>>
        %dma_start3A_206 = tpu.memref_squeeze %dma_start3A_205 : memref<1x512xf32, #tpu.memory_space<hbm>> -> memref<512xf32, #tpu.memory_space<hbm>>
        %dma_start3A_207 = arith.constant 0 : i32
        %dma_start3A_208 = tpu.memref_slice %arg6[%squeeze3A_197, %dma_start3A_207] : memref<128x640xf32, #tpu.memory_space<vmem>> -> memref<1x512xf32, #tpu.memory_space<vmem>>
        %dma_start3A_209 = tpu.memref_squeeze %dma_start3A_208 : memref<1x512xf32, #tpu.memory_space<vmem>> -> memref<512xf32, #tpu.memory_space<vmem>>
        tpu.enqueue_dma source(%dma_start3A_209 : memref<512xf32, #tpu.memory_space<vmem>>) target(%dma_start3A_206 : memref<512xf32, #tpu.memory_space<hbm>>) target_semaphore(%arg7 : memref<!tpu.dma_semaphore, #tpu.memory_space<semaphore_mem>>)
        %slice3A_210 = vector.extract_strided_slice %get3A_113 {offsets = [7], sizes = [1], strides = [1]} : vector<16xi32> to vector<1xi32>
        %squeeze3A_211 = vector.extract %slice3A_210[0] : i32 from vector<1xi32>
        %add3A_212 = arith.constant 7 : i32
        %add3A_213 = arith.addi %mul3A_111, %add3A_212 : i32
        %dma_start3A_214 = arith.constant 0 : i32
        %dma_start3A_215 = tpu.memref_slice %arg6[%squeeze3A_211, %dma_start3A_214] : memref<128x640xf32, #tpu.memory_space<vmem>> -> memref<1x512xf32, #tpu.memory_space<vmem>>
        %dma_start3A_216 = tpu.memref_squeeze %dma_start3A_215 : memref<1x512xf32, #tpu.memory_space<vmem>> -> memref<512xf32, #tpu.memory_space<vmem>>
        %dma_start3A_217 = tpu.memref_slice %arg4[%add3A_213, %multiple_of3A_80] : memref<2048x18432xf32, #tpu.memory_space<hbm>> -> memref<1x512xf32, #tpu.memory_space<hbm>>
        %dma_start3A_218 = tpu.memref_squeeze %dma_start3A_217 : memref<1x512xf32, #tpu.memory_space<hbm>> -> memref<512xf32, #tpu.memory_space<hbm>>
        %dma_start3A_219 = tpu.memref_slice %arg4[%add3A_213, %multiple_of3A_80] : memref<2048x18432xf32, #tpu.memory_space<hbm>> -> memref<1x512xf32, #tpu.memory_space<hbm>>
        %dma_start3A_220 = tpu.memref_squeeze %dma_start3A_219 : memref<1x512xf32, #tpu.memory_space<hbm>> -> memref<512xf32, #tpu.memory_space<hbm>>
        %dma_start3A_221 = arith.constant 0 : i32
        %dma_start3A_222 = tpu.memref_slice %arg6[%squeeze3A_211, %dma_start3A_221] : memref<128x640xf32, #tpu.memory_space<vmem>> -> memref<1x512xf32, #tpu.memory_space<vmem>>
        %dma_start3A_223 = tpu.memref_squeeze %dma_start3A_222 : memref<1x512xf32, #tpu.memory_space<vmem>> -> memref<512xf32, #tpu.memory_space<vmem>>
        tpu.enqueue_dma source(%dma_start3A_223 : memref<512xf32, #tpu.memory_space<vmem>>) target(%dma_start3A_220 : memref<512xf32, #tpu.memory_space<hbm>>) target_semaphore(%arg7 : memref<!tpu.dma_semaphore, #tpu.memory_space<semaphore_mem>>)
        %slice3A_224 = vector.extract_strided_slice %get3A_113 {offsets = [8], sizes = [1], strides = [1]} : vector<16xi32> to vector<1xi32>
        %squeeze3A_225 = vector.extract %slice3A_224[0] : i32 from vector<1xi32>
        %add3A_226 = arith.constant 8 : i32
        %add3A_227 = arith.addi %mul3A_111, %add3A_226 : i32
        %dma_start3A_228 = arith.constant 0 : i32
        %dma_start3A_229 = tpu.memref_slice %arg6[%squeeze3A_225, %dma_start3A_228] : memref<128x640xf32, #tpu.memory_space<vmem>> -> memref<1x512xf32, #tpu.memory_space<vmem>>
        %dma_start3A_230 = tpu.memref_squeeze %dma_start3A_229 : memref<1x512xf32, #tpu.memory_space<vmem>> -> memref<512xf32, #tpu.memory_space<vmem>>
        %dma_start3A_231 = tpu.memref_slice %arg4[%add3A_227, %multiple_of3A_80] : memref<2048x18432xf32, #tpu.memory_space<hbm>> -> memref<1x512xf32, #tpu.memory_space<hbm>>
        %dma_start3A_232 = tpu.memref_squeeze %dma_start3A_231 : memref<1x512xf32, #tpu.memory_space<hbm>> -> memref<512xf32, #tpu.memory_space<hbm>>
        %dma_start3A_233 = tpu.memref_slice %arg4[%add3A_227, %multiple_of3A_80] : memref<2048x18432xf32, #tpu.memory_space<hbm>> -> memref<1x512xf32, #tpu.memory_space<hbm>>
        %dma_start3A_234 = tpu.memref_squeeze %dma_start3A_233 : memref<1x512xf32, #tpu.memory_space<hbm>> -> memref<512xf32, #tpu.memory_space<hbm>>
        %dma_start3A_235 = arith.constant 0 : i32
        %dma_start3A_236 = tpu.memref_slice %arg6[%squeeze3A_225, %dma_start3A_235] : memref<128x640xf32, #tpu.memory_space<vmem>> -> memref<1x512xf32, #tpu.memory_space<vmem>>
        %dma_start3A_237 = tpu.memref_squeeze %dma_start3A_236 : memref<1x512xf32, #tpu.memory_space<vmem>> -> memref<512xf32, #tpu.memory_space<vmem>>
        tpu.enqueue_dma source(%dma_start3A_237 : memref<512xf32, #tpu.memory_space<vmem>>) target(%dma_start3A_234 : memref<512xf32, #tpu.memory_space<hbm>>) target_semaphore(%arg7 : memref<!tpu.dma_semaphore, #tpu.memory_space<semaphore_mem>>)
        %slice3A_238 = vector.extract_strided_slice %get3A_113 {offsets = [9], sizes = [1], strides = [1]} : vector<16xi32> to vector<1xi32>
        %squeeze3A_239 = vector.extract %slice3A_238[0] : i32 from vector<1xi32>
        %add3A_240 = arith.constant 9 : i32
        %add3A_241 = arith.addi %mul3A_111, %add3A_240 : i32
        %dma_start3A_242 = arith.constant 0 : i32
        %dma_start3A_243 = tpu.memref_slice %arg6[%squeeze3A_239, %dma_start3A_242] : memref<128x640xf32, #tpu.memory_space<vmem>> -> memref<1x512xf32, #tpu.memory_space<vmem>>
        %dma_start3A_244 = tpu.memref_squeeze %dma_start3A_243 : memref<1x512xf32, #tpu.memory_space<vmem>> -> memref<512xf32, #tpu.memory_space<vmem>>
        %dma_start3A_245 = tpu.memref_slice %arg4[%add3A_241, %multiple_of3A_80] : memref<2048x18432xf32, #tpu.memory_space<hbm>> -> memref<1x512xf32, #tpu.memory_space<hbm>>
        %dma_start3A_246 = tpu.memref_squeeze %dma_start3A_245 : memref<1x512xf32, #tpu.memory_space<hbm>> -> memref<512xf32, #tpu.memory_space<hbm>>
        %dma_start3A_247 = tpu.memref_slice %arg4[%add3A_241, %multiple_of3A_80] : memref<2048x18432xf32, #tpu.memory_space<hbm>> -> memref<1x512xf32, #tpu.memory_space<hbm>>
        %dma_start3A_248 = tpu.memref_squeeze %dma_start3A_247 : memref<1x512xf32, #tpu.memory_space<hbm>> -> memref<512xf32, #tpu.memory_space<hbm>>
        %dma_start3A_249 = arith.constant 0 : i32
        %dma_start3A_250 = tpu.memref_slice %arg6[%squeeze3A_239, %dma_start3A_249] : memref<128x640xf32, #tpu.memory_space<vmem>> -> memref<1x512xf32, #tpu.memory_space<vmem>>
        %dma_start3A_251 = tpu.memref_squeeze %dma_start3A_250 : memref<1x512xf32, #tpu.memory_space<vmem>> -> memref<512xf32, #tpu.memory_space<vmem>>
        tpu.enqueue_dma source(%dma_start3A_251 : memref<512xf32, #tpu.memory_space<vmem>>) target(%dma_start3A_248 : memref<512xf32, #tpu.memory_space<hbm>>) target_semaphore(%arg7 : memref<!tpu.dma_semaphore, #tpu.memory_space<semaphore_mem>>)
        %slice3A_252 = vector.extract_strided_slice %get3A_113 {offsets = [10], sizes = [1], strides = [1]} : vector<16xi32> to vector<1xi32>
        %squeeze3A_253 = vector.extract %slice3A_252[0] : i32 from vector<1xi32>
        %add3A_254 = arith.constant 10 : i32
        %add3A_255 = arith.addi %mul3A_111, %add3A_254 : i32
        %dma_start3A_256 = arith.constant 0 : i32
        %dma_start3A_257 = tpu.memref_slice %arg6[%squeeze3A_253, %dma_start3A_256] : memref<128x640xf32, #tpu.memory_space<vmem>> -> memref<1x512xf32, #tpu.memory_space<vmem>>
        %dma_start3A_258 = tpu.memref_squeeze %dma_start3A_257 : memref<1x512xf32, #tpu.memory_space<vmem>> -> memref<512xf32, #tpu.memory_space<vmem>>
        %dma_start3A_259 = tpu.memref_slice %arg4[%add3A_255, %multiple_of3A_80] : memref<2048x18432xf32, #tpu.memory_space<hbm>> -> memref<1x512xf32, #tpu.memory_space<hbm>>
        %dma_start3A_260 = tpu.memref_squeeze %dma_start3A_259 : memref<1x512xf32, #tpu.memory_space<hbm>> -> memref<512xf32, #tpu.memory_space<hbm>>
        %dma_start3A_261 = tpu.memref_slice %arg4[%add3A_255, %multiple_of3A_80] : memref<2048x18432xf32, #tpu.memory_space<hbm>> -> memref<1x512xf32, #tpu.memory_space<hbm>>
        %dma_start3A_262 = tpu.memref_squeeze %dma_start3A_261 : memref<1x512xf32, #tpu.memory_space<hbm>> -> memref<512xf32, #tpu.memory_space<hbm>>
        %dma_start3A_263 = arith.constant 0 : i32
        %dma_start3A_264 = tpu.memref_slice %arg6[%squeeze3A_253, %dma_start3A_263] : memref<128x640xf32, #tpu.memory_space<vmem>> -> memref<1x512xf32, #tpu.memory_space<vmem>>
        %dma_start3A_265 = tpu.memref_squeeze %dma_start3A_264 : memref<1x512xf32, #tpu.memory_space<vmem>> -> memref<512xf32, #tpu.memory_space<vmem>>
        tpu.enqueue_dma source(%dma_start3A_265 : memref<512xf32, #tpu.memory_space<vmem>>) target(%dma_start3A_262 : memref<512xf32, #tpu.memory_space<hbm>>) target_semaphore(%arg7 : memref<!tpu.dma_semaphore, #tpu.memory_space<semaphore_mem>>)
        %slice3A_266 = vector.extract_strided_slice %get3A_113 {offsets = [11], sizes = [1], strides = [1]} : vector<16xi32> to vector<1xi32>
        %squeeze3A_267 = vector.extract %slice3A_266[0] : i32 from vector<1xi32>
        %add3A_268 = arith.constant 11 : i32
        %add3A_269 = arith.addi %mul3A_111, %add3A_268 : i32
        %dma_start3A_270 = arith.constant 0 : i32
        %dma_start3A_271 = tpu.memref_slice %arg6[%squeeze3A_267, %dma_start3A_270] : memref<128x640xf32, #tpu.memory_space<vmem>> -> memref<1x512xf32, #tpu.memory_space<vmem>>
        %dma_start3A_272 = tpu.memref_squeeze %dma_start3A_271 : memref<1x512xf32, #tpu.memory_space<vmem>> -> memref<512xf32, #tpu.memory_space<vmem>>
        %dma_start3A_273 = tpu.memref_slice %arg4[%add3A_269, %multiple_of3A_80] : memref<2048x18432xf32, #tpu.memory_space<hbm>> -> memref<1x512xf32, #tpu.memory_space<hbm>>
        %dma_start3A_274 = tpu.memref_squeeze %dma_start3A_273 : memref<1x512xf32, #tpu.memory_space<hbm>> -> memref<512xf32, #tpu.memory_space<hbm>>
        %dma_start3A_275 = tpu.memref_slice %arg4[%add3A_269, %multiple_of3A_80] : memref<2048x18432xf32, #tpu.memory_space<hbm>> -> memref<1x512xf32, #tpu.memory_space<hbm>>
        %dma_start3A_276 = tpu.memref_squeeze %dma_start3A_275 : memref<1x512xf32, #tpu.memory_space<hbm>> -> memref<512xf32, #tpu.memory_space<hbm>>
        %dma_start3A_277 = arith.constant 0 : i32
        %dma_start3A_278 = tpu.memref_slice %arg6[%squeeze3A_267, %dma_start3A_277] : memref<128x640xf32, #tpu.memory_space<vmem>> -> memref<1x512xf32, #tpu.memory_space<vmem>>
        %dma_start3A_279 = tpu.memref_squeeze %dma_start3A_278 : memref<1x512xf32, #tpu.memory_space<vmem>> -> memref<512xf32, #tpu.memory_space<vmem>>
        tpu.enqueue_dma source(%dma_start3A_279 : memref<512xf32, #tpu.memory_space<vmem>>) target(%dma_start3A_276 : memref<512xf32, #tpu.memory_space<hbm>>) target_semaphore(%arg7 : memref<!tpu.dma_semaphore, #tpu.memory_space<semaphore_mem>>)
        %slice3A_280 = vector.extract_strided_slice %get3A_113 {offsets = [12], sizes = [1], strides = [1]} : vector<16xi32> to vector<1xi32>
        %squeeze3A_281 = vector.extract %slice3A_280[0] : i32 from vector<1xi32>
        %add3A_282 = arith.constant 12 : i32
        %add3A_283 = arith.addi %mul3A_111, %add3A_282 : i32
        %dma_start3A_284 = arith.constant 0 : i32
        %dma_start3A_285 = tpu.memref_slice %arg6[%squeeze3A_281, %dma_start3A_284] : memref<128x640xf32, #tpu.memory_space<vmem>> -> memref<1x512xf32, #tpu.memory_space<vmem>>
        %dma_start3A_286 = tpu.memref_squeeze %dma_start3A_285 : memref<1x512xf32, #tpu.memory_space<vmem>> -> memref<512xf32, #tpu.memory_space<vmem>>
        %dma_start3A_287 = tpu.memref_slice %arg4[%add3A_283, %multiple_of3A_80] : memref<2048x18432xf32, #tpu.memory_space<hbm>> -> memref<1x512xf32, #tpu.memory_space<hbm>>
        %dma_start3A_288 = tpu.memref_squeeze %dma_start3A_287 : memref<1x512xf32, #tpu.memory_space<hbm>> -> memref<512xf32, #tpu.memory_space<hbm>>
        %dma_start3A_289 = tpu.memref_slice %arg4[%add3A_283, %multiple_of3A_80] : memref<2048x18432xf32, #tpu.memory_space<hbm>> -> memref<1x512xf32, #tpu.memory_space<hbm>>
        %dma_start3A_290 = tpu.memref_squeeze %dma_start3A_289 : memref<1x512xf32, #tpu.memory_space<hbm>> -> memref<512xf32, #tpu.memory_space<hbm>>
        %dma_start3A_291 = arith.constant 0 : i32
        %dma_start3A_292 = tpu.memref_slice %arg6[%squeeze3A_281, %dma_start3A_291] : memref<128x640xf32, #tpu.memory_space<vmem>> -> memref<1x512xf32, #tpu.memory_space<vmem>>
        %dma_start3A_293 = tpu.memref_squeeze %dma_start3A_292 : memref<1x512xf32, #tpu.memory_space<vmem>> -> memref<512xf32, #tpu.memory_space<vmem>>
        tpu.enqueue_dma source(%dma_start3A_293 : memref<512xf32, #tpu.memory_space<vmem>>) target(%dma_start3A_290 : memref<512xf32, #tpu.memory_space<hbm>>) target_semaphore(%arg7 : memref<!tpu.dma_semaphore, #tpu.memory_space<semaphore_mem>>)
        %slice3A_294 = vector.extract_strided_slice %get3A_113 {offsets = [13], sizes = [1], strides = [1]} : vector<16xi32> to vector<1xi32>
        %squeeze3A_295 = vector.extract %slice3A_294[0] : i32 from vector<1xi32>
        %add3A_296 = arith.constant 13 : i32
        %add3A_297 = arith.addi %mul3A_111, %add3A_296 : i32
        %dma_start3A_298 = arith.constant 0 : i32
        %dma_start3A_299 = tpu.memref_slice %arg6[%squeeze3A_295, %dma_start3A_298] : memref<128x640xf32, #tpu.memory_space<vmem>> -> memref<1x512xf32, #tpu.memory_space<vmem>>
        %dma_start3A_300 = tpu.memref_squeeze %dma_start3A_299 : memref<1x512xf32, #tpu.memory_space<vmem>> -> memref<512xf32, #tpu.memory_space<vmem>>
        %dma_start3A_301 = tpu.memref_slice %arg4[%add3A_297, %multiple_of3A_80] : memref<2048x18432xf32, #tpu.memory_space<hbm>> -> memref<1x512xf32, #tpu.memory_space<hbm>>
        %dma_start3A_302 = tpu.memref_squeeze %dma_start3A_301 : memref<1x512xf32, #tpu.memory_space<hbm>> -> memref<512xf32, #tpu.memory_space<hbm>>
        %dma_start3A_303 = tpu.memref_slice %arg4[%add3A_297, %multiple_of3A_80] : memref<2048x18432xf32, #tpu.memory_space<hbm>> -> memref<1x512xf32, #tpu.memory_space<hbm>>
        %dma_start3A_304 = tpu.memref_squeeze %dma_start3A_303 : memref<1x512xf32, #tpu.memory_space<hbm>> -> memref<512xf32, #tpu.memory_space<hbm>>
        %dma_start3A_305 = arith.constant 0 : i32
        %dma_start3A_306 = tpu.memref_slice %arg6[%squeeze3A_295, %dma_start3A_305] : memref<128x640xf32, #tpu.memory_space<vmem>> -> memref<1x512xf32, #tpu.memory_space<vmem>>
        %dma_start3A_307 = tpu.memref_squeeze %dma_start3A_306 : memref<1x512xf32, #tpu.memory_space<vmem>> -> memref<512xf32, #tpu.memory_space<vmem>>
        tpu.enqueue_dma source(%dma_start3A_307 : memref<512xf32, #tpu.memory_space<vmem>>) target(%dma_start3A_304 : memref<512xf32, #tpu.memory_space<hbm>>) target_semaphore(%arg7 : memref<!tpu.dma_semaphore, #tpu.memory_space<semaphore_mem>>)
        %slice3A_308 = vector.extract_strided_slice %get3A_113 {offsets = [14], sizes = [1], strides = [1]} : vector<16xi32> to vector<1xi32>
        %squeeze3A_309 = vector.extract %slice3A_308[0] : i32 from vector<1xi32>
        %add3A_310 = arith.constant 14 : i32
        %add3A_311 = arith.addi %mul3A_111, %add3A_310 : i32
        %dma_start3A_312 = arith.constant 0 : i32
        %dma_start3A_313 = tpu.memref_slice %arg6[%squeeze3A_309, %dma_start3A_312] : memref<128x640xf32, #tpu.memory_space<vmem>> -> memref<1x512xf32, #tpu.memory_space<vmem>>
        %dma_start3A_314 = tpu.memref_squeeze %dma_start3A_313 : memref<1x512xf32, #tpu.memory_space<vmem>> -> memref<512xf32, #tpu.memory_space<vmem>>
        %dma_start3A_315 = tpu.memref_slice %arg4[%add3A_311, %multiple_of3A_80] : memref<2048x18432xf32, #tpu.memory_space<hbm>> -> memref<1x512xf32, #tpu.memory_space<hbm>>
        %dma_start3A_316 = tpu.memref_squeeze %dma_start3A_315 : memref<1x512xf32, #tpu.memory_space<hbm>> -> memref<512xf32, #tpu.memory_space<hbm>>
        %dma_start3A_317 = tpu.memref_slice %arg4[%add3A_311, %multiple_of3A_80] : memref<2048x18432xf32, #tpu.memory_space<hbm>> -> memref<1x512xf32, #tpu.memory_space<hbm>>
        %dma_start3A_318 = tpu.memref_squeeze %dma_start3A_317 : memref<1x512xf32, #tpu.memory_space<hbm>> -> memref<512xf32, #tpu.memory_space<hbm>>
        %dma_start3A_319 = arith.constant 0 : i32
        %dma_start3A_320 = tpu.memref_slice %arg6[%squeeze3A_309, %dma_start3A_319] : memref<128x640xf32, #tpu.memory_space<vmem>> -> memref<1x512xf32, #tpu.memory_space<vmem>>
        %dma_start3A_321 = tpu.memref_squeeze %dma_start3A_320 : memref<1x512xf32, #tpu.memory_space<vmem>> -> memref<512xf32, #tpu.memory_space<vmem>>
        tpu.enqueue_dma source(%dma_start3A_321 : memref<512xf32, #tpu.memory_space<vmem>>) target(%dma_start3A_318 : memref<512xf32, #tpu.memory_space<hbm>>) target_semaphore(%arg7 : memref<!tpu.dma_semaphore, #tpu.memory_space<semaphore_mem>>)
        %slice3A_322 = vector.extract_strided_slice %get3A_113 {offsets = [15], sizes = [1], strides = [1]} : vector<16xi32> to vector<1xi32>
        %squeeze3A_323 = vector.extract %slice3A_322[0] : i32 from vector<1xi32>
        %add3A_324 = arith.constant 15 : i32
        %add3A_325 = arith.addi %mul3A_111, %add3A_324 : i32
        %dma_start3A_326 = arith.constant 0 : i32
        %dma_start3A_327 = tpu.memref_slice %arg6[%squeeze3A_323, %dma_start3A_326] : memref<128x640xf32, #tpu.memory_space<vmem>> -> memref<1x512xf32, #tpu.memory_space<vmem>>
        %dma_start3A_328 = tpu.memref_squeeze %dma_start3A_327 : memref<1x512xf32, #tpu.memory_space<vmem>> -> memref<512xf32, #tpu.memory_space<vmem>>
        %dma_start3A_329 = tpu.memref_slice %arg4[%add3A_325, %multiple_of3A_80] : memref<2048x18432xf32, #tpu.memory_space<hbm>> -> memref<1x512xf32, #tpu.memory_space<hbm>>
        %dma_start3A_330 = tpu.memref_squeeze %dma_start3A_329 : memref<1x512xf32, #tpu.memory_space<hbm>> -> memref<512xf32, #tpu.memory_space<hbm>>
        %dma_start3A_331 = tpu.memref_slice %arg4[%add3A_325, %multiple_of3A_80] : memref<2048x18432xf32, #tpu.memory_space<hbm>> -> memref<1x512xf32, #tpu.memory_space<hbm>>
        %dma_start3A_332 = tpu.memref_squeeze %dma_start3A_331 : memref<1x512xf32, #tpu.memory_space<hbm>> -> memref<512xf32, #tpu.memory_space<hbm>>
        %dma_start3A_333 = arith.constant 0 : i32
        %dma_start3A_334 = tpu.memref_slice %arg6[%squeeze3A_323, %dma_start3A_333] : memref<128x640xf32, #tpu.memory_space<vmem>> -> memref<1x512xf32, #tpu.memory_space<vmem>>
        %dma_start3A_335 = tpu.memref_squeeze %dma_start3A_334 : memref<1x512xf32, #tpu.memory_space<vmem>> -> memref<512xf32, #tpu.memory_space<vmem>>
        tpu.enqueue_dma source(%dma_start3A_335 : memref<512xf32, #tpu.memory_space<vmem>>) target(%dma_start3A_332 : memref<512xf32, #tpu.memory_space<hbm>>) target_semaphore(%arg7 : memref<!tpu.dma_semaphore, #tpu.memory_space<semaphore_mem>>)
        %gt3A = arith.constant 1 : i32
        %gt3A_336 = arith.cmpi sgt, %scan3A_107, %gt3A : i32
        %convert_element_type3A_337 = arith.extui %gt3A_336 : i1 to i32
        %cond3A_338 = arith.constant 0 : i32
        %cond3A_339 = arith.cmpi ne, %convert_element_type3A_337, %cond3A_338 : i32
        scf.if %cond3A_339 {
          %dma_wait3A_340 = arith.constant 0 : i32
          %dma_wait3A_341 = arith.constant 0 : i32
          %dma_wait3A_342 = tpu.memref_slice %arg6[%dma_wait3A_340, %dma_wait3A_341] : memref<128x640xf32, #tpu.memory_space<vmem>> -> memref<16x512xf32, #tpu.memory_space<vmem>>
          %dma_wait3A_343 = arith.constant 0 : i32
          %dma_wait3A_344 = tpu.memref_slice %arg4[%dma_wait3A_343, %multiple_of3A_80] : memref<2048x18432xf32, #tpu.memory_space<hbm>> -> memref<16x512xf32, #tpu.memory_space<hbm>>
          %dma_wait3A_345 = arith.constant 0 : i32
          %dma_wait3A_346 = tpu.memref_slice %arg4[%dma_wait3A_345, %multiple_of3A_80] : memref<2048x18432xf32, #tpu.memory_space<hbm>> -> memref<16x512xf32, #tpu.memory_space<hbm>>
          %dma_wait3A_347 = arith.constant 0 : i32
          %dma_wait3A_348 = arith.constant 0 : i32
          %dma_wait3A_349 = tpu.memref_slice %arg6[%dma_wait3A_347, %dma_wait3A_348] : memref<128x640xf32, #tpu.memory_space<vmem>> -> memref<16x512xf32, #tpu.memory_space<vmem>>
          tpu.wait_dma2 semaphore(%arg7 : memref<!tpu.dma_semaphore, #tpu.memory_space<semaphore_mem>>) src(%dma_wait3A_349 : memref<16x512xf32, #tpu.memory_space<vmem>>) dst(%dma_wait3A_346 : memref<16x512xf32, #tpu.memory_space<hbm>>)
        } else {
        }
      }
      %scan3A_86 = arith.constant 64 : i32
      %dma_wait3A_87 = arith.constant 0 : i32
      %dma_wait3A_88 = arith.constant 0 : i32
      %dma_wait3A_89 = tpu.memref_slice %arg6[%dma_wait3A_87, %dma_wait3A_88] : memref<128x640xf32, #tpu.memory_space<vmem>> -> memref<16x512xf32, #tpu.memory_space<vmem>>
      %dma_wait3A_90 = arith.constant 0 : i32
      %dma_wait3A_91 = tpu.memref_slice %arg4[%dma_wait3A_90, %multiple_of3A_80] : memref<2048x18432xf32, #tpu.memory_space<hbm>> -> memref<16x512xf32, #tpu.memory_space<hbm>>
      %dma_wait3A_92 = arith.constant 0 : i32
      %dma_wait3A_93 = tpu.memref_slice %arg4[%dma_wait3A_92, %multiple_of3A_80] : memref<2048x18432xf32, #tpu.memory_space<hbm>> -> memref<16x512xf32, #tpu.memory_space<hbm>>
      %dma_wait3A_94 = arith.constant 0 : i32
      %dma_wait3A_95 = arith.constant 0 : i32
      %dma_wait3A_96 = tpu.memref_slice %arg6[%dma_wait3A_94, %dma_wait3A_95] : memref<128x640xf32, #tpu.memory_space<vmem>> -> memref<16x512xf32, #tpu.memory_space<vmem>>
      tpu.wait_dma2 semaphore(%arg7 : memref<!tpu.dma_semaphore, #tpu.memory_space<semaphore_mem>>) src(%dma_wait3A_96 : memref<16x512xf32, #tpu.memory_space<vmem>>) dst(%dma_wait3A_93 : memref<16x512xf32, #tpu.memory_space<hbm>>)
      %dma_wait3A_97 = arith.constant 0 : i32
      %dma_wait3A_98 = arith.constant 0 : i32
      %dma_wait3A_99 = tpu.memref_slice %arg6[%dma_wait3A_97, %dma_wait3A_98] : memref<128x640xf32, #tpu.memory_space<vmem>> -> memref<16x512xf32, #tpu.memory_space<vmem>>
      %dma_wait3A_100 = arith.constant 0 : i32
      %dma_wait3A_101 = tpu.memref_slice %arg4[%dma_wait3A_100, %multiple_of3A_80] : memref<2048x18432xf32, #tpu.memory_space<hbm>> -> memref<16x512xf32, #tpu.memory_space<hbm>>
      %dma_wait3A_102 = arith.constant 0 : i32
      %dma_wait3A_103 = tpu.memref_slice %arg4[%dma_wait3A_102, %multiple_of3A_80] : memref<2048x18432xf32, #tpu.memory_space<hbm>> -> memref<16x512xf32, #tpu.memory_space<hbm>>
      %dma_wait3A_104 = arith.constant 0 : i32
      %dma_wait3A_105 = arith.constant 0 : i32
      %dma_wait3A_106 = tpu.memref_slice %arg6[%dma_wait3A_104, %dma_wait3A_105] : memref<128x640xf32, #tpu.memory_space<vmem>> -> memref<16x512xf32, #tpu.memory_space<vmem>>
      tpu.wait_dma2 semaphore(%arg7 : memref<!tpu.dma_semaphore, #tpu.memory_space<semaphore_mem>>) src(%dma_wait3A_106 : memref<16x512xf32, #tpu.memory_space<vmem>>) dst(%dma_wait3A_103 : memref<16x512xf32, #tpu.memory_space<hbm>>)
    } else {
    }
    %eq3A_45 = arith.constant 1 : i32
    %eq3A_46 = arith.cmpi eq, %select_n3A_30, %eq3A_45 : i32
    %convert_element_type3A_47 = arith.extui %eq3A_46 : i1 to i32
    %cond3A_48 = arith.constant 0 : i32
    %cond3A_49 = arith.cmpi ne, %convert_element_type3A_47, %cond3A_48 : i32
    scf.if %cond3A_49 {
      %mul3A_50 = arith.constant 1152 : i32
      %mul3A_51 = arith.muli %select_n3A, %mul3A_50 : i32
      %add3A_52 = arith.constant 640 : i32
      %add3A_53 = arith.addi %mul3A_51, %add3A_52 : i32
      %multiple_of3A_54 = tpu.assume_multiple %add3A_53, 128 : i32
      %scan3A = arith.constant 0 : i32
      %scan3A_55 = arith.constant 0 : i32
      %scan3A_56 = arith.constant 64 : i32
      %scan3A_57 = arith.addi %scan3A_55, %scan3A_56 : i32
      %scan3A_58 = arith.constant 1 : i32
      scf.for %scan3A_111 = %scan3A_55 to %scan3A_57 step %scan3A_58  : i32 {
        %add3A_112 = arith.constant 0 : i32
        %add3A_113 = arith.addi %add3A_112, %scan3A_111 : i32
        %mul3A_114 = arith.constant 16 : i32
        %mul3A_115 = arith.muli %add3A_113, %mul3A_114 : i32
        %get3A = arith.index_cast %mul3A_115 : i32 to index
        %get3A_116 = tpu.vector_load %arg5[%get3A] {strides = array<i32>} : memref<2048xi32, #tpu.memory_space<vmem>>, vector<16xi32>,
        %get3A_117 = vector.shape_cast %get3A_116 : vector<16xi32> to vector<16xi32>
        %slice3A = vector.extract_strided_slice %get3A_117 {offsets = [0], sizes = [1], strides = [1]} : vector<16xi32> to vector<1xi32>
        %squeeze3A = vector.extract %slice3A[0] : i32 from vector<1xi32>
        %add3A_118 = arith.constant 0 : i32
        %add3A_119 = arith.addi %mul3A_115, %add3A_118 : i32
        %dma_start3A_120 = arith.constant 128 : i32
        %dma_start3A_121 = tpu.memref_slice %arg6[%squeeze3A, %dma_start3A_120] : memref<128x640xf32, #tpu.memory_space<vmem>> -> memref<1x512xf32, #tpu.memory_space<vmem>>
        %dma_start3A_122 = tpu.memref_squeeze %dma_start3A_121 : memref<1x512xf32, #tpu.memory_space<vmem>> -> memref<512xf32, #tpu.memory_space<vmem>>
        %dma_start3A_123 = tpu.memref_slice %arg4[%add3A_119, %multiple_of3A_54] : memref<2048x18432xf32, #tpu.memory_space<hbm>> -> memref<1x512xf32, #tpu.memory_space<hbm>>
        %dma_start3A_124 = tpu.memref_squeeze %dma_start3A_123 : memref<1x512xf32, #tpu.memory_space<hbm>> -> memref<512xf32, #tpu.memory_space<hbm>>
        %dma_start3A_125 = tpu.memref_slice %arg4[%add3A_119, %multiple_of3A_54] : memref<2048x18432xf32, #tpu.memory_space<hbm>> -> memref<1x512xf32, #tpu.memory_space<hbm>>
        %dma_start3A_126 = tpu.memref_squeeze %dma_start3A_125 : memref<1x512xf32, #tpu.memory_space<hbm>> -> memref<512xf32, #tpu.memory_space<hbm>>
        %dma_start3A_127 = arith.constant 128 : i32
        %dma_start3A_128 = tpu.memref_slice %arg6[%squeeze3A, %dma_start3A_127] : memref<128x640xf32, #tpu.memory_space<vmem>> -> memref<1x512xf32, #tpu.memory_space<vmem>>
        %dma_start3A_129 = tpu.memref_squeeze %dma_start3A_128 : memref<1x512xf32, #tpu.memory_space<vmem>> -> memref<512xf32, #tpu.memory_space<vmem>>
        tpu.enqueue_dma source(%dma_start3A_129 : memref<512xf32, #tpu.memory_space<vmem>>) target(%dma_start3A_126 : memref<512xf32, #tpu.memory_space<hbm>>) target_semaphore(%arg7 : memref<!tpu.dma_semaphore, #tpu.memory_space<semaphore_mem>>)
        %slice3A_130 = vector.extract_strided_slice %get3A_117 {offsets = [1], sizes = [1], strides = [1]} : vector<16xi32> to vector<1xi32>
        %squeeze3A_131 = vector.extract %slice3A_130[0] : i32 from vector<1xi32>
        %add3A_132 = arith.constant 1 : i32
        %add3A_133 = arith.addi %mul3A_115, %add3A_132 : i32
        %dma_start3A_134 = arith.constant 128 : i32
        %dma_start3A_135 = tpu.memref_slice %arg6[%squeeze3A_131, %dma_start3A_134] : memref<128x640xf32, #tpu.memory_space<vmem>> -> memref<1x512xf32, #tpu.memory_space<vmem>>
        %dma_start3A_136 = tpu.memref_squeeze %dma_start3A_135 : memref<1x512xf32, #tpu.memory_space<vmem>> -> memref<512xf32, #tpu.memory_space<vmem>>
        %dma_start3A_137 = tpu.memref_slice %arg4[%add3A_133, %multiple_of3A_54] : memref<2048x18432xf32, #tpu.memory_space<hbm>> -> memref<1x512xf32, #tpu.memory_space<hbm>>
        %dma_start3A_138 = tpu.memref_squeeze %dma_start3A_137 : memref<1x512xf32, #tpu.memory_space<hbm>> -> memref<512xf32, #tpu.memory_space<hbm>>
        %dma_start3A_139 = tpu.memref_slice %arg4[%add3A_133, %multiple_of3A_54] : memref<2048x18432xf32, #tpu.memory_space<hbm>> -> memref<1x512xf32, #tpu.memory_space<hbm>>
        %dma_start3A_140 = tpu.memref_squeeze %dma_start3A_139 : memref<1x512xf32, #tpu.memory_space<hbm>> -> memref<512xf32, #tpu.memory_space<hbm>>
        %dma_start3A_141 = arith.constant 128 : i32
        %dma_start3A_142 = tpu.memref_slice %arg6[%squeeze3A_131, %dma_start3A_141] : memref<128x640xf32, #tpu.memory_space<vmem>> -> memref<1x512xf32, #tpu.memory_space<vmem>>
        %dma_start3A_143 = tpu.memref_squeeze %dma_start3A_142 : memref<1x512xf32, #tpu.memory_space<vmem>> -> memref<512xf32, #tpu.memory_space<vmem>>
        tpu.enqueue_dma source(%dma_start3A_143 : memref<512xf32, #tpu.memory_space<vmem>>) target(%dma_start3A_140 : memref<512xf32, #tpu.memory_space<hbm>>) target_semaphore(%arg7 : memref<!tpu.dma_semaphore, #tpu.memory_space<semaphore_mem>>)
        %slice3A_144 = vector.extract_strided_slice %get3A_117 {offsets = [2], sizes = [1], strides = [1]} : vector<16xi32> to vector<1xi32>
        %squeeze3A_145 = vector.extract %slice3A_144[0] : i32 from vector<1xi32>
        %add3A_146 = arith.constant 2 : i32
        %add3A_147 = arith.addi %mul3A_115, %add3A_146 : i32
        %dma_start3A_148 = arith.constant 128 : i32
        %dma_start3A_149 = tpu.memref_slice %arg6[%squeeze3A_145, %dma_start3A_148] : memref<128x640xf32, #tpu.memory_space<vmem>> -> memref<1x512xf32, #tpu.memory_space<vmem>>
        %dma_start3A_150 = tpu.memref_squeeze %dma_start3A_149 : memref<1x512xf32, #tpu.memory_space<vmem>> -> memref<512xf32, #tpu.memory_space<vmem>>
        %dma_start3A_151 = tpu.memref_slice %arg4[%add3A_147, %multiple_of3A_54] : memref<2048x18432xf32, #tpu.memory_space<hbm>> -> memref<1x512xf32, #tpu.memory_space<hbm>>
        %dma_start3A_152 = tpu.memref_squeeze %dma_start3A_151 : memref<1x512xf32, #tpu.memory_space<hbm>> -> memref<512xf32, #tpu.memory_space<hbm>>
        %dma_start3A_153 = tpu.memref_slice %arg4[%add3A_147, %multiple_of3A_54] : memref<2048x18432xf32, #tpu.memory_space<hbm>> -> memref<1x512xf32, #tpu.memory_space<hbm>>
        %dma_start3A_154 = tpu.memref_squeeze %dma_start3A_153 : memref<1x512xf32, #tpu.memory_space<hbm>> -> memref<512xf32, #tpu.memory_space<hbm>>
        %dma_start3A_155 = arith.constant 128 : i32
        %dma_start3A_156 = tpu.memref_slice %arg6[%squeeze3A_145, %dma_start3A_155] : memref<128x640xf32, #tpu.memory_space<vmem>> -> memref<1x512xf32, #tpu.memory_space<vmem>>
        %dma_start3A_157 = tpu.memref_squeeze %dma_start3A_156 : memref<1x512xf32, #tpu.memory_space<vmem>> -> memref<512xf32, #tpu.memory_space<vmem>>
        tpu.enqueue_dma source(%dma_start3A_157 : memref<512xf32, #tpu.memory_space<vmem>>) target(%dma_start3A_154 : memref<512xf32, #tpu.memory_space<hbm>>) target_semaphore(%arg7 : memref<!tpu.dma_semaphore, #tpu.memory_space<semaphore_mem>>)
        %slice3A_158 = vector.extract_strided_slice %get3A_117 {offsets = [3], sizes = [1], strides = [1]} : vector<16xi32> to vector<1xi32>
        %squeeze3A_159 = vector.extract %slice3A_158[0] : i32 from vector<1xi32>
        %add3A_160 = arith.constant 3 : i32
        %add3A_161 = arith.addi %mul3A_115, %add3A_160 : i32
        %dma_start3A_162 = arith.constant 128 : i32
        %dma_start3A_163 = tpu.memref_slice %arg6[%squeeze3A_159, %dma_start3A_162] : memref<128x640xf32, #tpu.memory_space<vmem>> -> memref<1x512xf32, #tpu.memory_space<vmem>>
        %dma_start3A_164 = tpu.memref_squeeze %dma_start3A_163 : memref<1x512xf32, #tpu.memory_space<vmem>> -> memref<512xf32, #tpu.memory_space<vmem>>
        %dma_start3A_165 = tpu.memref_slice %arg4[%add3A_161, %multiple_of3A_54] : memref<2048x18432xf32, #tpu.memory_space<hbm>> -> memref<1x512xf32, #tpu.memory_space<hbm>>
        %dma_start3A_166 = tpu.memref_squeeze %dma_start3A_165 : memref<1x512xf32, #tpu.memory_space<hbm>> -> memref<512xf32, #tpu.memory_space<hbm>>
        %dma_start3A_167 = tpu.memref_slice %arg4[%add3A_161, %multiple_of3A_54] : memref<2048x18432xf32, #tpu.memory_space<hbm>> -> memref<1x512xf32, #tpu.memory_space<hbm>>
        %dma_start3A_168 = tpu.memref_squeeze %dma_start3A_167 : memref<1x512xf32, #tpu.memory_space<hbm>> -> memref<512xf32, #tpu.memory_space<hbm>>
        %dma_start3A_169 = arith.constant 128 : i32
        %dma_start3A_170 = tpu.memref_slice %arg6[%squeeze3A_159, %dma_start3A_169] : memref<128x640xf32, #tpu.memory_space<vmem>> -> memref<1x512xf32, #tpu.memory_space<vmem>>
        %dma_start3A_171 = tpu.memref_squeeze %dma_start3A_170 : memref<1x512xf32, #tpu.memory_space<vmem>> -> memref<512xf32, #tpu.memory_space<vmem>>
        tpu.enqueue_dma source(%dma_start3A_171 : memref<512xf32, #tpu.memory_space<vmem>>) target(%dma_start3A_168 : memref<512xf32, #tpu.memory_space<hbm>>) target_semaphore(%arg7 : memref<!tpu.dma_semaphore, #tpu.memory_space<semaphore_mem>>)
        %slice3A_172 = vector.extract_strided_slice %get3A_117 {offsets = [4], sizes = [1], strides = [1]} : vector<16xi32> to vector<1xi32>
        %squeeze3A_173 = vector.extract %slice3A_172[0] : i32 from vector<1xi32>
        %add3A_174 = arith.constant 4 : i32
        %add3A_175 = arith.addi %mul3A_115, %add3A_174 : i32
        %dma_start3A_176 = arith.constant 128 : i32
        %dma_start3A_177 = tpu.memref_slice %arg6[%squeeze3A_173, %dma_start3A_176] : memref<128x640xf32, #tpu.memory_space<vmem>> -> memref<1x512xf32, #tpu.memory_space<vmem>>
        %dma_start3A_178 = tpu.memref_squeeze %dma_start3A_177 : memref<1x512xf32, #tpu.memory_space<vmem>> -> memref<512xf32, #tpu.memory_space<vmem>>
        %dma_start3A_179 = tpu.memref_slice %arg4[%add3A_175, %multiple_of3A_54] : memref<2048x18432xf32, #tpu.memory_space<hbm>> -> memref<1x512xf32, #tpu.memory_space<hbm>>
        %dma_start3A_180 = tpu.memref_squeeze %dma_start3A_179 : memref<1x512xf32, #tpu.memory_space<hbm>> -> memref<512xf32, #tpu.memory_space<hbm>>
        %dma_start3A_181 = tpu.memref_slice %arg4[%add3A_175, %multiple_of3A_54] : memref<2048x18432xf32, #tpu.memory_space<hbm>> -> memref<1x512xf32, #tpu.memory_space<hbm>>
        %dma_start3A_182 = tpu.memref_squeeze %dma_start3A_181 : memref<1x512xf32, #tpu.memory_space<hbm>> -> memref<512xf32, #tpu.memory_space<hbm>>
        %dma_start3A_183 = arith.constant 128 : i32
        %dma_start3A_184 = tpu.memref_slice %arg6[%squeeze3A_173, %dma_start3A_183] : memref<128x640xf32, #tpu.memory_space<vmem>> -> memref<1x512xf32, #tpu.memory_space<vmem>>
        %dma_start3A_185 = tpu.memref_squeeze %dma_start3A_184 : memref<1x512xf32, #tpu.memory_space<vmem>> -> memref<512xf32, #tpu.memory_space<vmem>>
        tpu.enqueue_dma source(%dma_start3A_185 : memref<512xf32, #tpu.memory_space<vmem>>) target(%dma_start3A_182 : memref<512xf32, #tpu.memory_space<hbm>>) target_semaphore(%arg7 : memref<!tpu.dma_semaphore, #tpu.memory_space<semaphore_mem>>)
        %slice3A_186 = vector.extract_strided_slice %get3A_117 {offsets = [5], sizes = [1], strides = [1]} : vector<16xi32> to vector<1xi32>
        %squeeze3A_187 = vector.extract %slice3A_186[0] : i32 from vector<1xi32>
        %add3A_188 = arith.constant 5 : i32
        %add3A_189 = arith.addi %mul3A_115, %add3A_188 : i32
        %dma_start3A_190 = arith.constant 128 : i32
        %dma_start3A_191 = tpu.memref_slice %arg6[%squeeze3A_187, %dma_start3A_190] : memref<128x640xf32, #tpu.memory_space<vmem>> -> memref<1x512xf32, #tpu.memory_space<vmem>>
        %dma_start3A_192 = tpu.memref_squeeze %dma_start3A_191 : memref<1x512xf32, #tpu.memory_space<vmem>> -> memref<512xf32, #tpu.memory_space<vmem>>
        %dma_start3A_193 = tpu.memref_slice %arg4[%add3A_189, %multiple_of3A_54] : memref<2048x18432xf32, #tpu.memory_space<hbm>> -> memref<1x512xf32, #tpu.memory_space<hbm>>
        %dma_start3A_194 = tpu.memref_squeeze %dma_start3A_193 : memref<1x512xf32, #tpu.memory_space<hbm>> -> memref<512xf32, #tpu.memory_space<hbm>>
        %dma_start3A_195 = tpu.memref_slice %arg4[%add3A_189, %multiple_of3A_54] : memref<2048x18432xf32, #tpu.memory_space<hbm>> -> memref<1x512xf32, #tpu.memory_space<hbm>>
        %dma_start3A_196 = tpu.memref_squeeze %dma_start3A_195 : memref<1x512xf32, #tpu.memory_space<hbm>> -> memref<512xf32, #tpu.memory_space<hbm>>
        %dma_start3A_197 = arith.constant 128 : i32
        %dma_start3A_198 = tpu.memref_slice %arg6[%squeeze3A_187, %dma_start3A_197] : memref<128x640xf32, #tpu.memory_space<vmem>> -> memref<1x512xf32, #tpu.memory_space<vmem>>
        %dma_start3A_199 = tpu.memref_squeeze %dma_start3A_198 : memref<1x512xf32, #tpu.memory_space<vmem>> -> memref<512xf32, #tpu.memory_space<vmem>>
        tpu.enqueue_dma source(%dma_start3A_199 : memref<512xf32, #tpu.memory_space<vmem>>) target(%dma_start3A_196 : memref<512xf32, #tpu.memory_space<hbm>>) target_semaphore(%arg7 : memref<!tpu.dma_semaphore, #tpu.memory_space<semaphore_mem>>)
        %slice3A_200 = vector.extract_strided_slice %get3A_117 {offsets = [6], sizes = [1], strides = [1]} : vector<16xi32> to vector<1xi32>
        %squeeze3A_201 = vector.extract %slice3A_200[0] : i32 from vector<1xi32>
        %add3A_202 = arith.constant 6 : i32
        %add3A_203 = arith.addi %mul3A_115, %add3A_202 : i32
        %dma_start3A_204 = arith.constant 128 : i32
        %dma_start3A_205 = tpu.memref_slice %arg6[%squeeze3A_201, %dma_start3A_204] : memref<128x640xf32, #tpu.memory_space<vmem>> -> memref<1x512xf32, #tpu.memory_space<vmem>>
        %dma_start3A_206 = tpu.memref_squeeze %dma_start3A_205 : memref<1x512xf32, #tpu.memory_space<vmem>> -> memref<512xf32, #tpu.memory_space<vmem>>
        %dma_start3A_207 = tpu.memref_slice %arg4[%add3A_203, %multiple_of3A_54] : memref<2048x18432xf32, #tpu.memory_space<hbm>> -> memref<1x512xf32, #tpu.memory_space<hbm>>
        %dma_start3A_208 = tpu.memref_squeeze %dma_start3A_207 : memref<1x512xf32, #tpu.memory_space<hbm>> -> memref<512xf32, #tpu.memory_space<hbm>>
        %dma_start3A_209 = tpu.memref_slice %arg4[%add3A_203, %multiple_of3A_54] : memref<2048x18432xf32, #tpu.memory_space<hbm>> -> memref<1x512xf32, #tpu.memory_space<hbm>>
        %dma_start3A_210 = tpu.memref_squeeze %dma_start3A_209 : memref<1x512xf32, #tpu.memory_space<hbm>> -> memref<512xf32, #tpu.memory_space<hbm>>
        %dma_start3A_211 = arith.constant 128 : i32
        %dma_start3A_212 = tpu.memref_slice %arg6[%squeeze3A_201, %dma_start3A_211] : memref<128x640xf32, #tpu.memory_space<vmem>> -> memref<1x512xf32, #tpu.memory_space<vmem>>
        %dma_start3A_213 = tpu.memref_squeeze %dma_start3A_212 : memref<1x512xf32, #tpu.memory_space<vmem>> -> memref<512xf32, #tpu.memory_space<vmem>>
        tpu.enqueue_dma source(%dma_start3A_213 : memref<512xf32, #tpu.memory_space<vmem>>) target(%dma_start3A_210 : memref<512xf32, #tpu.memory_space<hbm>>) target_semaphore(%arg7 : memref<!tpu.dma_semaphore, #tpu.memory_space<semaphore_mem>>)
        %slice3A_214 = vector.extract_strided_slice %get3A_117 {offsets = [7], sizes = [1], strides = [1]} : vector<16xi32> to vector<1xi32>
        %squeeze3A_215 = vector.extract %slice3A_214[0] : i32 from vector<1xi32>
        %add3A_216 = arith.constant 7 : i32
        %add3A_217 = arith.addi %mul3A_115, %add3A_216 : i32
        %dma_start3A_218 = arith.constant 128 : i32
        %dma_start3A_219 = tpu.memref_slice %arg6[%squeeze3A_215, %dma_start3A_218] : memref<128x640xf32, #tpu.memory_space<vmem>> -> memref<1x512xf32, #tpu.memory_space<vmem>>
        %dma_start3A_220 = tpu.memref_squeeze %dma_start3A_219 : memref<1x512xf32, #tpu.memory_space<vmem>> -> memref<512xf32, #tpu.memory_space<vmem>>
        %dma_start3A_221 = tpu.memref_slice %arg4[%add3A_217, %multiple_of3A_54] : memref<2048x18432xf32, #tpu.memory_space<hbm>> -> memref<1x512xf32, #tpu.memory_space<hbm>>
        %dma_start3A_222 = tpu.memref_squeeze %dma_start3A_221 : memref<1x512xf32, #tpu.memory_space<hbm>> -> memref<512xf32, #tpu.memory_space<hbm>>
        %dma_start3A_223 = tpu.memref_slice %arg4[%add3A_217, %multiple_of3A_54] : memref<2048x18432xf32, #tpu.memory_space<hbm>> -> memref<1x512xf32, #tpu.memory_space<hbm>>
        %dma_start3A_224 = tpu.memref_squeeze %dma_start3A_223 : memref<1x512xf32, #tpu.memory_space<hbm>> -> memref<512xf32, #tpu.memory_space<hbm>>
        %dma_start3A_225 = arith.constant 128 : i32
        %dma_start3A_226 = tpu.memref_slice %arg6[%squeeze3A_215, %dma_start3A_225] : memref<128x640xf32, #tpu.memory_space<vmem>> -> memref<1x512xf32, #tpu.memory_space<vmem>>
        %dma_start3A_227 = tpu.memref_squeeze %dma_start3A_226 : memref<1x512xf32, #tpu.memory_space<vmem>> -> memref<512xf32, #tpu.memory_space<vmem>>
        tpu.enqueue_dma source(%dma_start3A_227 : memref<512xf32, #tpu.memory_space<vmem>>) target(%dma_start3A_224 : memref<512xf32, #tpu.memory_space<hbm>>) target_semaphore(%arg7 : memref<!tpu.dma_semaphore, #tpu.memory_space<semaphore_mem>>)
        %slice3A_228 = vector.extract_strided_slice %get3A_117 {offsets = [8], sizes = [1], strides = [1]} : vector<16xi32> to vector<1xi32>
        %squeeze3A_229 = vector.extract %slice3A_228[0] : i32 from vector<1xi32>
        %add3A_230 = arith.constant 8 : i32
        %add3A_231 = arith.addi %mul3A_115, %add3A_230 : i32
        %dma_start3A_232 = arith.constant 128 : i32
        %dma_start3A_233 = tpu.memref_slice %arg6[%squeeze3A_229, %dma_start3A_232] : memref<128x640xf32, #tpu.memory_space<vmem>> -> memref<1x512xf32, #tpu.memory_space<vmem>>
        %dma_start3A_234 = tpu.memref_squeeze %dma_start3A_233 : memref<1x512xf32, #tpu.memory_space<vmem>> -> memref<512xf32, #tpu.memory_space<vmem>>
        %dma_start3A_235 = tpu.memref_slice %arg4[%add3A_231, %multiple_of3A_54] : memref<2048x18432xf32, #tpu.memory_space<hbm>> -> memref<1x512xf32, #tpu.memory_space<hbm>>
        %dma_start3A_236 = tpu.memref_squeeze %dma_start3A_235 : memref<1x512xf32, #tpu.memory_space<hbm>> -> memref<512xf32, #tpu.memory_space<hbm>>
        %dma_start3A_237 = tpu.memref_slice %arg4[%add3A_231, %multiple_of3A_54] : memref<2048x18432xf32, #tpu.memory_space<hbm>> -> memref<1x512xf32, #tpu.memory_space<hbm>>
        %dma_start3A_238 = tpu.memref_squeeze %dma_start3A_237 : memref<1x512xf32, #tpu.memory_space<hbm>> -> memref<512xf32, #tpu.memory_space<hbm>>
        %dma_start3A_239 = arith.constant 128 : i32
        %dma_start3A_240 = tpu.memref_slice %arg6[%squeeze3A_229, %dma_start3A_239] : memref<128x640xf32, #tpu.memory_space<vmem>> -> memref<1x512xf32, #tpu.memory_space<vmem>>
        %dma_start3A_241 = tpu.memref_squeeze %dma_start3A_240 : memref<1x512xf32, #tpu.memory_space<vmem>> -> memref<512xf32, #tpu.memory_space<vmem>>
        tpu.enqueue_dma source(%dma_start3A_241 : memref<512xf32, #tpu.memory_space<vmem>>) target(%dma_start3A_238 : memref<512xf32, #tpu.memory_space<hbm>>) target_semaphore(%arg7 : memref<!tpu.dma_semaphore, #tpu.memory_space<semaphore_mem>>)
        %slice3A_242 = vector.extract_strided_slice %get3A_117 {offsets = [9], sizes = [1], strides = [1]} : vector<16xi32> to vector<1xi32>
        %squeeze3A_243 = vector.extract %slice3A_242[0] : i32 from vector<1xi32>
        %add3A_244 = arith.constant 9 : i32
        %add3A_245 = arith.addi %mul3A_115, %add3A_244 : i32
        %dma_start3A_246 = arith.constant 128 : i32
        %dma_start3A_247 = tpu.memref_slice %arg6[%squeeze3A_243, %dma_start3A_246] : memref<128x640xf32, #tpu.memory_space<vmem>> -> memref<1x512xf32, #tpu.memory_space<vmem>>
        %dma_start3A_248 = tpu.memref_squeeze %dma_start3A_247 : memref<1x512xf32, #tpu.memory_space<vmem>> -> memref<512xf32, #tpu.memory_space<vmem>>
        %dma_start3A_249 = tpu.memref_slice %arg4[%add3A_245, %multiple_of3A_54] : memref<2048x18432xf32, #tpu.memory_space<hbm>> -> memref<1x512xf32, #tpu.memory_space<hbm>>
        %dma_start3A_250 = tpu.memref_squeeze %dma_start3A_249 : memref<1x512xf32, #tpu.memory_space<hbm>> -> memref<512xf32, #tpu.memory_space<hbm>>
        %dma_start3A_251 = tpu.memref_slice %arg4[%add3A_245, %multiple_of3A_54] : memref<2048x18432xf32, #tpu.memory_space<hbm>> -> memref<1x512xf32, #tpu.memory_space<hbm>>
        %dma_start3A_252 = tpu.memref_squeeze %dma_start3A_251 : memref<1x512xf32, #tpu.memory_space<hbm>> -> memref<512xf32, #tpu.memory_space<hbm>>
        %dma_start3A_253 = arith.constant 128 : i32
        %dma_start3A_254 = tpu.memref_slice %arg6[%squeeze3A_243, %dma_start3A_253] : memref<128x640xf32, #tpu.memory_space<vmem>> -> memref<1x512xf32, #tpu.memory_space<vmem>>
        %dma_start3A_255 = tpu.memref_squeeze %dma_start3A_254 : memref<1x512xf32, #tpu.memory_space<vmem>> -> memref<512xf32, #tpu.memory_space<vmem>>
        tpu.enqueue_dma source(%dma_start3A_255 : memref<512xf32, #tpu.memory_space<vmem>>) target(%dma_start3A_252 : memref<512xf32, #tpu.memory_space<hbm>>) target_semaphore(%arg7 : memref<!tpu.dma_semaphore, #tpu.memory_space<semaphore_mem>>)
        %slice3A_256 = vector.extract_strided_slice %get3A_117 {offsets = [10], sizes = [1], strides = [1]} : vector<16xi32> to vector<1xi32>
        %squeeze3A_257 = vector.extract %slice3A_256[0] : i32 from vector<1xi32>
        %add3A_258 = arith.constant 10 : i32
        %add3A_259 = arith.addi %mul3A_115, %add3A_258 : i32
        %dma_start3A_260 = arith.constant 128 : i32
        %dma_start3A_261 = tpu.memref_slice %arg6[%squeeze3A_257, %dma_start3A_260] : memref<128x640xf32, #tpu.memory_space<vmem>> -> memref<1x512xf32, #tpu.memory_space<vmem>>
        %dma_start3A_262 = tpu.memref_squeeze %dma_start3A_261 : memref<1x512xf32, #tpu.memory_space<vmem>> -> memref<512xf32, #tpu.memory_space<vmem>>
        %dma_start3A_263 = tpu.memref_slice %arg4[%add3A_259, %multiple_of3A_54] : memref<2048x18432xf32, #tpu.memory_space<hbm>> -> memref<1x512xf32, #tpu.memory_space<hbm>>
        %dma_start3A_264 = tpu.memref_squeeze %dma_start3A_263 : memref<1x512xf32, #tpu.memory_space<hbm>> -> memref<512xf32, #tpu.memory_space<hbm>>
        %dma_start3A_265 = tpu.memref_slice %arg4[%add3A_259, %multiple_of3A_54] : memref<2048x18432xf32, #tpu.memory_space<hbm>> -> memref<1x512xf32, #tpu.memory_space<hbm>>
        %dma_start3A_266 = tpu.memref_squeeze %dma_start3A_265 : memref<1x512xf32, #tpu.memory_space<hbm>> -> memref<512xf32, #tpu.memory_space<hbm>>
        %dma_start3A_267 = arith.constant 128 : i32
        %dma_start3A_268 = tpu.memref_slice %arg6[%squeeze3A_257, %dma_start3A_267] : memref<128x640xf32, #tpu.memory_space<vmem>> -> memref<1x512xf32, #tpu.memory_space<vmem>>
        %dma_start3A_269 = tpu.memref_squeeze %dma_start3A_268 : memref<1x512xf32, #tpu.memory_space<vmem>> -> memref<512xf32, #tpu.memory_space<vmem>>
        tpu.enqueue_dma source(%dma_start3A_269 : memref<512xf32, #tpu.memory_space<vmem>>) target(%dma_start3A_266 : memref<512xf32, #tpu.memory_space<hbm>>) target_semaphore(%arg7 : memref<!tpu.dma_semaphore, #tpu.memory_space<semaphore_mem>>)
        %slice3A_270 = vector.extract_strided_slice %get3A_117 {offsets = [11], sizes = [1], strides = [1]} : vector<16xi32> to vector<1xi32>
        %squeeze3A_271 = vector.extract %slice3A_270[0] : i32 from vector<1xi32>
        %add3A_272 = arith.constant 11 : i32
        %add3A_273 = arith.addi %mul3A_115, %add3A_272 : i32
        %dma_start3A_274 = arith.constant 128 : i32
        %dma_start3A_275 = tpu.memref_slice %arg6[%squeeze3A_271, %dma_start3A_274] : memref<128x640xf32, #tpu.memory_space<vmem>> -> memref<1x512xf32, #tpu.memory_space<vmem>>
        %dma_start3A_276 = tpu.memref_squeeze %dma_start3A_275 : memref<1x512xf32, #tpu.memory_space<vmem>> -> memref<512xf32, #tpu.memory_space<vmem>>
        %dma_start3A_277 = tpu.memref_slice %arg4[%add3A_273, %multiple_of3A_54] : memref<2048x18432xf32, #tpu.memory_space<hbm>> -> memref<1x512xf32, #tpu.memory_space<hbm>>
        %dma_start3A_278 = tpu.memref_squeeze %dma_start3A_277 : memref<1x512xf32, #tpu.memory_space<hbm>> -> memref<512xf32, #tpu.memory_space<hbm>>
        %dma_start3A_279 = tpu.memref_slice %arg4[%add3A_273, %multiple_of3A_54] : memref<2048x18432xf32, #tpu.memory_space<hbm>> -> memref<1x512xf32, #tpu.memory_space<hbm>>
        %dma_start3A_280 = tpu.memref_squeeze %dma_start3A_279 : memref<1x512xf32, #tpu.memory_space<hbm>> -> memref<512xf32, #tpu.memory_space<hbm>>
        %dma_start3A_281 = arith.constant 128 : i32
        %dma_start3A_282 = tpu.memref_slice %arg6[%squeeze3A_271, %dma_start3A_281] : memref<128x640xf32, #tpu.memory_space<vmem>> -> memref<1x512xf32, #tpu.memory_space<vmem>>
        %dma_start3A_283 = tpu.memref_squeeze %dma_start3A_282 : memref<1x512xf32, #tpu.memory_space<vmem>> -> memref<512xf32, #tpu.memory_space<vmem>>
        tpu.enqueue_dma source(%dma_start3A_283 : memref<512xf32, #tpu.memory_space<vmem>>) target(%dma_start3A_280 : memref<512xf32, #tpu.memory_space<hbm>>) target_semaphore(%arg7 : memref<!tpu.dma_semaphore, #tpu.memory_space<semaphore_mem>>)
        %slice3A_284 = vector.extract_strided_slice %get3A_117 {offsets = [12], sizes = [1], strides = [1]} : vector<16xi32> to vector<1xi32>
        %squeeze3A_285 = vector.extract %slice3A_284[0] : i32 from vector<1xi32>
        %add3A_286 = arith.constant 12 : i32
        %add3A_287 = arith.addi %mul3A_115, %add3A_286 : i32
        %dma_start3A_288 = arith.constant 128 : i32
        %dma_start3A_289 = tpu.memref_slice %arg6[%squeeze3A_285, %dma_start3A_288] : memref<128x640xf32, #tpu.memory_space<vmem>> -> memref<1x512xf32, #tpu.memory_space<vmem>>
        %dma_start3A_290 = tpu.memref_squeeze %dma_start3A_289 : memref<1x512xf32, #tpu.memory_space<vmem>> -> memref<512xf32, #tpu.memory_space<vmem>>
        %dma_start3A_291 = tpu.memref_slice %arg4[%add3A_287, %multiple_of3A_54] : memref<2048x18432xf32, #tpu.memory_space<hbm>> -> memref<1x512xf32, #tpu.memory_space<hbm>>
        %dma_start3A_292 = tpu.memref_squeeze %dma_start3A_291 : memref<1x512xf32, #tpu.memory_space<hbm>> -> memref<512xf32, #tpu.memory_space<hbm>>
        %dma_start3A_293 = tpu.memref_slice %arg4[%add3A_287, %multiple_of3A_54] : memref<2048x18432xf32, #tpu.memory_space<hbm>> -> memref<1x512xf32, #tpu.memory_space<hbm>>
        %dma_start3A_294 = tpu.memref_squeeze %dma_start3A_293 : memref<1x512xf32, #tpu.memory_space<hbm>> -> memref<512xf32, #tpu.memory_space<hbm>>
        %dma_start3A_295 = arith.constant 128 : i32
        %dma_start3A_296 = tpu.memref_slice %arg6[%squeeze3A_285, %dma_start3A_295] : memref<128x640xf32, #tpu.memory_space<vmem>> -> memref<1x512xf32, #tpu.memory_space<vmem>>
        %dma_start3A_297 = tpu.memref_squeeze %dma_start3A_296 : memref<1x512xf32, #tpu.memory_space<vmem>> -> memref<512xf32, #tpu.memory_space<vmem>>
        tpu.enqueue_dma source(%dma_start3A_297 : memref<512xf32, #tpu.memory_space<vmem>>) target(%dma_start3A_294 : memref<512xf32, #tpu.memory_space<hbm>>) target_semaphore(%arg7 : memref<!tpu.dma_semaphore, #tpu.memory_space<semaphore_mem>>)
        %slice3A_298 = vector.extract_strided_slice %get3A_117 {offsets = [13], sizes = [1], strides = [1]} : vector<16xi32> to vector<1xi32>
        %squeeze3A_299 = vector.extract %slice3A_298[0] : i32 from vector<1xi32>
        %add3A_300 = arith.constant 13 : i32
        %add3A_301 = arith.addi %mul3A_115, %add3A_300 : i32
        %dma_start3A_302 = arith.constant 128 : i32
        %dma_start3A_303 = tpu.memref_slice %arg6[%squeeze3A_299, %dma_start3A_302] : memref<128x640xf32, #tpu.memory_space<vmem>> -> memref<1x512xf32, #tpu.memory_space<vmem>>
        %dma_start3A_304 = tpu.memref_squeeze %dma_start3A_303 : memref<1x512xf32, #tpu.memory_space<vmem>> -> memref<512xf32, #tpu.memory_space<vmem>>
        %dma_start3A_305 = tpu.memref_slice %arg4[%add3A_301, %multiple_of3A_54] : memref<2048x18432xf32, #tpu.memory_space<hbm>> -> memref<1x512xf32, #tpu.memory_space<hbm>>
        %dma_start3A_306 = tpu.memref_squeeze %dma_start3A_305 : memref<1x512xf32, #tpu.memory_space<hbm>> -> memref<512xf32, #tpu.memory_space<hbm>>
        %dma_start3A_307 = tpu.memref_slice %arg4[%add3A_301, %multiple_of3A_54] : memref<2048x18432xf32, #tpu.memory_space<hbm>> -> memref<1x512xf32, #tpu.memory_space<hbm>>
        %dma_start3A_308 = tpu.memref_squeeze %dma_start3A_307 : memref<1x512xf32, #tpu.memory_space<hbm>> -> memref<512xf32, #tpu.memory_space<hbm>>
        %dma_start3A_309 = arith.constant 128 : i32
        %dma_start3A_310 = tpu.memref_slice %arg6[%squeeze3A_299, %dma_start3A_309] : memref<128x640xf32, #tpu.memory_space<vmem>> -> memref<1x512xf32, #tpu.memory_space<vmem>>
        %dma_start3A_311 = tpu.memref_squeeze %dma_start3A_310 : memref<1x512xf32, #tpu.memory_space<vmem>> -> memref<512xf32, #tpu.memory_space<vmem>>
        tpu.enqueue_dma source(%dma_start3A_311 : memref<512xf32, #tpu.memory_space<vmem>>) target(%dma_start3A_308 : memref<512xf32, #tpu.memory_space<hbm>>) target_semaphore(%arg7 : memref<!tpu.dma_semaphore, #tpu.memory_space<semaphore_mem>>)
        %slice3A_312 = vector.extract_strided_slice %get3A_117 {offsets = [14], sizes = [1], strides = [1]} : vector<16xi32> to vector<1xi32>
        %squeeze3A_313 = vector.extract %slice3A_312[0] : i32 from vector<1xi32>
        %add3A_314 = arith.constant 14 : i32
        %add3A_315 = arith.addi %mul3A_115, %add3A_314 : i32
        %dma_start3A_316 = arith.constant 128 : i32
        %dma_start3A_317 = tpu.memref_slice %arg6[%squeeze3A_313, %dma_start3A_316] : memref<128x640xf32, #tpu.memory_space<vmem>> -> memref<1x512xf32, #tpu.memory_space<vmem>>
        %dma_start3A_318 = tpu.memref_squeeze %dma_start3A_317 : memref<1x512xf32, #tpu.memory_space<vmem>> -> memref<512xf32, #tpu.memory_space<vmem>>
        %dma_start3A_319 = tpu.memref_slice %arg4[%add3A_315, %multiple_of3A_54] : memref<2048x18432xf32, #tpu.memory_space<hbm>> -> memref<1x512xf32, #tpu.memory_space<hbm>>
        %dma_start3A_320 = tpu.memref_squeeze %dma_start3A_319 : memref<1x512xf32, #tpu.memory_space<hbm>> -> memref<512xf32, #tpu.memory_space<hbm>>
        %dma_start3A_321 = tpu.memref_slice %arg4[%add3A_315, %multiple_of3A_54] : memref<2048x18432xf32, #tpu.memory_space<hbm>> -> memref<1x512xf32, #tpu.memory_space<hbm>>
        %dma_start3A_322 = tpu.memref_squeeze %dma_start3A_321 : memref<1x512xf32, #tpu.memory_space<hbm>> -> memref<512xf32, #tpu.memory_space<hbm>>
        %dma_start3A_323 = arith.constant 128 : i32
        %dma_start3A_324 = tpu.memref_slice %arg6[%squeeze3A_313, %dma_start3A_323] : memref<128x640xf32, #tpu.memory_space<vmem>> -> memref<1x512xf32, #tpu.memory_space<vmem>>
        %dma_start3A_325 = tpu.memref_squeeze %dma_start3A_324 : memref<1x512xf32, #tpu.memory_space<vmem>> -> memref<512xf32, #tpu.memory_space<vmem>>
        tpu.enqueue_dma source(%dma_start3A_325 : memref<512xf32, #tpu.memory_space<vmem>>) target(%dma_start3A_322 : memref<512xf32, #tpu.memory_space<hbm>>) target_semaphore(%arg7 : memref<!tpu.dma_semaphore, #tpu.memory_space<semaphore_mem>>)
        %slice3A_326 = vector.extract_strided_slice %get3A_117 {offsets = [15], sizes = [1], strides = [1]} : vector<16xi32> to vector<1xi32>
        %squeeze3A_327 = vector.extract %slice3A_326[0] : i32 from vector<1xi32>
        %add3A_328 = arith.constant 15 : i32
        %add3A_329 = arith.addi %mul3A_115, %add3A_328 : i32
        %dma_start3A_330 = arith.constant 128 : i32
        %dma_start3A_331 = tpu.memref_slice %arg6[%squeeze3A_327, %dma_start3A_330] : memref<128x640xf32, #tpu.memory_space<vmem>> -> memref<1x512xf32, #tpu.memory_space<vmem>>
        %dma_start3A_332 = tpu.memref_squeeze %dma_start3A_331 : memref<1x512xf32, #tpu.memory_space<vmem>> -> memref<512xf32, #tpu.memory_space<vmem>>
        %dma_start3A_333 = tpu.memref_slice %arg4[%add3A_329, %multiple_of3A_54] : memref<2048x18432xf32, #tpu.memory_space<hbm>> -> memref<1x512xf32, #tpu.memory_space<hbm>>
        %dma_start3A_334 = tpu.memref_squeeze %dma_start3A_333 : memref<1x512xf32, #tpu.memory_space<hbm>> -> memref<512xf32, #tpu.memory_space<hbm>>
        %dma_start3A_335 = tpu.memref_slice %arg4[%add3A_329, %multiple_of3A_54] : memref<2048x18432xf32, #tpu.memory_space<hbm>> -> memref<1x512xf32, #tpu.memory_space<hbm>>
        %dma_start3A_336 = tpu.memref_squeeze %dma_start3A_335 : memref<1x512xf32, #tpu.memory_space<hbm>> -> memref<512xf32, #tpu.memory_space<hbm>>
        %dma_start3A_337 = arith.constant 128 : i32
        %dma_start3A_338 = tpu.memref_slice %arg6[%squeeze3A_327, %dma_start3A_337] : memref<128x640xf32, #tpu.memory_space<vmem>> -> memref<1x512xf32, #tpu.memory_space<vmem>>
        %dma_start3A_339 = tpu.memref_squeeze %dma_start3A_338 : memref<1x512xf32, #tpu.memory_space<vmem>> -> memref<512xf32, #tpu.memory_space<vmem>>
        tpu.enqueue_dma source(%dma_start3A_339 : memref<512xf32, #tpu.memory_space<vmem>>) target(%dma_start3A_336 : memref<512xf32, #tpu.memory_space<hbm>>) target_semaphore(%arg7 : memref<!tpu.dma_semaphore, #tpu.memory_space<semaphore_mem>>)
        %gt3A = arith.constant 1 : i32
        %gt3A_340 = arith.cmpi sgt, %scan3A_111, %gt3A : i32
        %convert_element_type3A_341 = arith.extui %gt3A_340 : i1 to i32
        %cond3A_342 = arith.constant 0 : i32
        %cond3A_343 = arith.cmpi ne, %convert_element_type3A_341, %cond3A_342 : i32
        scf.if %cond3A_343 {
          %dma_wait3A_344 = arith.constant 0 : i32
          %dma_wait3A_345 = arith.constant 128 : i32
          %dma_wait3A_346 = tpu.memref_slice %arg6[%dma_wait3A_344, %dma_wait3A_345] : memref<128x640xf32, #tpu.memory_space<vmem>> -> memref<16x512xf32, #tpu.memory_space<vmem>>
          %dma_wait3A_347 = arith.constant 0 : i32
          %dma_wait3A_348 = tpu.memref_slice %arg4[%dma_wait3A_347, %multiple_of3A_54] : memref<2048x18432xf32, #tpu.memory_space<hbm>> -> memref<16x512xf32, #tpu.memory_space<hbm>>
          %dma_wait3A_349 = arith.constant 0 : i32
          %dma_wait3A_350 = tpu.memref_slice %arg4[%dma_wait3A_349, %multiple_of3A_54] : memref<2048x18432xf32, #tpu.memory_space<hbm>> -> memref<16x512xf32, #tpu.memory_space<hbm>>
          %dma_wait3A_351 = arith.constant 0 : i32
          %dma_wait3A_352 = arith.constant 128 : i32
          %dma_wait3A_353 = tpu.memref_slice %arg6[%dma_wait3A_351, %dma_wait3A_352] : memref<128x640xf32, #tpu.memory_space<vmem>> -> memref<16x512xf32, #tpu.memory_space<vmem>>
          tpu.wait_dma2 semaphore(%arg7 : memref<!tpu.dma_semaphore, #tpu.memory_space<semaphore_mem>>) src(%dma_wait3A_353 : memref<16x512xf32, #tpu.memory_space<vmem>>) dst(%dma_wait3A_350 : memref<16x512xf32, #tpu.memory_space<hbm>>)
        } else {
        }
      }
      %scan3A_59 = arith.constant 64 : i32
      %dma_wait3A_60 = arith.constant 0 : i32
      %dma_wait3A_61 = arith.constant 128 : i32
      %dma_wait3A_62 = tpu.memref_slice %arg6[%dma_wait3A_60, %dma_wait3A_61] : memref<128x640xf32, #tpu.memory_space<vmem>> -> memref<16x512xf32, #tpu.memory_space<vmem>>
      %dma_wait3A_63 = arith.constant 0 : i32
      %dma_wait3A_64 = tpu.memref_slice %arg4[%dma_wait3A_63, %multiple_of3A_54] : memref<2048x18432xf32, #tpu.memory_space<hbm>> -> memref<16x512xf32, #tpu.memory_space<hbm>>
      %dma_wait3A_65 = arith.constant 0 : i32
      %dma_wait3A_66 = tpu.memref_slice %arg4[%dma_wait3A_65, %multiple_of3A_54] : memref<2048x18432xf32, #tpu.memory_space<hbm>> -> memref<16x512xf32, #tpu.memory_space<hbm>>
      %dma_wait3A_67 = arith.constant 0 : i32
      %dma_wait3A_68 = arith.constant 128 : i32
      %dma_wait3A_69 = tpu.memref_slice %arg6[%dma_wait3A_67, %dma_wait3A_68] : memref<128x640xf32, #tpu.memory_space<vmem>> -> memref<16x512xf32, #tpu.memory_space<vmem>>
      tpu.wait_dma2 semaphore(%arg7 : memref<!tpu.dma_semaphore, #tpu.memory_space<semaphore_mem>>) src(%dma_wait3A_69 : memref<16x512xf32, #tpu.memory_space<vmem>>) dst(%dma_wait3A_66 : memref<16x512xf32, #tpu.memory_space<hbm>>)
      %dma_wait3A_70 = arith.constant 0 : i32
      %dma_wait3A_71 = arith.constant 128 : i32
      %dma_wait3A_72 = tpu.memref_slice %arg6[%dma_wait3A_70, %dma_wait3A_71] : memref<128x640xf32, #tpu.memory_space<vmem>> -> memref<16x512xf32, #tpu.memory_space<vmem>>
      %dma_wait3A_73 = arith.constant 0 : i32
      %dma_wait3A_74 = tpu.memref_slice %arg4[%dma_wait3A_73, %multiple_of3A_54] : memref<2048x18432xf32, #tpu.memory_space<hbm>> -> memref<16x512xf32, #tpu.memory_space<hbm>>
      %dma_wait3A_75 = arith.constant 0 : i32
      %dma_wait3A_76 = tpu.memref_slice %arg4[%dma_wait3A_75, %multiple_of3A_54] : memref<2048x18432xf32, #tpu.memory_space<hbm>> -> memref<16x512xf32, #tpu.memory_space<hbm>>
      %dma_wait3A_77 = arith.constant 0 : i32
      %dma_wait3A_78 = arith.constant 128 : i32
      %dma_wait3A_79 = tpu.memref_slice %arg6[%dma_wait3A_77, %dma_wait3A_78] : memref<128x640xf32, #tpu.memory_space<vmem>> -> memref<16x512xf32, #tpu.memory_space<vmem>>
      tpu.wait_dma2 semaphore(%arg7 : memref<!tpu.dma_semaphore, #tpu.memory_space<semaphore_mem>>) src(%dma_wait3A_79 : memref<16x512xf32, #tpu.memory_space<vmem>>) dst(%dma_wait3A_76 : memref<16x512xf32, #tpu.memory_space<hbm>>)
      %mul3A_80 = arith.constant 1152 : i32
      %mul3A_81 = arith.muli %select_n3A, %mul3A_80 : i32
      %add3A_82 = arith.constant 512 : i32
      %add3A_83 = arith.addi %mul3A_81, %add3A_82 : i32
      %multiple_of3A_84 = tpu.assume_multiple %add3A_83, 128 : i32
      %scan3A_85 = arith.constant 0 : i32
      %scan3A_86 = arith.constant 0 : i32
      %scan3A_87 = arith.constant 64 : i32
      %scan3A_88 = arith.addi %scan3A_86, %scan3A_87 : i32
      %scan3A_89 = arith.constant 1 : i32
      scf.for %scan3A_111 = %scan3A_86 to %scan3A_88 step %scan3A_89  : i32 {
        %add3A_112 = arith.constant 64 : i32
        %add3A_113 = arith.addi %add3A_112, %scan3A_111 : i32
        %mul3A_114 = arith.constant 16 : i32
        %mul3A_115 = arith.muli %add3A_113, %mul3A_114 : i32
        %get3A = arith.index_cast %mul3A_115 : i32 to index
        %get3A_116 = tpu.vector_load %arg5[%get3A] {strides = array<i32>} : memref<2048xi32, #tpu.memory_space<vmem>>, vector<16xi32>,
        %get3A_117 = vector.shape_cast %get3A_116 : vector<16xi32> to vector<16xi32>
        %slice3A = vector.extract_strided_slice %get3A_117 {offsets = [0], sizes = [1], strides = [1]} : vector<16xi32> to vector<1xi32>
        %squeeze3A = vector.extract %slice3A[0] : i32 from vector<1xi32>
        %add3A_118 = arith.constant 0 : i32
        %add3A_119 = arith.addi %mul3A_115, %add3A_118 : i32
        %dma_start3A_120 = arith.constant 0 : i32
        %dma_start3A_121 = tpu.memref_slice %arg6[%squeeze3A, %dma_start3A_120] : memref<128x640xf32, #tpu.memory_space<vmem>> -> memref<1x640xf32, #tpu.memory_space<vmem>>
        %dma_start3A_122 = tpu.memref_squeeze %dma_start3A_121 : memref<1x640xf32, #tpu.memory_space<vmem>> -> memref<640xf32, #tpu.memory_space<vmem>>
        %dma_start3A_123 = tpu.memref_slice %arg4[%add3A_119, %multiple_of3A_84] : memref<2048x18432xf32, #tpu.memory_space<hbm>> -> memref<1x640xf32, #tpu.memory_space<hbm>>
        %dma_start3A_124 = tpu.memref_squeeze %dma_start3A_123 : memref<1x640xf32, #tpu.memory_space<hbm>> -> memref<640xf32, #tpu.memory_space<hbm>>
        %dma_start3A_125 = tpu.memref_slice %arg4[%add3A_119, %multiple_of3A_84] : memref<2048x18432xf32, #tpu.memory_space<hbm>> -> memref<1x640xf32, #tpu.memory_space<hbm>>
        %dma_start3A_126 = tpu.memref_squeeze %dma_start3A_125 : memref<1x640xf32, #tpu.memory_space<hbm>> -> memref<640xf32, #tpu.memory_space<hbm>>
        %dma_start3A_127 = arith.constant 0 : i32
        %dma_start3A_128 = tpu.memref_slice %arg6[%squeeze3A, %dma_start3A_127] : memref<128x640xf32, #tpu.memory_space<vmem>> -> memref<1x640xf32, #tpu.memory_space<vmem>>
        %dma_start3A_129 = tpu.memref_squeeze %dma_start3A_128 : memref<1x640xf32, #tpu.memory_space<vmem>> -> memref<640xf32, #tpu.memory_space<vmem>>
        tpu.enqueue_dma source(%dma_start3A_129 : memref<640xf32, #tpu.memory_space<vmem>>) target(%dma_start3A_126 : memref<640xf32, #tpu.memory_space<hbm>>) target_semaphore(%arg7 : memref<!tpu.dma_semaphore, #tpu.memory_space<semaphore_mem>>)
        %slice3A_130 = vector.extract_strided_slice %get3A_117 {offsets = [1], sizes = [1], strides = [1]} : vector<16xi32> to vector<1xi32>
        %squeeze3A_131 = vector.extract %slice3A_130[0] : i32 from vector<1xi32>
        %add3A_132 = arith.constant 1 : i32
        %add3A_133 = arith.addi %mul3A_115, %add3A_132 : i32
        %dma_start3A_134 = arith.constant 0 : i32
        %dma_start3A_135 = tpu.memref_slice %arg6[%squeeze3A_131, %dma_start3A_134] : memref<128x640xf32, #tpu.memory_space<vmem>> -> memref<1x640xf32, #tpu.memory_space<vmem>>
        %dma_start3A_136 = tpu.memref_squeeze %dma_start3A_135 : memref<1x640xf32, #tpu.memory_space<vmem>> -> memref<640xf32, #tpu.memory_space<vmem>>
        %dma_start3A_137 = tpu.memref_slice %arg4[%add3A_133, %multiple_of3A_84] : memref<2048x18432xf32, #tpu.memory_space<hbm>> -> memref<1x640xf32, #tpu.memory_space<hbm>>
        %dma_start3A_138 = tpu.memref_squeeze %dma_start3A_137 : memref<1x640xf32, #tpu.memory_space<hbm>> -> memref<640xf32, #tpu.memory_space<hbm>>
        %dma_start3A_139 = tpu.memref_slice %arg4[%add3A_133, %multiple_of3A_84] : memref<2048x18432xf32, #tpu.memory_space<hbm>> -> memref<1x640xf32, #tpu.memory_space<hbm>>
        %dma_start3A_140 = tpu.memref_squeeze %dma_start3A_139 : memref<1x640xf32, #tpu.memory_space<hbm>> -> memref<640xf32, #tpu.memory_space<hbm>>
        %dma_start3A_141 = arith.constant 0 : i32
        %dma_start3A_142 = tpu.memref_slice %arg6[%squeeze3A_131, %dma_start3A_141] : memref<128x640xf32, #tpu.memory_space<vmem>> -> memref<1x640xf32, #tpu.memory_space<vmem>>
        %dma_start3A_143 = tpu.memref_squeeze %dma_start3A_142 : memref<1x640xf32, #tpu.memory_space<vmem>> -> memref<640xf32, #tpu.memory_space<vmem>>
        tpu.enqueue_dma source(%dma_start3A_143 : memref<640xf32, #tpu.memory_space<vmem>>) target(%dma_start3A_140 : memref<640xf32, #tpu.memory_space<hbm>>) target_semaphore(%arg7 : memref<!tpu.dma_semaphore, #tpu.memory_space<semaphore_mem>>)
        %slice3A_144 = vector.extract_strided_slice %get3A_117 {offsets = [2], sizes = [1], strides = [1]} : vector<16xi32> to vector<1xi32>
        %squeeze3A_145 = vector.extract %slice3A_144[0] : i32 from vector<1xi32>
        %add3A_146 = arith.constant 2 : i32
        %add3A_147 = arith.addi %mul3A_115, %add3A_146 : i32
        %dma_start3A_148 = arith.constant 0 : i32
        %dma_start3A_149 = tpu.memref_slice %arg6[%squeeze3A_145, %dma_start3A_148] : memref<128x640xf32, #tpu.memory_space<vmem>> -> memref<1x640xf32, #tpu.memory_space<vmem>>
        %dma_start3A_150 = tpu.memref_squeeze %dma_start3A_149 : memref<1x640xf32, #tpu.memory_space<vmem>> -> memref<640xf32, #tpu.memory_space<vmem>>
        %dma_start3A_151 = tpu.memref_slice %arg4[%add3A_147, %multiple_of3A_84] : memref<2048x18432xf32, #tpu.memory_space<hbm>> -> memref<1x640xf32, #tpu.memory_space<hbm>>
        %dma_start3A_152 = tpu.memref_squeeze %dma_start3A_151 : memref<1x640xf32, #tpu.memory_space<hbm>> -> memref<640xf32, #tpu.memory_space<hbm>>
        %dma_start3A_153 = tpu.memref_slice %arg4[%add3A_147, %multiple_of3A_84] : memref<2048x18432xf32, #tpu.memory_space<hbm>> -> memref<1x640xf32, #tpu.memory_space<hbm>>
        %dma_start3A_154 = tpu.memref_squeeze %dma_start3A_153 : memref<1x640xf32, #tpu.memory_space<hbm>> -> memref<640xf32, #tpu.memory_space<hbm>>
        %dma_start3A_155 = arith.constant 0 : i32
        %dma_start3A_156 = tpu.memref_slice %arg6[%squeeze3A_145, %dma_start3A_155] : memref<128x640xf32, #tpu.memory_space<vmem>> -> memref<1x640xf32, #tpu.memory_space<vmem>>
        %dma_start3A_157 = tpu.memref_squeeze %dma_start3A_156 : memref<1x640xf32, #tpu.memory_space<vmem>> -> memref<640xf32, #tpu.memory_space<vmem>>
        tpu.enqueue_dma source(%dma_start3A_157 : memref<640xf32, #tpu.memory_space<vmem>>) target(%dma_start3A_154 : memref<640xf32, #tpu.memory_space<hbm>>) target_semaphore(%arg7 : memref<!tpu.dma_semaphore, #tpu.memory_space<semaphore_mem>>)
        %slice3A_158 = vector.extract_strided_slice %get3A_117 {offsets = [3], sizes = [1], strides = [1]} : vector<16xi32> to vector<1xi32>
        %squeeze3A_159 = vector.extract %slice3A_158[0] : i32 from vector<1xi32>
        %add3A_160 = arith.constant 3 : i32
        %add3A_161 = arith.addi %mul3A_115, %add3A_160 : i32
        %dma_start3A_162 = arith.constant 0 : i32
        %dma_start3A_163 = tpu.memref_slice %arg6[%squeeze3A_159, %dma_start3A_162] : memref<128x640xf32, #tpu.memory_space<vmem>> -> memref<1x640xf32, #tpu.memory_space<vmem>>
        %dma_start3A_164 = tpu.memref_squeeze %dma_start3A_163 : memref<1x640xf32, #tpu.memory_space<vmem>> -> memref<640xf32, #tpu.memory_space<vmem>>
        %dma_start3A_165 = tpu.memref_slice %arg4[%add3A_161, %multiple_of3A_84] : memref<2048x18432xf32, #tpu.memory_space<hbm>> -> memref<1x640xf32, #tpu.memory_space<hbm>>
        %dma_start3A_166 = tpu.memref_squeeze %dma_start3A_165 : memref<1x640xf32, #tpu.memory_space<hbm>> -> memref<640xf32, #tpu.memory_space<hbm>>
        %dma_start3A_167 = tpu.memref_slice %arg4[%add3A_161, %multiple_of3A_84] : memref<2048x18432xf32, #tpu.memory_space<hbm>> -> memref<1x640xf32, #tpu.memory_space<hbm>>
        %dma_start3A_168 = tpu.memref_squeeze %dma_start3A_167 : memref<1x640xf32, #tpu.memory_space<hbm>> -> memref<640xf32, #tpu.memory_space<hbm>>
        %dma_start3A_169 = arith.constant 0 : i32
        %dma_start3A_170 = tpu.memref_slice %arg6[%squeeze3A_159, %dma_start3A_169] : memref<128x640xf32, #tpu.memory_space<vmem>> -> memref<1x640xf32, #tpu.memory_space<vmem>>
        %dma_start3A_171 = tpu.memref_squeeze %dma_start3A_170 : memref<1x640xf32, #tpu.memory_space<vmem>> -> memref<640xf32, #tpu.memory_space<vmem>>
        tpu.enqueue_dma source(%dma_start3A_171 : memref<640xf32, #tpu.memory_space<vmem>>) target(%dma_start3A_168 : memref<640xf32, #tpu.memory_space<hbm>>) target_semaphore(%arg7 : memref<!tpu.dma_semaphore, #tpu.memory_space<semaphore_mem>>)
        %slice3A_172 = vector.extract_strided_slice %get3A_117 {offsets = [4], sizes = [1], strides = [1]} : vector<16xi32> to vector<1xi32>
        %squeeze3A_173 = vector.extract %slice3A_172[0] : i32 from vector<1xi32>
        %add3A_174 = arith.constant 4 : i32
        %add3A_175 = arith.addi %mul3A_115, %add3A_174 : i32
        %dma_start3A_176 = arith.constant 0 : i32
        %dma_start3A_177 = tpu.memref_slice %arg6[%squeeze3A_173, %dma_start3A_176] : memref<128x640xf32, #tpu.memory_space<vmem>> -> memref<1x640xf32, #tpu.memory_space<vmem>>
        %dma_start3A_178 = tpu.memref_squeeze %dma_start3A_177 : memref<1x640xf32, #tpu.memory_space<vmem>> -> memref<640xf32, #tpu.memory_space<vmem>>
        %dma_start3A_179 = tpu.memref_slice %arg4[%add3A_175, %multiple_of3A_84] : memref<2048x18432xf32, #tpu.memory_space<hbm>> -> memref<1x640xf32, #tpu.memory_space<hbm>>
        %dma_start3A_180 = tpu.memref_squeeze %dma_start3A_179 : memref<1x640xf32, #tpu.memory_space<hbm>> -> memref<640xf32, #tpu.memory_space<hbm>>
        %dma_start3A_181 = tpu.memref_slice %arg4[%add3A_175, %multiple_of3A_84] : memref<2048x18432xf32, #tpu.memory_space<hbm>> -> memref<1x640xf32, #tpu.memory_space<hbm>>
        %dma_start3A_182 = tpu.memref_squeeze %dma_start3A_181 : memref<1x640xf32, #tpu.memory_space<hbm>> -> memref<640xf32, #tpu.memory_space<hbm>>
        %dma_start3A_183 = arith.constant 0 : i32
        %dma_start3A_184 = tpu.memref_slice %arg6[%squeeze3A_173, %dma_start3A_183] : memref<128x640xf32, #tpu.memory_space<vmem>> -> memref<1x640xf32, #tpu.memory_space<vmem>>
        %dma_start3A_185 = tpu.memref_squeeze %dma_start3A_184 : memref<1x640xf32, #tpu.memory_space<vmem>> -> memref<640xf32, #tpu.memory_space<vmem>>
        tpu.enqueue_dma source(%dma_start3A_185 : memref<640xf32, #tpu.memory_space<vmem>>) target(%dma_start3A_182 : memref<640xf32, #tpu.memory_space<hbm>>) target_semaphore(%arg7 : memref<!tpu.dma_semaphore, #tpu.memory_space<semaphore_mem>>)
        %slice3A_186 = vector.extract_strided_slice %get3A_117 {offsets = [5], sizes = [1], strides = [1]} : vector<16xi32> to vector<1xi32>
        %squeeze3A_187 = vector.extract %slice3A_186[0] : i32 from vector<1xi32>
        %add3A_188 = arith.constant 5 : i32
        %add3A_189 = arith.addi %mul3A_115, %add3A_188 : i32
        %dma_start3A_190 = arith.constant 0 : i32
        %dma_start3A_191 = tpu.memref_slice %arg6[%squeeze3A_187, %dma_start3A_190] : memref<128x640xf32, #tpu.memory_space<vmem>> -> memref<1x640xf32, #tpu.memory_space<vmem>>
        %dma_start3A_192 = tpu.memref_squeeze %dma_start3A_191 : memref<1x640xf32, #tpu.memory_space<vmem>> -> memref<640xf32, #tpu.memory_space<vmem>>
        %dma_start3A_193 = tpu.memref_slice %arg4[%add3A_189, %multiple_of3A_84] : memref<2048x18432xf32, #tpu.memory_space<hbm>> -> memref<1x640xf32, #tpu.memory_space<hbm>>
        %dma_start3A_194 = tpu.memref_squeeze %dma_start3A_193 : memref<1x640xf32, #tpu.memory_space<hbm>> -> memref<640xf32, #tpu.memory_space<hbm>>
        %dma_start3A_195 = tpu.memref_slice %arg4[%add3A_189, %multiple_of3A_84] : memref<2048x18432xf32, #tpu.memory_space<hbm>> -> memref<1x640xf32, #tpu.memory_space<hbm>>
        %dma_start3A_196 = tpu.memref_squeeze %dma_start3A_195 : memref<1x640xf32, #tpu.memory_space<hbm>> -> memref<640xf32, #tpu.memory_space<hbm>>
        %dma_start3A_197 = arith.constant 0 : i32
        %dma_start3A_198 = tpu.memref_slice %arg6[%squeeze3A_187, %dma_start3A_197] : memref<128x640xf32, #tpu.memory_space<vmem>> -> memref<1x640xf32, #tpu.memory_space<vmem>>
        %dma_start3A_199 = tpu.memref_squeeze %dma_start3A_198 : memref<1x640xf32, #tpu.memory_space<vmem>> -> memref<640xf32, #tpu.memory_space<vmem>>
        tpu.enqueue_dma source(%dma_start3A_199 : memref<640xf32, #tpu.memory_space<vmem>>) target(%dma_start3A_196 : memref<640xf32, #tpu.memory_space<hbm>>) target_semaphore(%arg7 : memref<!tpu.dma_semaphore, #tpu.memory_space<semaphore_mem>>)
        %slice3A_200 = vector.extract_strided_slice %get3A_117 {offsets = [6], sizes = [1], strides = [1]} : vector<16xi32> to vector<1xi32>
        %squeeze3A_201 = vector.extract %slice3A_200[0] : i32 from vector<1xi32>
        %add3A_202 = arith.constant 6 : i32
        %add3A_203 = arith.addi %mul3A_115, %add3A_202 : i32
        %dma_start3A_204 = arith.constant 0 : i32
        %dma_start3A_205 = tpu.memref_slice %arg6[%squeeze3A_201, %dma_start3A_204] : memref<128x640xf32, #tpu.memory_space<vmem>> -> memref<1x640xf32, #tpu.memory_space<vmem>>
        %dma_start3A_206 = tpu.memref_squeeze %dma_start3A_205 : memref<1x640xf32, #tpu.memory_space<vmem>> -> memref<640xf32, #tpu.memory_space<vmem>>
        %dma_start3A_207 = tpu.memref_slice %arg4[%add3A_203, %multiple_of3A_84] : memref<2048x18432xf32, #tpu.memory_space<hbm>> -> memref<1x640xf32, #tpu.memory_space<hbm>>
        %dma_start3A_208 = tpu.memref_squeeze %dma_start3A_207 : memref<1x640xf32, #tpu.memory_space<hbm>> -> memref<640xf32, #tpu.memory_space<hbm>>
        %dma_start3A_209 = tpu.memref_slice %arg4[%add3A_203, %multiple_of3A_84] : memref<2048x18432xf32, #tpu.memory_space<hbm>> -> memref<1x640xf32, #tpu.memory_space<hbm>>
        %dma_start3A_210 = tpu.memref_squeeze %dma_start3A_209 : memref<1x640xf32, #tpu.memory_space<hbm>> -> memref<640xf32, #tpu.memory_space<hbm>>
        %dma_start3A_211 = arith.constant 0 : i32
        %dma_start3A_212 = tpu.memref_slice %arg6[%squeeze3A_201, %dma_start3A_211] : memref<128x640xf32, #tpu.memory_space<vmem>> -> memref<1x640xf32, #tpu.memory_space<vmem>>
        %dma_start3A_213 = tpu.memref_squeeze %dma_start3A_212 : memref<1x640xf32, #tpu.memory_space<vmem>> -> memref<640xf32, #tpu.memory_space<vmem>>
        tpu.enqueue_dma source(%dma_start3A_213 : memref<640xf32, #tpu.memory_space<vmem>>) target(%dma_start3A_210 : memref<640xf32, #tpu.memory_space<hbm>>) target_semaphore(%arg7 : memref<!tpu.dma_semaphore, #tpu.memory_space<semaphore_mem>>)
        %slice3A_214 = vector.extract_strided_slice %get3A_117 {offsets = [7], sizes = [1], strides = [1]} : vector<16xi32> to vector<1xi32>
        %squeeze3A_215 = vector.extract %slice3A_214[0] : i32 from vector<1xi32>
        %add3A_216 = arith.constant 7 : i32
        %add3A_217 = arith.addi %mul3A_115, %add3A_216 : i32
        %dma_start3A_218 = arith.constant 0 : i32
        %dma_start3A_219 = tpu.memref_slice %arg6[%squeeze3A_215, %dma_start3A_218] : memref<128x640xf32, #tpu.memory_space<vmem>> -> memref<1x640xf32, #tpu.memory_space<vmem>>
        %dma_start3A_220 = tpu.memref_squeeze %dma_start3A_219 : memref<1x640xf32, #tpu.memory_space<vmem>> -> memref<640xf32, #tpu.memory_space<vmem>>
        %dma_start3A_221 = tpu.memref_slice %arg4[%add3A_217, %multiple_of3A_84] : memref<2048x18432xf32, #tpu.memory_space<hbm>> -> memref<1x640xf32, #tpu.memory_space<hbm>>
        %dma_start3A_222 = tpu.memref_squeeze %dma_start3A_221 : memref<1x640xf32, #tpu.memory_space<hbm>> -> memref<640xf32, #tpu.memory_space<hbm>>
        %dma_start3A_223 = tpu.memref_slice %arg4[%add3A_217, %multiple_of3A_84] : memref<2048x18432xf32, #tpu.memory_space<hbm>> -> memref<1x640xf32, #tpu.memory_space<hbm>>
        %dma_start3A_224 = tpu.memref_squeeze %dma_start3A_223 : memref<1x640xf32, #tpu.memory_space<hbm>> -> memref<640xf32, #tpu.memory_space<hbm>>
        %dma_start3A_225 = arith.constant 0 : i32
        %dma_start3A_226 = tpu.memref_slice %arg6[%squeeze3A_215, %dma_start3A_225] : memref<128x640xf32, #tpu.memory_space<vmem>> -> memref<1x640xf32, #tpu.memory_space<vmem>>
        %dma_start3A_227 = tpu.memref_squeeze %dma_start3A_226 : memref<1x640xf32, #tpu.memory_space<vmem>> -> memref<640xf32, #tpu.memory_space<vmem>>
        tpu.enqueue_dma source(%dma_start3A_227 : memref<640xf32, #tpu.memory_space<vmem>>) target(%dma_start3A_224 : memref<640xf32, #tpu.memory_space<hbm>>) target_semaphore(%arg7 : memref<!tpu.dma_semaphore, #tpu.memory_space<semaphore_mem>>)
        %slice3A_228 = vector.extract_strided_slice %get3A_117 {offsets = [8], sizes = [1], strides = [1]} : vector<16xi32> to vector<1xi32>
        %squeeze3A_229 = vector.extract %slice3A_228[0] : i32 from vector<1xi32>
        %add3A_230 = arith.constant 8 : i32
        %add3A_231 = arith.addi %mul3A_115, %add3A_230 : i32
        %dma_start3A_232 = arith.constant 0 : i32
        %dma_start3A_233 = tpu.memref_slice %arg6[%squeeze3A_229, %dma_start3A_232] : memref<128x640xf32, #tpu.memory_space<vmem>> -> memref<1x640xf32, #tpu.memory_space<vmem>>
        %dma_start3A_234 = tpu.memref_squeeze %dma_start3A_233 : memref<1x640xf32, #tpu.memory_space<vmem>> -> memref<640xf32, #tpu.memory_space<vmem>>
        %dma_start3A_235 = tpu.memref_slice %arg4[%add3A_231, %multiple_of3A_84] : memref<2048x18432xf32, #tpu.memory_space<hbm>> -> memref<1x640xf32, #tpu.memory_space<hbm>>
        %dma_start3A_236 = tpu.memref_squeeze %dma_start3A_235 : memref<1x640xf32, #tpu.memory_space<hbm>> -> memref<640xf32, #tpu.memory_space<hbm>>
        %dma_start3A_237 = tpu.memref_slice %arg4[%add3A_231, %multiple_of3A_84] : memref<2048x18432xf32, #tpu.memory_space<hbm>> -> memref<1x640xf32, #tpu.memory_space<hbm>>
        %dma_start3A_238 = tpu.memref_squeeze %dma_start3A_237 : memref<1x640xf32, #tpu.memory_space<hbm>> -> memref<640xf32, #tpu.memory_space<hbm>>
        %dma_start3A_239 = arith.constant 0 : i32
        %dma_start3A_240 = tpu.memref_slice %arg6[%squeeze3A_229, %dma_start3A_239] : memref<128x640xf32, #tpu.memory_space<vmem>> -> memref<1x640xf32, #tpu.memory_space<vmem>>
        %dma_start3A_241 = tpu.memref_squeeze %dma_start3A_240 : memref<1x640xf32, #tpu.memory_space<vmem>> -> memref<640xf32, #tpu.memory_space<vmem>>
        tpu.enqueue_dma source(%dma_start3A_241 : memref<640xf32, #tpu.memory_space<vmem>>) target(%dma_start3A_238 : memref<640xf32, #tpu.memory_space<hbm>>) target_semaphore(%arg7 : memref<!tpu.dma_semaphore, #tpu.memory_space<semaphore_mem>>)
        %slice3A_242 = vector.extract_strided_slice %get3A_117 {offsets = [9], sizes = [1], strides = [1]} : vector<16xi32> to vector<1xi32>
        %squeeze3A_243 = vector.extract %slice3A_242[0] : i32 from vector<1xi32>
        %add3A_244 = arith.constant 9 : i32
        %add3A_245 = arith.addi %mul3A_115, %add3A_244 : i32
        %dma_start3A_246 = arith.constant 0 : i32
        %dma_start3A_247 = tpu.memref_slice %arg6[%squeeze3A_243, %dma_start3A_246] : memref<128x640xf32, #tpu.memory_space<vmem>> -> memref<1x640xf32, #tpu.memory_space<vmem>>
        %dma_start3A_248 = tpu.memref_squeeze %dma_start3A_247 : memref<1x640xf32, #tpu.memory_space<vmem>> -> memref<640xf32, #tpu.memory_space<vmem>>
        %dma_start3A_249 = tpu.memref_slice %arg4[%add3A_245, %multiple_of3A_84] : memref<2048x18432xf32, #tpu.memory_space<hbm>> -> memref<1x640xf32, #tpu.memory_space<hbm>>
        %dma_start3A_250 = tpu.memref_squeeze %dma_start3A_249 : memref<1x640xf32, #tpu.memory_space<hbm>> -> memref<640xf32, #tpu.memory_space<hbm>>
        %dma_start3A_251 = tpu.memref_slice %arg4[%add3A_245, %multiple_of3A_84] : memref<2048x18432xf32, #tpu.memory_space<hbm>> -> memref<1x640xf32, #tpu.memory_space<hbm>>
        %dma_start3A_252 = tpu.memref_squeeze %dma_start3A_251 : memref<1x640xf32, #tpu.memory_space<hbm>> -> memref<640xf32, #tpu.memory_space<hbm>>
        %dma_start3A_253 = arith.constant 0 : i32
        %dma_start3A_254 = tpu.memref_slice %arg6[%squeeze3A_243, %dma_start3A_253] : memref<128x640xf32, #tpu.memory_space<vmem>> -> memref<1x640xf32, #tpu.memory_space<vmem>>
        %dma_start3A_255 = tpu.memref_squeeze %dma_start3A_254 : memref<1x640xf32, #tpu.memory_space<vmem>> -> memref<640xf32, #tpu.memory_space<vmem>>
        tpu.enqueue_dma source(%dma_start3A_255 : memref<640xf32, #tpu.memory_space<vmem>>) target(%dma_start3A_252 : memref<640xf32, #tpu.memory_space<hbm>>) target_semaphore(%arg7 : memref<!tpu.dma_semaphore, #tpu.memory_space<semaphore_mem>>)
        %slice3A_256 = vector.extract_strided_slice %get3A_117 {offsets = [10], sizes = [1], strides = [1]} : vector<16xi32> to vector<1xi32>
        %squeeze3A_257 = vector.extract %slice3A_256[0] : i32 from vector<1xi32>
        %add3A_258 = arith.constant 10 : i32
        %add3A_259 = arith.addi %mul3A_115, %add3A_258 : i32
        %dma_start3A_260 = arith.constant 0 : i32
        %dma_start3A_261 = tpu.memref_slice %arg6[%squeeze3A_257, %dma_start3A_260] : memref<128x640xf32, #tpu.memory_space<vmem>> -> memref<1x640xf32, #tpu.memory_space<vmem>>
        %dma_start3A_262 = tpu.memref_squeeze %dma_start3A_261 : memref<1x640xf32, #tpu.memory_space<vmem>> -> memref<640xf32, #tpu.memory_space<vmem>>
        %dma_start3A_263 = tpu.memref_slice %arg4[%add3A_259, %multiple_of3A_84] : memref<2048x18432xf32, #tpu.memory_space<hbm>> -> memref<1x640xf32, #tpu.memory_space<hbm>>
        %dma_start3A_264 = tpu.memref_squeeze %dma_start3A_263 : memref<1x640xf32, #tpu.memory_space<hbm>> -> memref<640xf32, #tpu.memory_space<hbm>>
        %dma_start3A_265 = tpu.memref_slice %arg4[%add3A_259, %multiple_of3A_84] : memref<2048x18432xf32, #tpu.memory_space<hbm>> -> memref<1x640xf32, #tpu.memory_space<hbm>>
        %dma_start3A_266 = tpu.memref_squeeze %dma_start3A_265 : memref<1x640xf32, #tpu.memory_space<hbm>> -> memref<640xf32, #tpu.memory_space<hbm>>
        %dma_start3A_267 = arith.constant 0 : i32
        %dma_start3A_268 = tpu.memref_slice %arg6[%squeeze3A_257, %dma_start3A_267] : memref<128x640xf32, #tpu.memory_space<vmem>> -> memref<1x640xf32, #tpu.memory_space<vmem>>
        %dma_start3A_269 = tpu.memref_squeeze %dma_start3A_268 : memref<1x640xf32, #tpu.memory_space<vmem>> -> memref<640xf32, #tpu.memory_space<vmem>>
        tpu.enqueue_dma source(%dma_start3A_269 : memref<640xf32, #tpu.memory_space<vmem>>) target(%dma_start3A_266 : memref<640xf32, #tpu.memory_space<hbm>>) target_semaphore(%arg7 : memref<!tpu.dma_semaphore, #tpu.memory_space<semaphore_mem>>)
        %slice3A_270 = vector.extract_strided_slice %get3A_117 {offsets = [11], sizes = [1], strides = [1]} : vector<16xi32> to vector<1xi32>
        %squeeze3A_271 = vector.extract %slice3A_270[0] : i32 from vector<1xi32>
        %add3A_272 = arith.constant 11 : i32
        %add3A_273 = arith.addi %mul3A_115, %add3A_272 : i32
        %dma_start3A_274 = arith.constant 0 : i32
        %dma_start3A_275 = tpu.memref_slice %arg6[%squeeze3A_271, %dma_start3A_274] : memref<128x640xf32, #tpu.memory_space<vmem>> -> memref<1x640xf32, #tpu.memory_space<vmem>>
        %dma_start3A_276 = tpu.memref_squeeze %dma_start3A_275 : memref<1x640xf32, #tpu.memory_space<vmem>> -> memref<640xf32, #tpu.memory_space<vmem>>
        %dma_start3A_277 = tpu.memref_slice %arg4[%add3A_273, %multiple_of3A_84] : memref<2048x18432xf32, #tpu.memory_space<hbm>> -> memref<1x640xf32, #tpu.memory_space<hbm>>
        %dma_start3A_278 = tpu.memref_squeeze %dma_start3A_277 : memref<1x640xf32, #tpu.memory_space<hbm>> -> memref<640xf32, #tpu.memory_space<hbm>>
        %dma_start3A_279 = tpu.memref_slice %arg4[%add3A_273, %multiple_of3A_84] : memref<2048x18432xf32, #tpu.memory_space<hbm>> -> memref<1x640xf32, #tpu.memory_space<hbm>>
        %dma_start3A_280 = tpu.memref_squeeze %dma_start3A_279 : memref<1x640xf32, #tpu.memory_space<hbm>> -> memref<640xf32, #tpu.memory_space<hbm>>
        %dma_start3A_281 = arith.constant 0 : i32
        %dma_start3A_282 = tpu.memref_slice %arg6[%squeeze3A_271, %dma_start3A_281] : memref<128x640xf32, #tpu.memory_space<vmem>> -> memref<1x640xf32, #tpu.memory_space<vmem>>
        %dma_start3A_283 = tpu.memref_squeeze %dma_start3A_282 : memref<1x640xf32, #tpu.memory_space<vmem>> -> memref<640xf32, #tpu.memory_space<vmem>>
        tpu.enqueue_dma source(%dma_start3A_283 : memref<640xf32, #tpu.memory_space<vmem>>) target(%dma_start3A_280 : memref<640xf32, #tpu.memory_space<hbm>>) target_semaphore(%arg7 : memref<!tpu.dma_semaphore, #tpu.memory_space<semaphore_mem>>)
        %slice3A_284 = vector.extract_strided_slice %get3A_117 {offsets = [12], sizes = [1], strides = [1]} : vector<16xi32> to vector<1xi32>
        %squeeze3A_285 = vector.extract %slice3A_284[0] : i32 from vector<1xi32>
        %add3A_286 = arith.constant 12 : i32
        %add3A_287 = arith.addi %mul3A_115, %add3A_286 : i32
        %dma_start3A_288 = arith.constant 0 : i32
        %dma_start3A_289 = tpu.memref_slice %arg6[%squeeze3A_285, %dma_start3A_288] : memref<128x640xf32, #tpu.memory_space<vmem>> -> memref<1x640xf32, #tpu.memory_space<vmem>>
        %dma_start3A_290 = tpu.memref_squeeze %dma_start3A_289 : memref<1x640xf32, #tpu.memory_space<vmem>> -> memref<640xf32, #tpu.memory_space<vmem>>
        %dma_start3A_291 = tpu.memref_slice %arg4[%add3A_287, %multiple_of3A_84] : memref<2048x18432xf32, #tpu.memory_space<hbm>> -> memref<1x640xf32, #tpu.memory_space<hbm>>
        %dma_start3A_292 = tpu.memref_squeeze %dma_start3A_291 : memref<1x640xf32, #tpu.memory_space<hbm>> -> memref<640xf32, #tpu.memory_space<hbm>>
        %dma_start3A_293 = tpu.memref_slice %arg4[%add3A_287, %multiple_of3A_84] : memref<2048x18432xf32, #tpu.memory_space<hbm>> -> memref<1x640xf32, #tpu.memory_space<hbm>>
        %dma_start3A_294 = tpu.memref_squeeze %dma_start3A_293 : memref<1x640xf32, #tpu.memory_space<hbm>> -> memref<640xf32, #tpu.memory_space<hbm>>
        %dma_start3A_295 = arith.constant 0 : i32
        %dma_start3A_296 = tpu.memref_slice %arg6[%squeeze3A_285, %dma_start3A_295] : memref<128x640xf32, #tpu.memory_space<vmem>> -> memref<1x640xf32, #tpu.memory_space<vmem>>
        %dma_start3A_297 = tpu.memref_squeeze %dma_start3A_296 : memref<1x640xf32, #tpu.memory_space<vmem>> -> memref<640xf32, #tpu.memory_space<vmem>>
        tpu.enqueue_dma source(%dma_start3A_297 : memref<640xf32, #tpu.memory_space<vmem>>) target(%dma_start3A_294 : memref<640xf32, #tpu.memory_space<hbm>>) target_semaphore(%arg7 : memref<!tpu.dma_semaphore, #tpu.memory_space<semaphore_mem>>)
        %slice3A_298 = vector.extract_strided_slice %get3A_117 {offsets = [13], sizes = [1], strides = [1]} : vector<16xi32> to vector<1xi32>
        %squeeze3A_299 = vector.extract %slice3A_298[0] : i32 from vector<1xi32>
        %add3A_300 = arith.constant 13 : i32
        %add3A_301 = arith.addi %mul3A_115, %add3A_300 : i32
        %dma_start3A_302 = arith.constant 0 : i32
        %dma_start3A_303 = tpu.memref_slice %arg6[%squeeze3A_299, %dma_start3A_302] : memref<128x640xf32, #tpu.memory_space<vmem>> -> memref<1x640xf32, #tpu.memory_space<vmem>>
        %dma_start3A_304 = tpu.memref_squeeze %dma_start3A_303 : memref<1x640xf32, #tpu.memory_space<vmem>> -> memref<640xf32, #tpu.memory_space<vmem>>
        %dma_start3A_305 = tpu.memref_slice %arg4[%add3A_301, %multiple_of3A_84] : memref<2048x18432xf32, #tpu.memory_space<hbm>> -> memref<1x640xf32, #tpu.memory_space<hbm>>
        %dma_start3A_306 = tpu.memref_squeeze %dma_start3A_305 : memref<1x640xf32, #tpu.memory_space<hbm>> -> memref<640xf32, #tpu.memory_space<hbm>>
        %dma_start3A_307 = tpu.memref_slice %arg4[%add3A_301, %multiple_of3A_84] : memref<2048x18432xf32, #tpu.memory_space<hbm>> -> memref<1x640xf32, #tpu.memory_space<hbm>>
        %dma_start3A_308 = tpu.memref_squeeze %dma_start3A_307 : memref<1x640xf32, #tpu.memory_space<hbm>> -> memref<640xf32, #tpu.memory_space<hbm>>
        %dma_start3A_309 = arith.constant 0 : i32
        %dma_start3A_310 = tpu.memref_slice %arg6[%squeeze3A_299, %dma_start3A_309] : memref<128x640xf32, #tpu.memory_space<vmem>> -> memref<1x640xf32, #tpu.memory_space<vmem>>
        %dma_start3A_311 = tpu.memref_squeeze %dma_start3A_310 : memref<1x640xf32, #tpu.memory_space<vmem>> -> memref<640xf32, #tpu.memory_space<vmem>>
        tpu.enqueue_dma source(%dma_start3A_311 : memref<640xf32, #tpu.memory_space<vmem>>) target(%dma_start3A_308 : memref<640xf32, #tpu.memory_space<hbm>>) target_semaphore(%arg7 : memref<!tpu.dma_semaphore, #tpu.memory_space<semaphore_mem>>)
        %slice3A_312 = vector.extract_strided_slice %get3A_117 {offsets = [14], sizes = [1], strides = [1]} : vector<16xi32> to vector<1xi32>
        %squeeze3A_313 = vector.extract %slice3A_312[0] : i32 from vector<1xi32>
        %add3A_314 = arith.constant 14 : i32
        %add3A_315 = arith.addi %mul3A_115, %add3A_314 : i32
        %dma_start3A_316 = arith.constant 0 : i32
        %dma_start3A_317 = tpu.memref_slice %arg6[%squeeze3A_313, %dma_start3A_316] : memref<128x640xf32, #tpu.memory_space<vmem>> -> memref<1x640xf32, #tpu.memory_space<vmem>>
        %dma_start3A_318 = tpu.memref_squeeze %dma_start3A_317 : memref<1x640xf32, #tpu.memory_space<vmem>> -> memref<640xf32, #tpu.memory_space<vmem>>
        %dma_start3A_319 = tpu.memref_slice %arg4[%add3A_315, %multiple_of3A_84] : memref<2048x18432xf32, #tpu.memory_space<hbm>> -> memref<1x640xf32, #tpu.memory_space<hbm>>
        %dma_start3A_320 = tpu.memref_squeeze %dma_start3A_319 : memref<1x640xf32, #tpu.memory_space<hbm>> -> memref<640xf32, #tpu.memory_space<hbm>>
        %dma_start3A_321 = tpu.memref_slice %arg4[%add3A_315, %multiple_of3A_84] : memref<2048x18432xf32, #tpu.memory_space<hbm>> -> memref<1x640xf32, #tpu.memory_space<hbm>>
        %dma_start3A_322 = tpu.memref_squeeze %dma_start3A_321 : memref<1x640xf32, #tpu.memory_space<hbm>> -> memref<640xf32, #tpu.memory_space<hbm>>
        %dma_start3A_323 = arith.constant 0 : i32
        %dma_start3A_324 = tpu.memref_slice %arg6[%squeeze3A_313, %dma_start3A_323] : memref<128x640xf32, #tpu.memory_space<vmem>> -> memref<1x640xf32, #tpu.memory_space<vmem>>
        %dma_start3A_325 = tpu.memref_squeeze %dma_start3A_324 : memref<1x640xf32, #tpu.memory_space<vmem>> -> memref<640xf32, #tpu.memory_space<vmem>>
        tpu.enqueue_dma source(%dma_start3A_325 : memref<640xf32, #tpu.memory_space<vmem>>) target(%dma_start3A_322 : memref<640xf32, #tpu.memory_space<hbm>>) target_semaphore(%arg7 : memref<!tpu.dma_semaphore, #tpu.memory_space<semaphore_mem>>)
        %slice3A_326 = vector.extract_strided_slice %get3A_117 {offsets = [15], sizes = [1], strides = [1]} : vector<16xi32> to vector<1xi32>
        %squeeze3A_327 = vector.extract %slice3A_326[0] : i32 from vector<1xi32>
        %add3A_328 = arith.constant 15 : i32
        %add3A_329 = arith.addi %mul3A_115, %add3A_328 : i32
        %dma_start3A_330 = arith.constant 0 : i32
        %dma_start3A_331 = tpu.memref_slice %arg6[%squeeze3A_327, %dma_start3A_330] : memref<128x640xf32, #tpu.memory_space<vmem>> -> memref<1x640xf32, #tpu.memory_space<vmem>>
        %dma_start3A_332 = tpu.memref_squeeze %dma_start3A_331 : memref<1x640xf32, #tpu.memory_space<vmem>> -> memref<640xf32, #tpu.memory_space<vmem>>
        %dma_start3A_333 = tpu.memref_slice %arg4[%add3A_329, %multiple_of3A_84] : memref<2048x18432xf32, #tpu.memory_space<hbm>> -> memref<1x640xf32, #tpu.memory_space<hbm>>
        %dma_start3A_334 = tpu.memref_squeeze %dma_start3A_333 : memref<1x640xf32, #tpu.memory_space<hbm>> -> memref<640xf32, #tpu.memory_space<hbm>>
        %dma_start3A_335 = tpu.memref_slice %arg4[%add3A_329, %multiple_of3A_84] : memref<2048x18432xf32, #tpu.memory_space<hbm>> -> memref<1x640xf32, #tpu.memory_space<hbm>>
        %dma_start3A_336 = tpu.memref_squeeze %dma_start3A_335 : memref<1x640xf32, #tpu.memory_space<hbm>> -> memref<640xf32, #tpu.memory_space<hbm>>
        %dma_start3A_337 = arith.constant 0 : i32
        %dma_start3A_338 = tpu.memref_slice %arg6[%squeeze3A_327, %dma_start3A_337] : memref<128x640xf32, #tpu.memory_space<vmem>> -> memref<1x640xf32, #tpu.memory_space<vmem>>
        %dma_start3A_339 = tpu.memref_squeeze %dma_start3A_338 : memref<1x640xf32, #tpu.memory_space<vmem>> -> memref<640xf32, #tpu.memory_space<vmem>>
        tpu.enqueue_dma source(%dma_start3A_339 : memref<640xf32, #tpu.memory_space<vmem>>) target(%dma_start3A_336 : memref<640xf32, #tpu.memory_space<hbm>>) target_semaphore(%arg7 : memref<!tpu.dma_semaphore, #tpu.memory_space<semaphore_mem>>)
        %gt3A = arith.constant 1 : i32
        %gt3A_340 = arith.cmpi sgt, %scan3A_111, %gt3A : i32
        %convert_element_type3A_341 = arith.extui %gt3A_340 : i1 to i32
        %cond3A_342 = arith.constant 0 : i32
        %cond3A_343 = arith.cmpi ne, %convert_element_type3A_341, %cond3A_342 : i32
        scf.if %cond3A_343 {
          %dma_wait3A_344 = arith.constant 0 : i32
          %dma_wait3A_345 = arith.constant 0 : i32
          %dma_wait3A_346 = tpu.memref_slice %arg6[%dma_wait3A_344, %dma_wait3A_345] : memref<128x640xf32, #tpu.memory_space<vmem>> -> memref<16x640xf32, #tpu.memory_space<vmem>>
          %dma_wait3A_347 = arith.constant 0 : i32
          %dma_wait3A_348 = tpu.memref_slice %arg4[%dma_wait3A_347, %multiple_of3A_84] : memref<2048x18432xf32, #tpu.memory_space<hbm>> -> memref<16x640xf32, #tpu.memory_space<hbm>>
          %dma_wait3A_349 = arith.constant 0 : i32
          %dma_wait3A_350 = tpu.memref_slice %arg4[%dma_wait3A_349, %multiple_of3A_84] : memref<2048x18432xf32, #tpu.memory_space<hbm>> -> memref<16x640xf32, #tpu.memory_space<hbm>>
          %dma_wait3A_351 = arith.constant 0 : i32
          %dma_wait3A_352 = arith.constant 0 : i32
          %dma_wait3A_353 = tpu.memref_slice %arg6[%dma_wait3A_351, %dma_wait3A_352] : memref<128x640xf32, #tpu.memory_space<vmem>> -> memref<16x640xf32, #tpu.memory_space<vmem>>
          tpu.wait_dma2 semaphore(%arg7 : memref<!tpu.dma_semaphore, #tpu.memory_space<semaphore_mem>>) src(%dma_wait3A_353 : memref<16x640xf32, #tpu.memory_space<vmem>>) dst(%dma_wait3A_350 : memref<16x640xf32, #tpu.memory_space<hbm>>)
        } else {
        }
      }
      %scan3A_90 = arith.constant 64 : i32
      %dma_wait3A_91 = arith.constant 0 : i32
      %dma_wait3A_92 = arith.constant 0 : i32
      %dma_wait3A_93 = tpu.memref_slice %arg6[%dma_wait3A_91, %dma_wait3A_92] : memref<128x640xf32, #tpu.memory_space<vmem>> -> memref<16x640xf32, #tpu.memory_space<vmem>>
      %dma_wait3A_94 = arith.constant 0 : i32
      %dma_wait3A_95 = tpu.memref_slice %arg4[%dma_wait3A_94, %multiple_of3A_84] : memref<2048x18432xf32, #tpu.memory_space<hbm>> -> memref<16x640xf32, #tpu.memory_space<hbm>>
      %dma_wait3A_96 = arith.constant 0 : i32
      %dma_wait3A_97 = tpu.memref_slice %arg4[%dma_wait3A_96, %multiple_of3A_84] : memref<2048x18432xf32, #tpu.memory_space<hbm>> -> memref<16x640xf32, #tpu.memory_space<hbm>>
      %dma_wait3A_98 = arith.constant 0 : i32
      %dma_wait3A_99 = arith.constant 0 : i32
      %dma_wait3A_100 = tpu.memref_slice %arg6[%dma_wait3A_98, %dma_wait3A_99] : memref<128x640xf32, #tpu.memory_space<vmem>> -> memref<16x640xf32, #tpu.memory_space<vmem>>
      tpu.wait_dma2 semaphore(%arg7 : memref<!tpu.dma_semaphore, #tpu.memory_space<semaphore_mem>>) src(%dma_wait3A_100 : memref<16x640xf32, #tpu.memory_space<vmem>>) dst(%dma_wait3A_97 : memref<16x640xf32, #tpu.memory_space<hbm>>)
      %dma_wait3A_101 = arith.constant 0 : i32
      %dma_wait3A_102 = arith.constant 0 : i32
      %dma_wait3A_103 = tpu.memref_slice %arg6[%dma_wait3A_101, %dma_wait3A_102] : memref<128x640xf32, #tpu.memory_space<vmem>> -> memref<16x640xf32, #tpu.memory_space<vmem>>
      %dma_wait3A_104 = arith.constant 0 : i32
      %dma_wait3A_105 = tpu.memref_slice %arg4[%dma_wait3A_104, %multiple_of3A_84] : memref<2048x18432xf32, #tpu.memory_space<hbm>> -> memref<16x640xf32, #tpu.memory_space<hbm>>
      %dma_wait3A_106 = arith.constant 0 : i32
      %dma_wait3A_107 = tpu.memref_slice %arg4[%dma_wait3A_106, %multiple_of3A_84] : memref<2048x18432xf32, #tpu.memory_space<hbm>> -> memref<16x640xf32, #tpu.memory_space<hbm>>
      %dma_wait3A_108 = arith.constant 0 : i32
      %dma_wait3A_109 = arith.constant 0 : i32
      %dma_wait3A_110 = tpu.memref_slice %arg6[%dma_wait3A_108, %dma_wait3A_109] : memref<128x640xf32, #tpu.memory_space<vmem>> -> memref<16x640xf32, #tpu.memory_space<vmem>>
      tpu.wait_dma2 semaphore(%arg7 : memref<!tpu.dma_semaphore, #tpu.memory_space<semaphore_mem>>) src(%dma_wait3A_110 : memref<16x640xf32, #tpu.memory_space<vmem>>) dst(%dma_wait3A_107 : memref<16x640xf32, #tpu.memory_space<hbm>>)
    } else {
    }
    return
  }
}

</mosaic_0001>

<sc_bundles>
// kernel: kernel.3.cloned.1.call-start
scs
__scs_entry_jumppad:
0x0: {  	(pc) =	sbr.rel $0x88, $3  }
0x1: {  	(tag) =	ssettag $0x0;
	lr =	simm.s32 $0x1  }
0x2: {  	[smem:$0x3F9F] =	sst lr;
	_ =	strace $0xD0000000  }
0x3: {  	_ = 	snop  }
0x4: {  	_ = 	snop  }
0x5: {  	_ = 	snop  }
0x6: {  	_ = 	snop  }
0x7: {  	_ = 	snop  }
__scs_overlays_trampoline_lowered:
0x8: {  	[smem:$0x3FAE] =	sst s0  }
0x9: {  	[smem:$0x3FAF] =	sst s1  }
0xa: {  	[smem:$0x3FB0] =	sst s2  }
0xb: {  	[smem:$0x3FB1] =	sst s3  }
0xc: {  	[smem:$0x3FB2] =	sst s4  }
0xd: {  	[smem:$0x3FB3] =	sst s5  }
0xe: {  	[smem:$0x3FB4] =	sst s6  }
0xf: {  	[smem:$0x3FB5] =	sst s7  }
0x10: {  	[smem:$0x3FB6] =	sst s8  }
0x11: {  	[smem:$0x3FB7] =	sst s9;
	s0 =	simm.s32 @!p0 $0x0  }
0x12: {  	s1 =	sld [smem:$0x3F9D];
	s0 =	simm.s32 @p0 $0x1  }
0x13: {  	[smem:$0x3FB8] =	sst s0;
	s0 =	simm.s32 @!p1 $0x0  }
0x14: {  	s2 =	sld [smem:$0x3F9C];
	s0 =	simm.s32 @p1 $0x1  }
0x15: {  	[smem:$0x3FB9] =	sst s0;
	s0 =	simm.s32 @!p2 $0x0  }
0x16: {  	s3 =	sld [smem:$0x3FDB];
	s0 =	simm.s32 @p2 $0x1  }
0x17: {  	s4 =	simm.s32 $0x1BF5;
	[smem:$0x3FBB] =	sst s0  }
0x18: {  	s0 =	sld [smem:$0x3F9E];
	_ =	swait.ge [sflag:s4], $0x0  }
0x19: {  	s7 =	sld [smem:$0x3F9F]  }
0x1a: {  	s8 =	sadd.s32 $0xFFFFE003, lr  }
0x1b: {  	s9 =	sadd.s32 $0xFFFFFEF7, lr;
	s5 =	simm.s32 $0xFFFFFFFF;
	p2 =	slt.u32 s8, $0xFFFFF086  }
0x1c: {  	p1 =	slt.u32 s9, $0xF7A;
	s5 =	simm.s32 @!p2 $0x0  }
0x1d: {  	s5 =	simm.s32 @p1 $0x1;
	p0 =	seq.s32 s7, s2  }
0x1e: {  	s7 =	smul.u32 @!p0 $0xF7A, s2;
	p2 =	seq.s32 @!p0 s5, $0x0  }
0x1f: {  	s9 =	smul.u32 $0xF7A, s1;
	s8 =	simm.s32 @!p0 $0x1BF5;
	p2 =	por !p2, p0  }
0x20: {  	[sflag:s8] =	ssyncset.s32 @!p0 $0xFFFFF086;
	s6 =	sadd.s32 @!p0 s3, s7;
	s7 =	simm.s32 @!p0 $0x108  }
0x21: {  	s3 =	sadd.s32 s3, s9;
	s6 =	sadd.s32 @!p0 $0x88, s6;
	s7 =	simm.s32 @p2 $0x1082  }
0x22: {  	[simem:s7], [sflag:s8] =	dma.local @!p0 [hbm:s6], $0xF7A  }
0x23: {  	s9 =	sor.u32 $0xD0000000, s2;
	s6 =	simm.s32 $0x108;
	_ =	swait.ge @!p0 [sflag:s8], $0x0  }
0x24: {  	s3 =	sadd.s32 $0x88, s3;
	s6 =	simm.s32 @!p1 $0x1082;
	[sflag:s4] =	ssyncset.s32 $0xFFFFF086  }
0x25: {  	[simem:s6], [sflag:s4] =	dma.local [hbm:s3], $0xF7A  }
0x26: {  	[smem:$0x3F9F] =	sst s1;
	(tag) =	ssettag s2;
	_ =	strace s9  }
0x27: {  	s1 =	sld [smem:$0x3FAF]  }
0x28: {  	s2 =	sld [smem:$0x3FB0]  }
0x29: {  	s4 =	sld [smem:$0x3FB2]  }
0x2a: {  	p0 =	seq.s32 s5, $0x0;
	s5 =	sld [smem:$0x3FB3]  }
0x2b: {  	s6 =	sld [smem:$0x3FB4]  }
0x2c: {  	s7 =	sld [smem:$0x3FB5]  }
0x2d: {  	s3 =	simm.s32 $0x108;
	s8 =	sld [smem:$0x3FB6]  }
0x2e: {  	s3 =	simm.s32 @!p0 $0x1082;
	s9 =	sld [smem:$0x3FB7]  }
0x2f: {  	lr =	sadd.s32 s0, s3;
	s0 =	sld [smem:$0x3FAE]  }
0x30: {  	s3 =	sld [smem:$0x3FB1]  }
0x31: {  	[smem:$0x3FBA] =	sst s10  }
0x32: {  	s10 =	sld [smem:$0x3FB8];
	_ =	sdelay $0x3  }
0x33: {  	p0 =	seq.s32 s10, $0x1;
	s10 =	sld [smem:$0x3FBA];
	_ =	sdelay $0x3  }
0x34: {  	[smem:$0x3FBA] =	sst s10  }
0x35: {  	s10 =	sld [smem:$0x3FB9];
	_ =	sdelay $0x3  }
0x36: {  	p1 =	seq.s32 s10, $0x1;
	s10 =	sld [smem:$0x3FBA];
	_ =	sdelay $0x3  }
0x37: {  	[smem:$0x3FBA] =	sst s10  }
0x38: {  	s10 =	sld [smem:$0x3FBB]  }
0x39: {  	_ = 	snop;
	(pc) =	sbr.ind lr, $3  }
0x3a: {  	_ = 	snop  }
0x3b: {  	_ = 	snop  }
0x3c: {  	p2 =	seq.s32 s10, $0x1;
	s10 =	sld [smem:$0x3FBA]  }
0x3d: {  	_ =	shalt  }
0x3e: {  	_ =	shalt  }
0x3f: {  	_ =	shalt  }
0x40: {  	_ =	shalt  }
0x41: {  	_ =	shalt  }
0x42: {  	_ =	shalt  }
0x43: {  	_ =	shalt  }
0x44: {  	_ =	shalt  }
0x45: {  	_ =	shalt  }
0x46: {  	_ =	shalt  }
0x47: {  	_ =	shalt  }
0x48: {  	_ =	shalt  }
0x49: {  	_ =	shalt  }
0x4a: {  	_ =	shalt  }
0x4b: {  	_ =	shalt  }
0x4c: {  	_ =	shalt  }
0x4d: {  	_ =	shalt  }
0x4e: {  	_ =	shalt  }
0x4f: {  	_ =	shalt  }
0x50: {  	_ =	shalt  }
0x51: {  	_ =	shalt  }
0x52: {  	_ =	shalt  }
0x53: {  	_ =	shalt  }
0x54: {  	_ =	shalt  }
0x55: {  	_ =	shalt  }
0x56: {  	_ =	shalt  }
0x57: {  	_ =	shalt  }
0x58: {  	_ =	shalt  }
0x59: {  	_ =	shalt  }
0x5a: {  	_ =	shalt  }
0x5b: {  	_ =	shalt  }
0x5c: {  	_ =	shalt  }
0x5d: {  	_ =	shalt  }
0x5e: {  	_ =	shalt  }
0x5f: {  	_ =	shalt  }
0x60: {  	_ =	shalt  }
0x61: {  	_ =	shalt  }
0x62: {  	_ =	shalt  }
0x63: {  	_ =	shalt  }
0x64: {  	_ =	shalt  }
0x65: {  	_ =	shalt  }
0x66: {  	_ =	shalt  }
0x67: {  	_ =	shalt  }
0x68: {  	_ =	shalt  }
0x69: {  	_ =	shalt  }
0x6a: {  	_ =	shalt  }
0x6b: {  	_ =	shalt  }
0x6c: {  	_ =	shalt  }
0x6d: {  	_ =	shalt  }
0x6e: {  	_ =	shalt  }
0x6f: {  	_ =	shalt  }
0x70: {  	_ =	shalt  }
0x71: {  	_ =	shalt  }
0x72: {  	_ =	shalt  }
0x73: {  	_ =	shalt  }
0x74: {  	_ =	shalt  }
0x75: {  	_ =	shalt  }
0x76: {  	_ =	shalt  }
0x77: {  	_ =	shalt  }
0x78: {  	_ =	shalt  }
0x79: {  	_ =	shalt  }
0x7a: {  	_ =	shalt  }
0x7b: {  	_ =	shalt  }
0x7c: {  	_ =	shalt  }
0x7d: {  	_ =	shalt  }
0x7e: {  	_ =	shalt  }
0x7f: {  	_ =	shalt  }
0x80: {  	_ =	shalt  }
0x81: {  	_ =	shalt  }
0x82: {  	_ =	shalt  }
0x83: {  	_ =	shalt  }
0x84: {  	_ =	shalt  }
0x85: {  	_ =	shalt  }
0x86: {  	_ =	shalt  }
0x87: {  	_ =	shalt  }
.Lfunc_end0:
.L_simem_size_0:
called_computation_lowered:
.L_overlay_start_0:
0x88: {  	s2 =	sld [smem:$0x3FD9]  }
0x89: {  	s3 =	sld [smem:$0x3FFE];
	_ =	sdelay $0x1  }
0x8a: {  	s1 =	srdreg.scid  }
0x8b: {  	s0 =	sand.u32 $0x1, s1  }
0x8c: {  	s18 =	sshll.u32 s0, $0xA;
	s2 =	sadd.s32 s3, s2  }
0x8d: {  	s2 =	sadd.s32 s2, s18  }
0x8e: {  	[smem:$0x3FC6] =	sst s2  }
0x8f: {  	_ = 	snop  }
0x90: {  	s2 =	sld [smem:$0x3FC9]  }
0x91: {  	s19 =	sld [smem:$0x3FC8]  }
0x92: {  	s4 =	sld [smem:$0x3FD0];
	(tm) =	ssettm $0x1  }
0x93: {  	s5 =	sld [smem:$0x3FFB];
	_ =	sdelay $0x3  }
0x94: {  	_ =	strace s5  }
0x95: {  	s5 =	sld [smem:$0x3FFC];
	_ =	sdelay $0x3  }
0x96: {  	_ =	strace s5  }
0x97: {  	s5 =	sld [smem:$0x3FFD];
	_ =	sdelay $0x3  }
0x98: {  	_ =	strace s5  }
0x99: {  	_ =	strace $0x8FFFFFFF  }
0x9a: {  	s20 =	sld [smem:$0x3FDB];
	_ =	sdelay $0x1  }
0x9b: {  	s6 =	simm.s32 $_scs_section_size  }
0x9c: {  	s7 =	simm.s32 $_size__tile_overlayer_lowered;
	s8 =	simm.s32 $_tile_overlayer_lowered  }
0x9d: {  	s23 =	simm.s32 $0x1BFF;
	s22 =	sshll.u32 s8, $0x1;
	s5 =	sadd.s32 s6, s20  }
0x9e: {  	s9 =	simm.s32 $0x0;
	s21 =	sshll.u32 s7, $0x1;
	s7 =	sadd.s32 s22, s5  }
0x9f: {  	[timem:s9], [sflag:s23] =	dma.local [hbm:s7], s21  }
0xa0: {  	_ =	swait.ge [sflag:s23], s21  }
0xa1: {  	s6 =	ssub.s32 $0x0, s21;
	[sflag:s23] =	ssyncset.done $0x0  }
0xa2: {  	[sflag:s23] =	ssyncadd.s32 s6;
	_ =	sdelay $0x1  }
0xa3: {  	s24 =	simm.s32 $0x1B8B  }
0xa4: {  	_ =	swait.ge [sflag:s24], $0x1  }
0xa5: {  	[sflag:s24] =	ssyncset.done $0x0  }
0xa6: {  	s25 =	simm.s32 $0x1B8E;
	[sflag:s24] =	ssyncadd.s32 $0xFFFFFFFF  }
0xa7: {  	s26 =	simm.s32 $execute0_lowered;
	[smem:$0x3FD2] =	sst s25  }
0xa8: {  	s6 =	sshll.u32 s26, $0x1;
	_ =	strace $0x80000046;
	[dreg:$0x1] =	wrdreg $0xFFFFFFFF  }
0xa9: {  	s28 =	simm.s32 $_size_execute0_lowered;
	s5 =	sadd.s32 s5, s6;
	[dreg:$0x0] =	wrdreg $0x0  }
0xaa: {  	s6 =	sshll.u32 s28, $0x1;
	[dreg:$0x2] =	wrdreg s5  }
0xab: {  	[dreg:$0x3] =	wrdreg s6  }
0xac: {  	[dreg:$0x4] =	wrdreg $0xC0  }
0xad: {  	_ =	task [dreg:s9], $0x5FFFF  }
0xae: {  	[dreg:$0x1] =	wrdreg $0xFFFFFFFF  }
0xaf: {  	[dreg:$0x0] =	wrdreg $0x60  }
0xb0: {  	[dreg:$0x2] =	wrdreg s2  }
0xb1: {  	[dreg:$0x3] =	wrdreg s19  }
0xb2: {  	[dreg:$0x4] =	wrdreg s4  }
0xb3: {  	[dreg:$0x5] =	wrdreg $0x9  }
0xb4: {  	_ =	task.clear_ibuf [dreg:s9], $0x6FFFF;
	_ =	strace $0x90000046  }
0xb5: {  	s29 =	simm.s32 $0x9;
	_ =	strace $0x80000048  }
0xb6: {  	_ =	swait.ge [sflag:s29], $0x1  }
0xb7: {  	[sflag:s29] =	ssyncadd.s32 $0xFFFFFFFF  }
0xb8: {  	_ =	strace $0x90000048  }
0xb9: {  	_ =	sfence  }
0xba: {  	s30 =	sld [smem:$0x0];
	_ =	sdelay $0x2  }
0xbb: {  	s31 =	sshll.u32 s1, $0xD;
	s1 =	sshrl.u32 s1, $0x2  }
0xbc: {  	s3 =	sand.u32 $0x4000, s31;
	s1 =	sadd.s32 s1, s30  }
0xbd: {  	s0 =	sor.u32 s3, s0;
	s1 =	sshll.u32 s1, $0x11  }
0xbe: {  	s0 =	sor.u32 s1, s0  }
0xbf: {  	s0 =	sadd.s32 $0x8F2B, s0  }
0xc0: {  	[sflag:s0] =	ssyncadd.remote.s32 $0x1  }
0xc1: {  	_ =	sfence.sel $0xFFFF  }
0xc2: {  	[dreg:$0x0] =	wrdreg $0xFFFFFFFF;
	(pc) =	sbr.abs _section_cstart, $3  }
0xc3: {  	[dreg:$0x1] =	wrdreg $0xFFFFFFFF  }
0xc4: {  	_ =	task.clear_ibuf [dreg:s9], $0x2FFFF;
	_ =	strace $0x9FFFFFFF  }
0xc5: {  	(tm) =	ssettm $0x7FFFFFFF  }
tec
execute0_lowered:
.L_overlay_start_1:
0x0: {  	(tag) =	ssettag $0x1  }
0x1: {  	s1 =	srdreg.scid  }
0x2: {  	s0 =	stileid.u32;
	s7 =	rddreg [dreg:$0x1]  }
0x3: {  	s2 =	simm.s32 $0x1;
	s3 =	rddreg [dreg:$0x2];
	s4 =	simm.s32 $0x0  }
0x4: {  	s20 =	sand.u32 $0x1, s1;
	[smem:$0x7FF] =	sst s4;
	s10 =	sadd.s32 $0x30, s3  }
0x5: {  	s11 =	sadd.s32 $0x40, s3;
	s12 =	sadd.s32 $0x50, s3;
	s1 =	sor.u32 s20, s0  }
0x6: {  	s13 =	sadd.s32 $0x60, s3;
	p0 =	seq.s32 s20, $0x1;
	p1 =	seq.s32 s1, $0x0  }
0x7: {  	s14 =	sadd.s32 $0x70, s3;
	s6 =	ssub.s32 $0x2, s20;
	p1 =	por !p1, !p0  }
0x8: {  	s8 =	sshll.u32 s20, $0xC;
	s9 =	sshrl.u32 s6, $0x1;
	p1 =	por !p1, !p1  }
0x9: {  	s1 =	rddreg [dreg:$0x0];
	s16 =	ssub.s32 s6, s9;
	s2 =	simm.s32 @!p1 $0x0  }
0xa: {  	s6 =	simm.s32 $0x1;
	s9 =	sadd.s32 $0x20, s3;
	s5 =	ssub.s32 s0, s2  }
0xb: {  	s16 =	smax.u32 s16, $0x1;
	p1 =	seq.s32 s20, $0x0;
	s5 =	smul.u32 $0x2400, s5  }
0xc: {  	s20 =	simm.s32 $0x0;
	s2 =	rddreg [dreg:$0x3];
	_ =	strace $0x80000047  }
0xd: {  	s8 =	sadd.s32 s8, s5;
	s17 =	sadd.s32 $0x24000, s5;
	s15 =	sadd.s32 $0x1400, s5  }
0xe: {  	s18 =	sadd.s32 $0x1200000, s5;
	s19 =	sadd.s32 $0x1224000, s5;
	s23 =	sadd.s32 $0x25400, s5  }
0xf: {  	s26 =	sadd.s32 $0x1201000, s5;
	s28 =	sadd.s32 $0x1225000, s5;
	s8 =	sshrl.u32 s8, $0x3  }
0x10: {  	s17 =	sshrl.u32 s17, $0x3;
	s18 =	sshrl.u32 s18, $0x3;
	s22 =	sshrl.u32 s19, $0x3  }
0x11: {  	s25 =	sshrl.u32 s23, $0x3;
	s30 =	sshrl.u32 s28, $0x3;
	s17 =	sadd.s32 s17, s3  }
0x12: {  	s19 =	simm.s32 $0x800;
	s21 =	sadd.s32 s18, s3;
	[dreg:$0x4] =	wrdreg s17  }
.Ltmp0:
0x13: {  	s24 =	sadd.s32 s22, s3;
	[dreg:$0x5] =	wrdreg s21;
	(pc) =	sbr.rel .LBB2_1-.Ltmp0, $4  }
0x14: {  	s7 =	sadd.s32 s7, s8;
	s31 =	sadd.s32 s30, s3;
	[dreg:$0x6] =	wrdreg s24  }
0x15: {  	s18 =	sshrl.u32 s26, $0x3;
	s17 =	sadd.s32 s25, s3;
	[dreg:$0x9] =	wrdreg s31  }
0x16: {  	s8 =	sadd.s32 $0x10, s3;
	s29 =	sadd.s32 s18, s3;
	[dreg:$0x7] =	wrdreg s17  }
0x17: {  	s18 =	simm.s32 $0x24000;
	[dreg:$0x8] =	wrdreg s29;
	s17 =	simm.s32 $0x1400  }
.LBB2_10:
0x18: {  	_ =	swait.ge [sflag:s6], $0x2800  }
0x19: {  	[sflag:s6] =	ssyncset.done $0x0  }
0x1a: {  	[sflag:s6] =	ssyncadd.s32 $0xFFFFD800  }
0x1b: {  	_ =	swait.ge [sflag:s6], $0x2800  }
0x1c: {  	[sflag:s6] =	ssyncset.done $0x0  }
0x1d: {  	[sflag:s6] =	ssyncadd.s32 $0xFFFFD800  }
.LBB2_11:
0x1e: {  	s20 =	sadd.s32 $0x1, s20  }
0x1f: {  	p2 =	sne.s32 s20, s16  }
.Ltmp1:
0x20: {  	_ = 	snop;
	(pc) =	sbr.rel @!p2 .LBB2_12-.Ltmp1, $1  }
0x21: {  	_ =	sdelay $0x3  }
.LBB2_1:
0x22: {  	[tilespmem:s4], [sflag:$0x1] =	stream.linear.gather [hbm4b:s1+s4], $0x800, $0x38;
	[tilespmem:$0x14800] =	vst v63  }
0x23: {  	_ = 	snop  }
0x24: {  	[tilespmem:s19], [sflag:$0x1] =	stream.strided.gather [hbm4b:s7+s17], $0x14000, s18, s17, $0x38;
	[tilespmem:$0x14800] =	vst v63  }
0x25: {  	_ =	swait.ge [sflag:s6], $0x800  }
.Ltmp2:
0x26: {  	[sflag:s6] =	ssyncset.done $0x0;
	(pc) =	sbr.rel @p0 .LBB2_6-.Ltmp2, $4  }
0x27: {  	[sflag:s6] =	ssyncadd.s32 $0xFFFFF800  }
0x28: {  	_ =	swait.ge [sflag:s6], $0x14000  }
0x29: {  	s21 =	simm.s32 $0x0;
	s22 =	smov.u32 s5;
	[sflag:s6] =	ssyncset.done $0x0  }
0x2a: {  	s23 =	simm.s32 $0x0;
	s24 =	simm.s32 $0x0;
	[sflag:s6] =	ssyncadd.s32 $0xFFFEC000  }
.LBB2_2:
0x2b: {  	v0 =	vld [tilespmem:s21+$0x0];
	_ =	sdelay $0x4  }
0x2c: {  	(v2sf) =	vpush v0, $0x0;
	_ =	sdelay $0xe  }
0x2d: {  	s25 =	spop (v2sf)  }
0x2e: {  	(v2sf) =	vpush v0, $0x1;
	s26 =	sshrl.u32 s25, $0x3  }
0x2f: {  	s26 =	smul.u32 $0x5000, s26  }
0x30: {  	s25 =	sshll.u32 s25, $0x7  }
0x31: {  	s28 =	sand.u32 $0x380, s25;
	s26 =	sshra.s32 s26, $0x2  }
0x32: {  	s25 =	sshrl.u32 s22, $0x3;
	s26 =	sor.u32 s28, s26  }
0x33: {  	s28 =	sadd.s32 s3, s25;
	s29 =	sadd.s32 $0x800, s26  }
0x34: {  	[hbm4b:s28+s4] =	stream.linear.scatter [tilespmem:s29], [sflag:$0x1], $0x80, $0x38;
	[tilespmem:$0x14800] =	vst v63  }
0x35: {  	s31 =	sadd.s32 $0xC00, s26;
	s30 =	sadd.s32 $0x80, s28  }
0x36: {  	[hbm4b:s30+s4] =	stream.linear.scatter [tilespmem:s31], [sflag:$0x1], $0x80, $0x38;
	[tilespmem:$0x14800] =	vst v63  }
0x37: {  	s29 =	sadd.s32 $0x1000, s26;
	s31 =	sadd.s32 $0x100, s28  }
0x38: {  	[hbm4b:s31+s4] =	stream.linear.scatter [tilespmem:s29], [sflag:$0x1], $0x80, $0x38;
	[tilespmem:$0x14800] =	vst v63  }
0x39: {  	s29 =	sadd.s32 $0x1400, s26;
	s31 =	sadd.s32 $0x180, s28  }
0x3a: {  	[hbm4b:s31+s4] =	stream.linear.scatter [tilespmem:s29], [sflag:$0x1], $0x80, $0x38;
	[tilespmem:$0x14800] =	vst v63  }
0x3b: {  	s26 =	sadd.s32 $0x1800, s26;
	s28 =	sadd.s32 $0x200, s28  }
0x3c: {  	[hbm4b:s28+s4] =	stream.linear.scatter [tilespmem:s26], [sflag:$0x1], $0x80, $0x38;
	[tilespmem:$0x14800] =	vst v63  }
0x3d: {  	s31 =	spop (v2sf)  }
0x3e: {  	(v2sf) =	vpush v0, $0x2;
	s29 =	sshrl.u32 s31, $0x3  }
0x3f: {  	s28 =	smul.u32 $0x5000, s29  }
0x40: {  	s26 =	sshll.u32 s31, $0x7  }
0x41: {  	s26 =	sand.u32 $0x380, s26;
	s28 =	sshra.s32 s28, $0x2  }
0x42: {  	s26 =	sor.u32 s26, s28  }
0x43: {  	s28 =	sadd.s32 s25, s8;
	s30 =	sadd.s32 $0x800, s26  }
0x44: {  	[hbm4b:s28+s4] =	stream.linear.scatter [tilespmem:s30], [sflag:$0x1], $0x80, $0x38;
	[tilespmem:$0x14800] =	vst v63  }
0x45: {  	s29 =	sadd.s32 $0xC00, s26;
	s31 =	sadd.s32 $0x80, s28  }
0x46: {  	[hbm4b:s31+s4] =	stream.linear.scatter [tilespmem:s29], [sflag:$0x1], $0x80, $0x38;
	[tilespmem:$0x14800] =	vst v63  }
0x47: {  	s29 =	sadd.s32 $0x1000, s26;
	s31 =	sadd.s32 $0x100, s28  }
0x48: {  	[hbm4b:s31+s4] =	stream.linear.scatter [tilespmem:s29], [sflag:$0x1], $0x80, $0x38;
	[tilespmem:$0x14800] =	vst v63  }
0x49: {  	s29 =	sadd.s32 $0x1400, s26;
	s31 =	sadd.s32 $0x180, s28  }
0x4a: {  	[hbm4b:s31+s4] =	stream.linear.scatter [tilespmem:s29], [sflag:$0x1], $0x80, $0x38;
	[tilespmem:$0x14800] =	vst v63  }
0x4b: {  	s26 =	sadd.s32 $0x1800, s26;
	s28 =	sadd.s32 $0x200, s28  }
0x4c: {  	[hbm4b:s28+s4] =	stream.linear.scatter [tilespmem:s26], [sflag:$0x1], $0x80, $0x38;
	[tilespmem:$0x14800] =	vst v63  }
0x4d: {  	s31 =	spop (v2sf)  }
0x4e: {  	(v2sf) =	vpush v0, $0x3;
	s29 =	sshrl.u32 s31, $0x3  }
0x4f: {  	s28 =	smul.u32 $0x5000, s29  }
0x50: {  	s26 =	sshll.u32 s31, $0x7  }
0x51: {  	s26 =	sand.u32 $0x380, s26;
	s28 =	sshra.s32 s28, $0x2  }
0x52: {  	s26 =	sor.u32 s26, s28  }
0x53: {  	s28 =	sadd.s32 s25, s9;
	s30 =	sadd.s32 $0x800, s26  }
0x54: {  	[hbm4b:s28+s4] =	stream.linear.scatter [tilespmem:s30], [sflag:$0x1], $0x80, $0x38;
	[tilespmem:$0x14800] =	vst v63  }
0x55: {  	s29 =	sadd.s32 $0xC00, s26;
	s31 =	sadd.s32 $0x80, s28  }
0x56: {  	[hbm4b:s31+s4] =	stream.linear.scatter [tilespmem:s29], [sflag:$0x1], $0x80, $0x38;
	[tilespmem:$0x14800] =	vst v63  }
0x57: {  	s29 =	sadd.s32 $0x1000, s26;
	s31 =	sadd.s32 $0x100, s28  }
0x58: {  	[hbm4b:s31+s4] =	stream.linear.scatter [tilespmem:s29], [sflag:$0x1], $0x80, $0x38;
	[tilespmem:$0x14800] =	vst v63  }
0x59: {  	s29 =	sadd.s32 $0x1400, s26;
	s31 =	sadd.s32 $0x180, s28  }
0x5a: {  	[hbm4b:s31+s4] =	stream.linear.scatter [tilespmem:s29], [sflag:$0x1], $0x80, $0x38;
	[tilespmem:$0x14800] =	vst v63  }
0x5b: {  	s26 =	sadd.s32 $0x1800, s26;
	s28 =	sadd.s32 $0x200, s28  }
0x5c: {  	[hbm4b:s28+s4] =	stream.linear.scatter [tilespmem:s26], [sflag:$0x1], $0x80, $0x38;
	[tilespmem:$0x14800] =	vst v63  }
0x5d: {  	s31 =	spop (v2sf)  }
0x5e: {  	(v2sf) =	vpush v0, $0x4;
	s29 =	sshrl.u32 s31, $0x3  }
0x5f: {  	s28 =	smul.u32 $0x5000, s29  }
0x60: {  	s26 =	sshll.u32 s31, $0x7  }
0x61: {  	s26 =	sand.u32 $0x380, s26;
	s28 =	sshra.s32 s28, $0x2  }
0x62: {  	s26 =	sor.u32 s26, s28  }
0x63: {  	s28 =	sadd.s32 s25, s10;
	s30 =	sadd.s32 $0x800, s26  }
0x64: {  	[hbm4b:s28+s4] =	stream.linear.scatter [tilespmem:s30], [sflag:$0x1], $0x80, $0x38;
	[tilespmem:$0x14800] =	vst v63  }
0x65: {  	s29 =	sadd.s32 $0xC00, s26;
	s31 =	sadd.s32 $0x80, s28  }
0x66: {  	[hbm4b:s31+s4] =	stream.linear.scatter [tilespmem:s29], [sflag:$0x1], $0x80, $0x38;
	[tilespmem:$0x14800] =	vst v63  }
0x67: {  	s29 =	sadd.s32 $0x1000, s26;
	s31 =	sadd.s32 $0x100, s28  }
0x68: {  	[hbm4b:s31+s4] =	stream.linear.scatter [tilespmem:s29], [sflag:$0x1], $0x80, $0x38;
	[tilespmem:$0x14800] =	vst v63  }
0x69: {  	s29 =	sadd.s32 $0x1400, s26;
	s31 =	sadd.s32 $0x180, s28  }
0x6a: {  	[hbm4b:s31+s4] =	stream.linear.scatter [tilespmem:s29], [sflag:$0x1], $0x80, $0x38;
	[tilespmem:$0x14800] =	vst v63  }
0x6b: {  	s26 =	sadd.s32 $0x1800, s26;
	s28 =	sadd.s32 $0x200, s28  }
0x6c: {  	[hbm4b:s28+s4] =	stream.linear.scatter [tilespmem:s26], [sflag:$0x1], $0x80, $0x38;
	[tilespmem:$0x14800] =	vst v63  }
0x6d: {  	s31 =	spop (v2sf)  }
0x6e: {  	(v2sf) =	vpush v0, $0x5;
	s29 =	sshrl.u32 s31, $0x3  }
0x6f: {  	s28 =	smul.u32 $0x5000, s29  }
0x70: {  	s26 =	sshll.u32 s31, $0x7  }
0x71: {  	s26 =	sand.u32 $0x380, s26;
	s28 =	sshra.s32 s28, $0x2  }
0x72: {  	s26 =	sor.u32 s26, s28  }
0x73: {  	s28 =	sadd.s32 s25, s11;
	s30 =	sadd.s32 $0x800, s26  }
0x74: {  	[hbm4b:s28+s4] =	stream.linear.scatter [tilespmem:s30], [sflag:$0x1], $0x80, $0x38;
	[tilespmem:$0x14800] =	vst v63  }
0x75: {  	s29 =	sadd.s32 $0xC00, s26;
	s31 =	sadd.s32 $0x80, s28  }
0x76: {  	[hbm4b:s31+s4] =	stream.linear.scatter [tilespmem:s29], [sflag:$0x1], $0x80, $0x38;
	[tilespmem:$0x14800] =	vst v63  }
0x77: {  	s29 =	sadd.s32 $0x1000, s26;
	s31 =	sadd.s32 $0x100, s28  }
0x78: {  	[hbm4b:s31+s4] =	stream.linear.scatter [tilespmem:s29], [sflag:$0x1], $0x80, $0x38;
	[tilespmem:$0x14800] =	vst v63  }
0x79: {  	s29 =	sadd.s32 $0x1400, s26;
	s31 =	sadd.s32 $0x180, s28  }
0x7a: {  	[hbm4b:s31+s4] =	stream.linear.scatter [tilespmem:s29], [sflag:$0x1], $0x80, $0x38;
	[tilespmem:$0x14800] =	vst v63  }
0x7b: {  	s26 =	sadd.s32 $0x1800, s26;
	s28 =	sadd.s32 $0x200, s28  }
0x7c: {  	[hbm4b:s28+s4] =	stream.linear.scatter [tilespmem:s26], [sflag:$0x1], $0x80, $0x38;
	[tilespmem:$0x14800] =	vst v63  }
0x7d: {  	s31 =	spop (v2sf)  }
0x7e: {  	(v2sf) =	vpush v0, $0x6;
	s29 =	sshrl.u32 s31, $0x3  }
0x7f: {  	s28 =	smul.u32 $0x5000, s29  }
0x80: {  	s26 =	sshll.u32 s31, $0x7  }
0x81: {  	s26 =	sand.u32 $0x380, s26;
	s28 =	sshra.s32 s28, $0x2  }
0x82: {  	s26 =	sor.u32 s26, s28  }
0x83: {  	s28 =	sadd.s32 s25, s12;
	s30 =	sadd.s32 $0x800, s26  }
0x84: {  	[hbm4b:s28+s4] =	stream.linear.scatter [tilespmem:s30], [sflag:$0x1], $0x80, $0x38;
	[tilespmem:$0x14800] =	vst v63  }
0x85: {  	s29 =	sadd.s32 $0xC00, s26;
	s31 =	sadd.s32 $0x80, s28  }
0x86: {  	[hbm4b:s31+s4] =	stream.linear.scatter [tilespmem:s29], [sflag:$0x1], $0x80, $0x38;
	[tilespmem:$0x14800] =	vst v63  }
0x87: {  	s29 =	sadd.s32 $0x1000, s26;
	s31 =	sadd.s32 $0x100, s28  }
0x88: {  	[hbm4b:s31+s4] =	stream.linear.scatter [tilespmem:s29], [sflag:$0x1], $0x80, $0x38;
	[tilespmem:$0x14800] =	vst v63  }
0x89: {  	s29 =	sadd.s32 $0x1400, s26;
	s31 =	sadd.s32 $0x180, s28  }
0x8a: {  	[hbm4b:s31+s4] =	stream.linear.scatter [tilespmem:s29], [sflag:$0x1], $0x80, $0x38;
	[tilespmem:$0x14800] =	vst v63  }
0x8b: {  	s26 =	sadd.s32 $0x1800, s26;
	s28 =	sadd.s32 $0x200, s28  }
0x8c: {  	[hbm4b:s28+s4] =	stream.linear.scatter [tilespmem:s26], [sflag:$0x1], $0x80, $0x38;
	[tilespmem:$0x14800] =	vst v63  }
0x8d: {  	s31 =	spop (v2sf)  }
0x8e: {  	(v2sf) =	vpush v0, $0x7;
	s29 =	sshrl.u32 s31, $0x3  }
0x8f: {  	s28 =	smul.u32 $0x5000, s29  }
0x90: {  	s26 =	sshll.u32 s31, $0x7  }
0x91: {  	s26 =	sand.u32 $0x380, s26;
	s28 =	sshra.s32 s28, $0x2  }
0x92: {  	s26 =	sor.u32 s26, s28  }
0x93: {  	s28 =	sadd.s32 s25, s13;
	s30 =	sadd.s32 $0x800, s26  }
0x94: {  	[hbm4b:s28+s4] =	stream.linear.scatter [tilespmem:s30], [sflag:$0x1], $0x80, $0x38;
	[tilespmem:$0x14800] =	vst v63  }
0x95: {  	s29 =	sadd.s32 $0xC00, s26;
	s31 =	sadd.s32 $0x80, s28  }
0x96: {  	[hbm4b:s31+s4] =	stream.linear.scatter [tilespmem:s29], [sflag:$0x1], $0x80, $0x38;
	[tilespmem:$0x14800] =	vst v63  }
0x97: {  	s29 =	sadd.s32 $0x1000, s26;
	s31 =	sadd.s32 $0x100, s28  }
0x98: {  	[hbm4b:s31+s4] =	stream.linear.scatter [tilespmem:s29], [sflag:$0x1], $0x80, $0x38;
	[tilespmem:$0x14800] =	vst v63  }
0x99: {  	s29 =	sadd.s32 $0x1400, s26;
	s31 =	sadd.s32 $0x180, s28  }
0x9a: {  	[hbm4b:s31+s4] =	stream.linear.scatter [tilespmem:s29], [sflag:$0x1], $0x80, $0x38;
	[tilespmem:$0x14800] =	vst v63  }
0x9b: {  	s26 =	sadd.s32 $0x1800, s26;
	s28 =	sadd.s32 $0x200, s28  }
0x9c: {  	[hbm4b:s28+s4] =	stream.linear.scatter [tilespmem:s26], [sflag:$0x1], $0x80, $0x38;
	[tilespmem:$0x14800] =	vst v63  }
0x9d: {  	s31 =	spop (v2sf)  }
0x9e: {  	(v2sf) =	vpush v0, $0x8;
	s29 =	sshrl.u32 s31, $0x3  }
0x9f: {  	s28 =	smul.u32 $0x5000, s29  }
0xa0: {  	s26 =	sshll.u32 s31, $0x7  }
0xa1: {  	s26 =	sand.u32 $0x380, s26;
	s28 =	sshra.s32 s28, $0x2  }
0xa2: {  	s26 =	sor.u32 s26, s28  }
0xa3: {  	s25 =	sadd.s32 s25, s14;
	s28 =	sadd.s32 $0x800, s26  }
0xa4: {  	[hbm4b:s25+s4] =	stream.linear.scatter [tilespmem:s28], [sflag:$0x1], $0x80, $0x38;
	[tilespmem:$0x14800] =	vst v63  }
0xa5: {  	s31 =	sadd.s32 $0x80, s25;
	s30 =	sadd.s32 $0xC00, s26  }
0xa6: {  	[hbm4b:s31+s4] =	stream.linear.scatter [tilespmem:s30], [sflag:$0x1], $0x80, $0x38;
	[tilespmem:$0x14800] =	vst v63  }
0xa7: {  	s30 =	sadd.s32 $0x1000, s26;
	s31 =	sadd.s32 $0x100, s25  }
0xa8: {  	[hbm4b:s31+s4] =	stream.linear.scatter [tilespmem:s30], [sflag:$0x1], $0x80, $0x38;
	[tilespmem:$0x14800] =	vst v63  }
0xa9: {  	s30 =	sadd.s32 $0x1400, s26;
	s31 =	sadd.s32 $0x180, s25  }
0xaa: {  	[hbm4b:s31+s4] =	stream.linear.scatter [tilespmem:s30], [sflag:$0x1], $0x80, $0x38;
	[tilespmem:$0x14800] =	vst v63  }
0xab: {  	s26 =	sadd.s32 $0x1800, s26;
	s25 =	sadd.s32 $0x200, s25  }
0xac: {  	[hbm4b:s25+s4] =	stream.linear.scatter [tilespmem:s26], [sflag:$0x1], $0x80, $0x38;
	[tilespmem:$0x14800] =	vst v63  }
0xad: {  	s29 =	spop (v2sf)  }
0xae: {  	(v2sf) =	vpush v0, $0x9;
	s30 =	sshrl.u32 s29, $0x3  }
0xaf: {  	s26 =	smul.u32 $0x5000, s30  }
0xb0: {  	s25 =	sshll.u32 s29, $0x7  }
0xb1: {  	s25 =	sand.u32 $0x380, s25;
	s26 =	sshra.s32 s26, $0x2  }
0xb2: {  	s31 =	rddreg [dreg:$0x4];
	s26 =	sor.u32 s25, s26  }
0xb3: {  	s25 =	sadd.s32 s23, s31;
	s29 =	sadd.s32 $0x800, s26  }
0xb4: {  	[hbm4b:s25+s4] =	stream.linear.scatter [tilespmem:s29], [sflag:$0x1], $0x80, $0x38;
	[tilespmem:$0x14800] =	vst v63  }
0xb5: {  	s30 =	sadd.s32 $0xC00, s26;
	s31 =	sadd.s32 $0x80, s25  }
0xb6: {  	[hbm4b:s31+s4] =	stream.linear.scatter [tilespmem:s30], [sflag:$0x1], $0x80, $0x38;
	[tilespmem:$0x14800] =	vst v63  }
0xb7: {  	s30 =	sadd.s32 $0x1000, s26;
	s31 =	sadd.s32 $0x100, s25  }
0xb8: {  	[hbm4b:s31+s4] =	stream.linear.scatter [tilespmem:s30], [sflag:$0x1], $0x80, $0x38;
	[tilespmem:$0x14800] =	vst v63  }
0xb9: {  	s30 =	sadd.s32 $0x1400, s26;
	s31 =	sadd.s32 $0x180, s25  }
0xba: {  	[hbm4b:s31+s4] =	stream.linear.scatter [tilespmem:s30], [sflag:$0x1], $0x80, $0x38;
	[tilespmem:$0x14800] =	vst v63  }
0xbb: {  	s26 =	sadd.s32 $0x1800, s26;
	s30 =	sadd.s32 $0x200, s25  }
0xbc: {  	[hbm4b:s30+s4] =	stream.linear.scatter [tilespmem:s26], [sflag:$0x1], $0x80, $0x38;
	[tilespmem:$0x14800] =	vst v63  }
0xbd: {  	s31 =	spop (v2sf)  }
0xbe: {  	(v2sf) =	vpush v0, $0xA;
	s29 =	sshrl.u32 s31, $0x3  }
0xbf: {  	s28 =	smul.u32 $0x5000, s29  }
0xc0: {  	s26 =	sshll.u32 s31, $0x7  }
0xc1: {  	s26 =	sand.u32 $0x380, s26;
	s28 =	sshra.s32 s28, $0x2  }
0xc2: {  	s26 =	sor.u32 s26, s28  }
0xc3: {  	s30 =	sadd.s32 $0x10, s25;
	s31 =	sadd.s32 $0x800, s26  }
0xc4: {  	[hbm4b:s30+s4] =	stream.linear.scatter [tilespmem:s31], [sflag:$0x1], $0x80, $0x38;
	[tilespmem:$0x14800] =	vst v63  }
0xc5: {  	s30 =	sadd.s32 $0xC00, s26;
	s31 =	sadd.s32 $0x90, s25  }
0xc6: {  	[hbm4b:s31+s4] =	stream.linear.scatter [tilespmem:s30], [sflag:$0x1], $0x80, $0x38;
	[tilespmem:$0x14800] =	vst v63  }
0xc7: {  	s30 =	sadd.s32 $0x1000, s26;
	s31 =	sadd.s32 $0x110, s25  }
0xc8: {  	[hbm4b:s31+s4] =	stream.linear.scatter [tilespmem:s30], [sflag:$0x1], $0x80, $0x38;
	[tilespmem:$0x14800] =	vst v63  }
0xc9: {  	s30 =	sadd.s32 $0x1400, s26;
	s31 =	sadd.s32 $0x190, s25  }
0xca: {  	[hbm4b:s31+s4] =	stream.linear.scatter [tilespmem:s30], [sflag:$0x1], $0x80, $0x38;
	[tilespmem:$0x14800] =	vst v63  }
0xcb: {  	s26 =	sadd.s32 $0x1800, s26;
	s30 =	sadd.s32 $0x210, s25  }
0xcc: {  	[hbm4b:s30+s4] =	stream.linear.scatter [tilespmem:s26], [sflag:$0x1], $0x80, $0x38;
	[tilespmem:$0x14800] =	vst v63  }
0xcd: {  	s31 =	spop (v2sf)  }
0xce: {  	(v2sf) =	vpush v0, $0xB;
	s29 =	sshrl.u32 s31, $0x3  }
0xcf: {  	s28 =	smul.u32 $0x5000, s29  }
0xd0: {  	s26 =	sshll.u32 s31, $0x7  }
0xd1: {  	s26 =	sand.u32 $0x380, s26;
	s28 =	sshra.s32 s28, $0x2  }
0xd2: {  	s26 =	sor.u32 s26, s28  }
0xd3: {  	s30 =	sadd.s32 $0x20, s25;
	s31 =	sadd.s32 $0x800, s26  }
0xd4: {  	[hbm4b:s30+s4] =	stream.linear.scatter [tilespmem:s31], [sflag:$0x1], $0x80, $0x38;
	[tilespmem:$0x14800] =	vst v63  }
0xd5: {  	s30 =	sadd.s32 $0xC00, s26;
	s31 =	sadd.s32 $0xA0, s25  }
0xd6: {  	[hbm4b:s31+s4] =	stream.linear.scatter [tilespmem:s30], [sflag:$0x1], $0x80, $0x38;
	[tilespmem:$0x14800] =	vst v63  }
0xd7: {  	s30 =	sadd.s32 $0x1000, s26;
	s31 =	sadd.s32 $0x120, s25  }
0xd8: {  	[hbm4b:s31+s4] =	stream.linear.scatter [tilespmem:s30], [sflag:$0x1], $0x80, $0x38;
	[tilespmem:$0x14800] =	vst v63  }
0xd9: {  	s30 =	sadd.s32 $0x1400, s26;
	s31 =	sadd.s32 $0x1A0, s25  }
0xda: {  	[hbm4b:s31+s4] =	stream.linear.scatter [tilespmem:s30], [sflag:$0x1], $0x80, $0x38;
	[tilespmem:$0x14800] =	vst v63  }
0xdb: {  	s26 =	sadd.s32 $0x1800, s26;
	s30 =	sadd.s32 $0x220, s25  }
0xdc: {  	[hbm4b:s30+s4] =	stream.linear.scatter [tilespmem:s26], [sflag:$0x1], $0x80, $0x38;
	[tilespmem:$0x14800] =	vst v63  }
0xdd: {  	s31 =	spop (v2sf)  }
0xde: {  	(v2sf) =	vpush v0, $0xC;
	s29 =	sshrl.u32 s31, $0x3  }
0xdf: {  	s28 =	smul.u32 $0x5000, s29  }
0xe0: {  	s26 =	sshll.u32 s31, $0x7  }
0xe1: {  	s26 =	sand.u32 $0x380, s26;
	s28 =	sshra.s32 s28, $0x2  }
0xe2: {  	s26 =	sor.u32 s26, s28  }
0xe3: {  	s30 =	sadd.s32 $0x30, s25;
	s31 =	sadd.s32 $0x800, s26  }
0xe4: {  	[hbm4b:s30+s4] =	stream.linear.scatter [tilespmem:s31], [sflag:$0x1], $0x80, $0x38;
	[tilespmem:$0x14800] =	vst v63  }
0xe5: {  	s30 =	sadd.s32 $0xC00, s26;
	s31 =	sadd.s32 $0xB0, s25  }
0xe6: {  	[hbm4b:s31+s4] =	stream.linear.scatter [tilespmem:s30], [sflag:$0x1], $0x80, $0x38;
	[tilespmem:$0x14800] =	vst v63  }
0xe7: {  	s30 =	sadd.s32 $0x1000, s26;
	s31 =	sadd.s32 $0x130, s25  }
0xe8: {  	[hbm4b:s31+s4] =	stream.linear.scatter [tilespmem:s30], [sflag:$0x1], $0x80, $0x38;
	[tilespmem:$0x14800] =	vst v63  }
0xe9: {  	s30 =	sadd.s32 $0x1400, s26;
	s31 =	sadd.s32 $0x1B0, s25  }
0xea: {  	[hbm4b:s31+s4] =	stream.linear.scatter [tilespmem:s30], [sflag:$0x1], $0x80, $0x38;
	[tilespmem:$0x14800] =	vst v63  }
0xeb: {  	s26 =	sadd.s32 $0x1800, s26;
	s30 =	sadd.s32 $0x230, s25  }
0xec: {  	[hbm4b:s30+s4] =	stream.linear.scatter [tilespmem:s26], [sflag:$0x1], $0x80, $0x38;
	[tilespmem:$0x14800] =	vst v63  }
0xed: {  	s31 =	spop (v2sf)  }
0xee: {  	(v2sf) =	vpush v0, $0xD;
	s29 =	sshrl.u32 s31, $0x3  }
0xef: {  	s28 =	smul.u32 $0x5000, s29  }
0xf0: {  	s26 =	sshll.u32 s31, $0x7  }
0xf1: {  	s26 =	sand.u32 $0x380, s26;
	s28 =	sshra.s32 s28, $0x2  }
0xf2: {  	s26 =	sor.u32 s26, s28  }
0xf3: {  	s30 =	sadd.s32 $0x40, s25;
	s31 =	sadd.s32 $0x800, s26  }
0xf4: {  	[hbm4b:s30+s4] =	stream.linear.scatter [tilespmem:s31], [sflag:$0x1], $0x80, $0x38;
	[tilespmem:$0x14800] =	vst v63  }
0xf5: {  	s30 =	sadd.s32 $0xC00, s26;
	s31 =	sadd.s32 $0xC0, s25  }
0xf6: {  	[hbm4b:s31+s4] =	stream.linear.scatter [tilespmem:s30], [sflag:$0x1], $0x80, $0x38;
	[tilespmem:$0x14800] =	vst v63  }
0xf7: {  	s30 =	sadd.s32 $0x1000, s26;
	s31 =	sadd.s32 $0x140, s25  }
0xf8: {  	[hbm4b:s31+s4] =	stream.linear.scatter [tilespmem:s30], [sflag:$0x1], $0x80, $0x38;
	[tilespmem:$0x14800] =	vst v63  }
0xf9: {  	s30 =	sadd.s32 $0x1400, s26;
	s31 =	sadd.s32 $0x1C0, s25  }
0xfa: {  	[hbm4b:s31+s4] =	stream.linear.scatter [tilespmem:s30], [sflag:$0x1], $0x80, $0x38;
	[tilespmem:$0x14800] =	vst v63  }
0xfb: {  	s26 =	sadd.s32 $0x1800, s26;
	s30 =	sadd.s32 $0x240, s25  }
0xfc: {  	[hbm4b:s30+s4] =	stream.linear.scatter [tilespmem:s26], [sflag:$0x1], $0x80, $0x38;
	[tilespmem:$0x14800] =	vst v63  }
0xfd: {  	s31 =	spop (v2sf)  }
0xfe: {  	(v2sf) =	vpush v0, $0xE;
	s29 =	sshrl.u32 s31, $0x3  }
0xff: {  	s28 =	smul.u32 $0x5000, s29  }
0x100: {  	s26 =	sshll.u32 s31, $0x7  }
0x101: {  	s26 =	sand.u32 $0x380, s26;
	s28 =	sshra.s32 s28, $0x2  }
0x102: {  	s26 =	sor.u32 s26, s28  }
0x103: {  	s30 =	sadd.s32 $0x50, s25;
	s31 =	sadd.s32 $0x800, s26  }
0x104: {  	[hbm4b:s30+s4] =	stream.linear.scatter [tilespmem:s31], [sflag:$0x1], $0x80, $0x38;
	[tilespmem:$0x14800] =	vst v63  }
0x105: {  	s30 =	sadd.s32 $0xC00, s26;
	s31 =	sadd.s32 $0xD0, s25  }
0x106: {  	[hbm4b:s31+s4] =	stream.linear.scatter [tilespmem:s30], [sflag:$0x1], $0x80, $0x38;
	[tilespmem:$0x14800] =	vst v63  }
0x107: {  	s30 =	sadd.s32 $0x1000, s26;
	s31 =	sadd.s32 $0x150, s25  }
0x108: {  	[hbm4b:s31+s4] =	stream.linear.scatter [tilespmem:s30], [sflag:$0x1], $0x80, $0x38;
	[tilespmem:$0x14800] =	vst v63  }
0x109: {  	s30 =	sadd.s32 $0x1400, s26;
	s31 =	sadd.s32 $0x1D0, s25  }
0x10a: {  	[hbm4b:s31+s4] =	stream.linear.scatter [tilespmem:s30], [sflag:$0x1], $0x80, $0x38;
	[tilespmem:$0x14800] =	vst v63  }
0x10b: {  	s26 =	sadd.s32 $0x1800, s26;
	s30 =	sadd.s32 $0x250, s25  }
0x10c: {  	[hbm4b:s30+s4] =	stream.linear.scatter [tilespmem:s26], [sflag:$0x1], $0x80, $0x38;
	[tilespmem:$0x14800] =	vst v63  }
0x10d: {  	s31 =	spop (v2sf)  }
0x10e: {  	(v2sf) =	vpush v0, $0xF;
	s29 =	sshrl.u32 s31, $0x3  }
0x10f: {  	s28 =	smul.u32 $0x5000, s29  }
0x110: {  	s26 =	sshll.u32 s31, $0x7  }
0x111: {  	s26 =	sand.u32 $0x380, s26;
	s28 =	sshra.s32 s28, $0x2  }
0x112: {  	s26 =	sor.u32 s26, s28  }
0x113: {  	s30 =	sadd.s32 $0x60, s25;
	s31 =	sadd.s32 $0x800, s26  }
0x114: {  	[hbm4b:s30+s4] =	stream.linear.scatter [tilespmem:s31], [sflag:$0x1], $0x80, $0x38;
	[tilespmem:$0x14800] =	vst v63  }
0x115: {  	s30 =	sadd.s32 $0xC00, s26;
	s31 =	sadd.s32 $0xE0, s25  }
0x116: {  	[hbm4b:s31+s4] =	stream.linear.scatter [tilespmem:s30], [sflag:$0x1], $0x80, $0x38;
	[tilespmem:$0x14800] =	vst v63  }
0x117: {  	s30 =	sadd.s32 $0x1000, s26;
	s31 =	sadd.s32 $0x160, s25  }
0x118: {  	[hbm4b:s31+s4] =	stream.linear.scatter [tilespmem:s30], [sflag:$0x1], $0x80, $0x38;
	[tilespmem:$0x14800] =	vst v63  }
0x119: {  	s30 =	sadd.s32 $0x1400, s26;
	s31 =	sadd.s32 $0x1E0, s25  }
0x11a: {  	[hbm4b:s31+s4] =	stream.linear.scatter [tilespmem:s30], [sflag:$0x1], $0x80, $0x38;
	[tilespmem:$0x14800] =	vst v63  }
0x11b: {  	s26 =	sadd.s32 $0x1800, s26;
	s30 =	sadd.s32 $0x260, s25  }
0x11c: {  	[hbm4b:s30+s4] =	stream.linear.scatter [tilespmem:s26], [sflag:$0x1], $0x80, $0x38;
	[tilespmem:$0x14800] =	vst v63  }
0x11d: {  	s31 =	spop (v2sf)  }
0x11e: {  	s29 =	sshrl.u32 s31, $0x3  }
0x11f: {  	s28 =	smul.u32 $0x5000, s29  }
0x120: {  	s26 =	sshll.u32 s31, $0x7  }
0x121: {  	s26 =	sand.u32 $0x380, s26;
	s28 =	sshra.s32 s28, $0x2  }
0x122: {  	s26 =	sor.u32 s26, s28  }
0x123: {  	s30 =	sadd.s32 $0x70, s25;
	s31 =	sadd.s32 $0x800, s26  }
0x124: {  	[hbm4b:s30+s4] =	stream.linear.scatter [tilespmem:s31], [sflag:$0x1], $0x80, $0x38;
	[tilespmem:$0x14800] =	vst v63  }
0x125: {  	s30 =	sadd.s32 $0xC00, s26;
	s31 =	sadd.s32 $0xF0, s25  }
0x126: {  	[hbm4b:s31+s4] =	stream.linear.scatter [tilespmem:s30], [sflag:$0x1], $0x80, $0x38;
	[tilespmem:$0x14800] =	vst v63  }
0x127: {  	s30 =	sadd.s32 $0x1000, s26;
	s31 =	sadd.s32 $0x170, s25  }
0x128: {  	[hbm4b:s31+s4] =	stream.linear.scatter [tilespmem:s30], [sflag:$0x1], $0x80, $0x38;
	[tilespmem:$0x14800] =	vst v63  }
0x129: {  	s30 =	sadd.s32 $0x1400, s26;
	s31 =	sadd.s32 $0x1F0, s25  }
0x12a: {  	[hbm4b:s31+s4] =	stream.linear.scatter [tilespmem:s30], [sflag:$0x1], $0x80, $0x38;
	[tilespmem:$0x14800] =	vst v63  }
0x12b: {  	p2 =	slt.u32 s24, $0x2;
	s26 =	sadd.s32 $0x1800, s26;
	s25 =	sadd.s32 $0x270, s25  }
0x12c: {  	[hbm4b:s25+s4] =	stream.linear.scatter [tilespmem:s26], [sflag:$0x1], $0x80, $0x38;
	[tilespmem:$0x14800] =	vst v63  }
0x12d: {  	s25 =	simm.s32 @!p2 $0x1  }
0x12e: {  	_ =	swait.ge @!p2 [sflag:s25], $0x2800  }
0x12f: {  	s23 =	sadd.s32 $0x9000, s23;
	[sflag:s25] =	ssyncset.done @!p2 $0x0  }
0x130: {  	[sflag:s25] =	ssyncadd.s32 @!p2 $0xFFFFD800;
	p2 =	sne.s32 s23, $0x240000  }
.Ltmp3:
0x131: {  	_ = 	snop;
	(pc) =	sbr.rel @p2 .LBB2_2-.Ltmp3, $2  }
0x132: {  	_ =	sdelay $0x2  }
0x133: {  	s24 =	sadd.s32 $0x1, s24;
	s21 =	sadd.s32 $0x10, s21;
	s22 =	sadd.s32 $0x48000, s22  }
0x134: {  	_ =	swait.ge [sflag:s6], $0x2800  }
0x135: {  	[sflag:s6] =	ssyncset.done $0x0  }
0x136: {  	[sflag:s6] =	ssyncadd.s32 $0xFFFFD800  }
0x137: {  	_ =	swait.ge [sflag:s6], $0x2800  }
0x138: {  	s21 =	simm.s32 $0x0;
	[sflag:s6] =	ssyncset.done $0x0  }
0x139: {  	s22 =	simm.s32 $0x400;
	s23 =	simm.s32 $0x0;
	[sflag:s6] =	ssyncadd.s32 $0xFFFFD800  }
.LBB2_4:
0x13a: {  	s24 =	sadd.s32 $0xFFFFFC00, s22  }
0x13b: {  	s25 =	sand.u32 $0x780, s22;
	s24 =	sand.u32 $0x70, s24  }
0x13c: {  	s24 =	sor.u32 s24, s25  }
0x13d: {  	v0 =	vld [tilespmem:s24+$0x0];
	_ =	sdelay $0x4  }
0x13e: {  	(v2sf) =	vpush v0, $0x0;
	_ =	sdelay $0x9  }
0x13f: {  	(v2sf) =	vpush v0, $0x1;
	_ =	sdelay $0x4  }
0x140: {  	s31 =	spop (v2sf)  }
0x141: {  	s26 =	sshrl.u32 s31, $0x3  }
0x142: {  	s25 =	smul.u32 $0x5000, s26  }
0x143: {  	s24 =	sshll.u32 s31, $0x7  }
0x144: {  	s24 =	sand.u32 $0x380, s24;
	s25 =	sshra.s32 s25, $0x2  }
0x145: {  	s26 =	rddreg [dreg:$0x5];
	s25 =	sor.u32 s24, s25  }
0x146: {  	s24 =	sadd.s32 s21, s26;
	s28 =	sadd.s32 $0x800, s25  }
0x147: {  	(v2sf) =	vpush v0, $0x2;
	[hbm4b:s24+s4] =	stream.linear.scatter [tilespmem:s28], [sflag:$0x1], $0x80, $0x38;
	[tilespmem:$0x14800] =	vst v63  }
0x148: {  	s29 =	sadd.s32 $0xC00, s25;
	s28 =	sadd.s32 $0x80, s24  }
0x149: {  	[hbm4b:s28+s4] =	stream.linear.scatter [tilespmem:s29], [sflag:$0x1], $0x80, $0x38;
	[tilespmem:$0x14800] =	vst v63  }
0x14a: {  	s30 =	sadd.s32 $0x1000, s25;
	s31 =	sadd.s32 $0x100, s24;
	s29 =	spop (v2sf)  }
0x14b: {  	[hbm4b:s31+s4] =	stream.linear.scatter [tilespmem:s30], [sflag:$0x1], $0x80, $0x38;
	[tilespmem:$0x14800] =	vst v63  }
0x14c: {  	s30 =	sshrl.u32 s29, $0x3  }
0x14d: {  	s25 =	sadd.s32 $0x1400, s25;
	s28 =	sadd.s32 $0x180, s24;
	s26 =	smul.u32 $0x5000, s30  }
0x14e: {  	[hbm4b:s28+s4] =	stream.linear.scatter [tilespmem:s25], [sflag:$0x1], $0x80, $0x38;
	[tilespmem:$0x14800] =	vst v63  }
0x14f: {  	s25 =	sshll.u32 s29, $0x7  }
0x150: {  	s25 =	sand.u32 $0x380, s25;
	s26 =	sshra.s32 s26, $0x2  }
0x151: {  	s25 =	sor.u32 s25, s26  }
0x152: {  	s31 =	sadd.s32 $0x10, s24;
	s29 =	sadd.s32 $0x800, s25  }
0x153: {  	[hbm4b:s31+s4] =	stream.linear.scatter [tilespmem:s29], [sflag:$0x1], $0x80, $0x38;
	[tilespmem:$0x14800] =	vst v63  }
0x154: {  	s30 =	sadd.s32 $0xC00, s25;
	s31 =	sadd.s32 $0x90, s24  }
0x155: {  	(v2sf) =	vpush v0, $0x3;
	[hbm4b:s31+s4] =	stream.linear.scatter [tilespmem:s30], [sflag:$0x1], $0x80, $0x38;
	[tilespmem:$0x14800] =	vst v63  }
0x156: {  	s28 =	spop (v2sf);
	s29 =	sadd.s32 $0x1000, s25;
	s30 =	sadd.s32 $0x110, s24  }
0x157: {  	[hbm4b:s30+s4] =	stream.linear.scatter [tilespmem:s29], [sflag:$0x1], $0x80, $0x38;
	[tilespmem:$0x14800] =	vst v63  }
0x158: {  	s29 =	sshrl.u32 s28, $0x3  }
0x159: {  	s25 =	sadd.s32 $0x1400, s25;
	s31 =	sadd.s32 $0x190, s24;
	s26 =	smul.u32 $0x5000, s29  }
0x15a: {  	[hbm4b:s31+s4] =	stream.linear.scatter [tilespmem:s25], [sflag:$0x1], $0x80, $0x38;
	[tilespmem:$0x14800] =	vst v63  }
0x15b: {  	s25 =	sshll.u32 s28, $0x7  }
0x15c: {  	s25 =	sand.u32 $0x380, s25;
	s26 =	sshra.s32 s26, $0x2  }
0x15d: {  	s25 =	sor.u32 s25, s26  }
0x15e: {  	s30 =	sadd.s32 $0x20, s24;
	s31 =	sadd.s32 $0x800, s25  }
0x15f: {  	[hbm4b:s30+s4] =	stream.linear.scatter [tilespmem:s31], [sflag:$0x1], $0x80, $0x38;
	[tilespmem:$0x14800] =	vst v63  }
0x160: {  	(v2sf) =	vpush v0, $0x4;
	s29 =	sadd.s32 $0xC00, s25;
	s30 =	sadd.s32 $0xA0, s24  }
0x161: {  	[hbm4b:s30+s4] =	stream.linear.scatter [tilespmem:s29], [sflag:$0x1], $0x80, $0x38;
	[tilespmem:$0x14800] =	vst v63  }
0x162: {  	s31 =	sadd.s32 $0x1000, s25;
	s29 =	sadd.s32 $0x120, s24  }
0x163: {  	[hbm4b:s29+s4] =	stream.linear.scatter [tilespmem:s31], [sflag:$0x1], $0x80, $0x38;
	[tilespmem:$0x14800] =	vst v63  }
0x164: {  	s31 =	spop (v2sf)  }
0x165: {  	s25 =	sadd.s32 $0x1400, s25;
	s30 =	sadd.s32 $0x1A0, s24;
	s28 =	sshrl.u32 s31, $0x3  }
0x166: {  	[hbm4b:s30+s4] =	stream.linear.scatter [tilespmem:s25], [sflag:$0x1], $0x80, $0x38;
	[tilespmem:$0x14800] =	vst v63  }
0x167: {  	s26 =	smul.u32 $0x5000, s28  }
0x168: {  	s25 =	sshll.u32 s31, $0x7  }
0x169: {  	s25 =	sand.u32 $0x380, s25;
	s26 =	sshra.s32 s26, $0x2  }
0x16a: {  	s25 =	sor.u32 s25, s26  }
0x16b: {  	s29 =	sadd.s32 $0x30, s24;
	s30 =	sadd.s32 $0x800, s25  }
0x16c: {  	(v2sf) =	vpush v0, $0x5;
	[hbm4b:s29+s4] =	stream.linear.scatter [tilespmem:s30], [sflag:$0x1], $0x80, $0x38;
	[tilespmem:$0x14800] =	vst v63  }
0x16d: {  	s31 =	sadd.s32 $0xC00, s25;
	s29 =	sadd.s32 $0xB0, s24  }
0x16e: {  	[hbm4b:s29+s4] =	stream.linear.scatter [tilespmem:s31], [sflag:$0x1], $0x80, $0x38;
	[tilespmem:$0x14800] =	vst v63  }
0x16f: {  	s30 =	sadd.s32 $0x1000, s25;
	s31 =	sadd.s32 $0x130, s24;
	s29 =	spop (v2sf)  }
0x170: {  	[hbm4b:s31+s4] =	stream.linear.scatter [tilespmem:s30], [sflag:$0x1], $0x80, $0x38;
	[tilespmem:$0x14800] =	vst v63  }
0x171: {  	s30 =	sshrl.u32 s29, $0x3  }
0x172: {  	s28 =	sadd.s32 $0x1B0, s24;
	s25 =	sadd.s32 $0x1400, s25;
	s26 =	smul.u32 $0x5000, s30  }
0x173: {  	[hbm4b:s28+s4] =	stream.linear.scatter [tilespmem:s25], [sflag:$0x1], $0x80, $0x38;
	[tilespmem:$0x14800] =	vst v63  }
0x174: {  	s25 =	sshll.u32 s29, $0x7  }
0x175: {  	s25 =	sand.u32 $0x380, s25;
	s26 =	sshra.s32 s26, $0x2  }
0x176: {  	s25 =	sor.u32 s25, s26  }
0x177: {  	s31 =	sadd.s32 $0x40, s24;
	s29 =	sadd.s32 $0x800, s25  }
0x178: {  	[hbm4b:s31+s4] =	stream.linear.scatter [tilespmem:s29], [sflag:$0x1], $0x80, $0x38;
	[tilespmem:$0x14800] =	vst v63  }
0x179: {  	s30 =	sadd.s32 $0xC00, s25;
	s31 =	sadd.s32 $0xC0, s24  }
0x17a: {  	(v2sf) =	vpush v0, $0x6;
	[hbm4b:s31+s4] =	stream.linear.scatter [tilespmem:s30], [sflag:$0x1], $0x80, $0x38;
	[tilespmem:$0x14800] =	vst v63  }
0x17b: {  	s28 =	spop (v2sf);
	s29 =	sadd.s32 $0x1000, s25;
	s30 =	sadd.s32 $0x140, s24  }
0x17c: {  	[hbm4b:s30+s4] =	stream.linear.scatter [tilespmem:s29], [sflag:$0x1], $0x80, $0x38;
	[tilespmem:$0x14800] =	vst v63  }
0x17d: {  	s29 =	sshrl.u32 s28, $0x3  }
0x17e: {  	s25 =	sadd.s32 $0x1400, s25;
	s31 =	sadd.s32 $0x1C0, s24;
	s26 =	smul.u32 $0x5000, s29  }
0x17f: {  	[hbm4b:s31+s4] =	stream.linear.scatter [tilespmem:s25], [sflag:$0x1], $0x80, $0x38;
	[tilespmem:$0x14800] =	vst v63  }
0x180: {  	s25 =	sshll.u32 s28, $0x7  }
0x181: {  	s25 =	sand.u32 $0x380, s25;
	s26 =	sshra.s32 s26, $0x2  }
0x182: {  	s25 =	sor.u32 s25, s26  }
0x183: {  	s30 =	sadd.s32 $0x50, s24;
	s31 =	sadd.s32 $0x800, s25  }
0x184: {  	[hbm4b:s30+s4] =	stream.linear.scatter [tilespmem:s31], [sflag:$0x1], $0x80, $0x38;
	[tilespmem:$0x14800] =	vst v63  }
0x185: {  	(v2sf) =	vpush v0, $0x7;
	s29 =	sadd.s32 $0xC00, s25;
	s30 =	sadd.s32 $0xD0, s24  }
0x186: {  	[hbm4b:s30+s4] =	stream.linear.scatter [tilespmem:s29], [sflag:$0x1], $0x80, $0x38;
	[tilespmem:$0x14800] =	vst v63  }
0x187: {  	s31 =	sadd.s32 $0x1000, s25;
	s29 =	sadd.s32 $0x150, s24  }
0x188: {  	[hbm4b:s29+s4] =	stream.linear.scatter [tilespmem:s31], [sflag:$0x1], $0x80, $0x38;
	[tilespmem:$0x14800] =	vst v63  }
0x189: {  	s31 =	spop (v2sf)  }
0x18a: {  	s25 =	sadd.s32 $0x1400, s25;
	s30 =	sadd.s32 $0x1D0, s24;
	s28 =	sshrl.u32 s31, $0x3  }
0x18b: {  	[hbm4b:s30+s4] =	stream.linear.scatter [tilespmem:s25], [sflag:$0x1], $0x80, $0x38;
	[tilespmem:$0x14800] =	vst v63  }
0x18c: {  	s26 =	smul.u32 $0x5000, s28  }
0x18d: {  	s25 =	sshll.u32 s31, $0x7  }
0x18e: {  	s25 =	sand.u32 $0x380, s25;
	s26 =	sshra.s32 s26, $0x2  }
0x18f: {  	s25 =	sor.u32 s25, s26  }
0x190: {  	s29 =	sadd.s32 $0x60, s24;
	s30 =	sadd.s32 $0x800, s25  }
0x191: {  	(v2sf) =	vpush v0, $0x8;
	[hbm4b:s29+s4] =	stream.linear.scatter [tilespmem:s30], [sflag:$0x1], $0x80, $0x38;
	[tilespmem:$0x14800] =	vst v63  }
0x192: {  	s31 =	sadd.s32 $0xC00, s25;
	s29 =	sadd.s32 $0xE0, s24  }
0x193: {  	[hbm4b:s29+s4] =	stream.linear.scatter [tilespmem:s31], [sflag:$0x1], $0x80, $0x38;
	[tilespmem:$0x14800] =	vst v63  }
0x194: {  	s30 =	sadd.s32 $0x1000, s25;
	s31 =	sadd.s32 $0x160, s24;
	s29 =	spop (v2sf)  }
0x195: {  	[hbm4b:s31+s4] =	stream.linear.scatter [tilespmem:s30], [sflag:$0x1], $0x80, $0x38;
	[tilespmem:$0x14800] =	vst v63  }
0x196: {  	s30 =	sshrl.u32 s29, $0x3  }
0x197: {  	s28 =	sadd.s32 $0x1E0, s24;
	s25 =	sadd.s32 $0x1400, s25;
	s26 =	smul.u32 $0x5000, s30  }
0x198: {  	[hbm4b:s28+s4] =	stream.linear.scatter [tilespmem:s25], [sflag:$0x1], $0x80, $0x38;
	[tilespmem:$0x14800] =	vst v63  }
0x199: {  	s25 =	sshll.u32 s29, $0x7  }
0x19a: {  	s25 =	sand.u32 $0x380, s25;
	s26 =	sshra.s32 s26, $0x2  }
0x19b: {  	s25 =	sor.u32 s25, s26  }
0x19c: {  	s31 =	sadd.s32 $0x70, s24;
	s29 =	sadd.s32 $0x800, s25  }
0x19d: {  	(v2sf) =	vpush v0, $0x9;
	[hbm4b:s31+s4] =	stream.linear.scatter [tilespmem:s29], [sflag:$0x1], $0x80, $0x38;
	[tilespmem:$0x14800] =	vst v63  }
0x19e: {  	s30 =	sadd.s32 $0xC00, s25;
	s31 =	sadd.s32 $0xF0, s24  }
0x19f: {  	[hbm4b:s31+s4] =	stream.linear.scatter [tilespmem:s30], [sflag:$0x1], $0x80, $0x38;
	[tilespmem:$0x14800] =	vst v63  }
0x1a0: {  	s29 =	sadd.s32 $0x1000, s25;
	s30 =	sadd.s32 $0x170, s24;
	s31 =	spop (v2sf)  }
0x1a1: {  	[hbm4b:s30+s4] =	stream.linear.scatter [tilespmem:s29], [sflag:$0x1], $0x80, $0x38;
	[tilespmem:$0x14800] =	vst v63  }
0x1a2: {  	s25 =	sadd.s32 $0x1400, s25;
	s24 =	sadd.s32 $0x1F0, s24;
	s26 =	sshrl.u32 s31, $0x3  }
0x1a3: {  	[hbm4b:s24+s4] =	stream.linear.scatter [tilespmem:s25], [sflag:$0x1], $0x80, $0x38;
	[tilespmem:$0x14800] =	vst v63  }
0x1a4: {  	s25 =	smul.u32 $0x5000, s26  }
0x1a5: {  	s24 =	sshll.u32 s31, $0x7  }
0x1a6: {  	s24 =	sand.u32 $0x380, s24;
	s25 =	sshra.s32 s25, $0x2  }
0x1a7: {  	s28 =	rddreg [dreg:$0x6];
	s25 =	sor.u32 s24, s25  }
0x1a8: {  	s24 =	sadd.s32 s21, s28;
	s29 =	sadd.s32 $0x800, s25  }
0x1a9: {  	[hbm4b:s24+s4] =	stream.linear.scatter [tilespmem:s29], [sflag:$0x1], $0x80, $0x38;
	[tilespmem:$0x14800] =	vst v63  }
0x1aa: {  	s30 =	sadd.s32 $0xC00, s25;
	s31 =	sadd.s32 $0x80, s24  }
0x1ab: {  	(v2sf) =	vpush v0, $0xA;
	[hbm4b:s31+s4] =	stream.linear.scatter [tilespmem:s30], [sflag:$0x1], $0x80, $0x38;
	[tilespmem:$0x14800] =	vst v63  }
0x1ac: {  	s28 =	spop (v2sf);
	s29 =	sadd.s32 $0x1000, s25;
	s30 =	sadd.s32 $0x100, s24  }
0x1ad: {  	[hbm4b:s30+s4] =	stream.linear.scatter [tilespmem:s29], [sflag:$0x1], $0x80, $0x38;
	[tilespmem:$0x14800] =	vst v63  }
0x1ae: {  	s29 =	sshrl.u32 s28, $0x3  }
0x1af: {  	s25 =	sadd.s32 $0x1400, s25;
	s31 =	sadd.s32 $0x180, s24;
	s26 =	smul.u32 $0x5000, s29  }
0x1b0: {  	[hbm4b:s31+s4] =	stream.linear.scatter [tilespmem:s25], [sflag:$0x1], $0x80, $0x38;
	[tilespmem:$0x14800] =	vst v63  }
0x1b1: {  	s25 =	sshll.u32 s28, $0x7  }
0x1b2: {  	s25 =	sand.u32 $0x380, s25;
	s26 =	sshra.s32 s26, $0x2  }
0x1b3: {  	s25 =	sor.u32 s25, s26  }
0x1b4: {  	s30 =	sadd.s32 $0x10, s24;
	s31 =	sadd.s32 $0x800, s25  }
0x1b5: {  	[hbm4b:s30+s4] =	stream.linear.scatter [tilespmem:s31], [sflag:$0x1], $0x80, $0x38;
	[tilespmem:$0x14800] =	vst v63  }
0x1b6: {  	(v2sf) =	vpush v0, $0xB;
	s29 =	sadd.s32 $0xC00, s25;
	s30 =	sadd.s32 $0x90, s24  }
0x1b7: {  	[hbm4b:s30+s4] =	stream.linear.scatter [tilespmem:s29], [sflag:$0x1], $0x80, $0x38;
	[tilespmem:$0x14800] =	vst v63  }
0x1b8: {  	s31 =	sadd.s32 $0x1000, s25;
	s29 =	sadd.s32 $0x110, s24  }
0x1b9: {  	[hbm4b:s29+s4] =	stream.linear.scatter [tilespmem:s31], [sflag:$0x1], $0x80, $0x38;
	[tilespmem:$0x14800] =	vst v63  }
0x1ba: {  	s31 =	spop (v2sf)  }
0x1bb: {  	s25 =	sadd.s32 $0x1400, s25;
	s30 =	sadd.s32 $0x190, s24;
	s28 =	sshrl.u32 s31, $0x3  }
0x1bc: {  	[hbm4b:s30+s4] =	stream.linear.scatter [tilespmem:s25], [sflag:$0x1], $0x80, $0x38;
	[tilespmem:$0x14800] =	vst v63  }
0x1bd: {  	s26 =	smul.u32 $0x5000, s28  }
0x1be: {  	s25 =	sshll.u32 s31, $0x7  }
0x1bf: {  	s25 =	sand.u32 $0x380, s25;
	s26 =	sshra.s32 s26, $0x2  }
0x1c0: {  	s25 =	sor.u32 s25, s26  }
0x1c1: {  	s29 =	sadd.s32 $0x20, s24;
	s30 =	sadd.s32 $0x800, s25  }
0x1c2: {  	(v2sf) =	vpush v0, $0xC;
	[hbm4b:s29+s4] =	stream.linear.scatter [tilespmem:s30], [sflag:$0x1], $0x80, $0x38;
	[tilespmem:$0x14800] =	vst v63  }
0x1c3: {  	s31 =	sadd.s32 $0xC00, s25;
	s29 =	sadd.s32 $0xA0, s24  }
0x1c4: {  	[hbm4b:s29+s4] =	stream.linear.scatter [tilespmem:s31], [sflag:$0x1], $0x80, $0x38;
	[tilespmem:$0x14800] =	vst v63  }
0x1c5: {  	s30 =	sadd.s32 $0x1000, s25;
	s31 =	sadd.s32 $0x120, s24;
	s29 =	spop (v2sf)  }
0x1c6: {  	[hbm4b:s31+s4] =	stream.linear.scatter [tilespmem:s30], [sflag:$0x1], $0x80, $0x38;
	[tilespmem:$0x14800] =	vst v63  }
0x1c7: {  	s30 =	sshrl.u32 s29, $0x3  }
0x1c8: {  	s28 =	sadd.s32 $0x1A0, s24;
	s25 =	sadd.s32 $0x1400, s25;
	s26 =	smul.u32 $0x5000, s30  }
0x1c9: {  	[hbm4b:s28+s4] =	stream.linear.scatter [tilespmem:s25], [sflag:$0x1], $0x80, $0x38;
	[tilespmem:$0x14800] =	vst v63  }
0x1ca: {  	s25 =	sshll.u32 s29, $0x7  }
0x1cb: {  	s25 =	sand.u32 $0x380, s25;
	s26 =	sshra.s32 s26, $0x2  }
0x1cc: {  	s25 =	sor.u32 s25, s26  }
0x1cd: {  	s31 =	sadd.s32 $0x30, s24;
	s29 =	sadd.s32 $0x800, s25  }
0x1ce: {  	(v2sf) =	vpush v0, $0xD;
	[hbm4b:s31+s4] =	stream.linear.scatter [tilespmem:s29], [sflag:$0x1], $0x80, $0x38;
	[tilespmem:$0x14800] =	vst v63  }
0x1cf: {  	s30 =	sadd.s32 $0xC00, s25;
	s31 =	sadd.s32 $0xB0, s24  }
0x1d0: {  	[hbm4b:s31+s4] =	stream.linear.scatter [tilespmem:s30], [sflag:$0x1], $0x80, $0x38;
	[tilespmem:$0x14800] =	vst v63  }
0x1d1: {  	s28 =	spop (v2sf);
	s29 =	sadd.s32 $0x1000, s25;
	s30 =	sadd.s32 $0x130, s24  }
0x1d2: {  	[hbm4b:s30+s4] =	stream.linear.scatter [tilespmem:s29], [sflag:$0x1], $0x80, $0x38;
	[tilespmem:$0x14800] =	vst v63  }
0x1d3: {  	s29 =	sshrl.u32 s28, $0x3  }
0x1d4: {  	s25 =	sadd.s32 $0x1400, s25;
	s31 =	sadd.s32 $0x1B0, s24;
	s26 =	smul.u32 $0x5000, s29  }
0x1d5: {  	[hbm4b:s31+s4] =	stream.linear.scatter [tilespmem:s25], [sflag:$0x1], $0x80, $0x38;
	[tilespmem:$0x14800] =	vst v63  }
0x1d6: {  	s25 =	sshll.u32 s28, $0x7  }
0x1d7: {  	s25 =	sand.u32 $0x380, s25;
	s26 =	sshra.s32 s26, $0x2  }
0x1d8: {  	s25 =	sor.u32 s25, s26  }
0x1d9: {  	s30 =	sadd.s32 $0x40, s24;
	s31 =	sadd.s32 $0x800, s25  }
0x1da: {  	[hbm4b:s30+s4] =	stream.linear.scatter [tilespmem:s31], [sflag:$0x1], $0x80, $0x38;
	[tilespmem:$0x14800] =	vst v63  }
0x1db: {  	s29 =	sadd.s32 $0xC00, s25;
	s30 =	sadd.s32 $0xC0, s24  }
0x1dc: {  	(v2sf) =	vpush v0, $0xE;
	[hbm4b:s30+s4] =	stream.linear.scatter [tilespmem:s29], [sflag:$0x1], $0x80, $0x38;
	[tilespmem:$0x14800] =	vst v63  }
0x1dd: {  	s31 =	sadd.s32 $0x1000, s25;
	s29 =	sadd.s32 $0x140, s24;
	s30 =	spop (v2sf)  }
0x1de: {  	[hbm4b:s29+s4] =	stream.linear.scatter [tilespmem:s31], [sflag:$0x1], $0x80, $0x38;
	[tilespmem:$0x14800] =	vst v63  }
0x1df: {  	s25 =	sadd.s32 $0x1400, s25;
	s31 =	sadd.s32 $0x1C0, s24;
	s29 =	sshrl.u32 s30, $0x3  }
0x1e0: {  	[hbm4b:s31+s4] =	stream.linear.scatter [tilespmem:s25], [sflag:$0x1], $0x80, $0x38;
	[tilespmem:$0x14800] =	vst v63  }
0x1e1: {  	s25 =	smul.u32 $0x5000, s29  }
0x1e2: {  	s26 =	sshll.u32 s30, $0x7  }
0x1e3: {  	s26 =	sand.u32 $0x380, s26;
	s25 =	sshra.s32 s25, $0x2  }
0x1e4: {  	s25 =	sor.u32 s26, s25  }
0x1e5: {  	s30 =	sadd.s32 $0x50, s24;
	s31 =	sadd.s32 $0x800, s25  }
0x1e6: {  	[hbm4b:s30+s4] =	stream.linear.scatter [tilespmem:s31], [sflag:$0x1], $0x80, $0x38;
	[tilespmem:$0x14800] =	vst v63  }
0x1e7: {  	s29 =	sadd.s32 $0xC00, s25;
	s30 =	sadd.s32 $0xD0, s24  }
0x1e8: {  	[hbm4b:s30+s4] =	stream.linear.scatter [tilespmem:s29], [sflag:$0x1], $0x80, $0x38;
	[tilespmem:$0x14800] =	vst v63  }
0x1e9: {  	s31 =	sadd.s32 $0x1000, s25;
	s29 =	sadd.s32 $0x150, s24  }
0x1ea: {  	[hbm4b:s29+s4] =	stream.linear.scatter [tilespmem:s31], [sflag:$0x1], $0x80, $0x38;
	[tilespmem:$0x14800] =	vst v63  }
0x1eb: {  	s31 =	spop (v2sf);
	(v2sf) =	vpush v0, $0xF  }
0x1ec: {  	s25 =	sadd.s32 $0x1400, s25;
	s30 =	sadd.s32 $0x1D0, s24;
	s26 =	sshrl.u32 s31, $0x3  }
0x1ed: {  	[hbm4b:s30+s4] =	stream.linear.scatter [tilespmem:s25], [sflag:$0x1], $0x80, $0x38;
	[tilespmem:$0x14800] =	vst v63  }
0x1ee: {  	s25 =	smul.u32 $0x5000, s26  }
0x1ef: {  	s29 =	sshll.u32 s31, $0x7  }
0x1f0: {  	s26 =	sand.u32 $0x380, s29;
	s25 =	sshra.s32 s25, $0x2  }
0x1f1: {  	s25 =	sor.u32 s26, s25  }
0x1f2: {  	s30 =	sadd.s32 $0x60, s24;
	s31 =	sadd.s32 $0x800, s25  }
0x1f3: {  	[hbm4b:s30+s4] =	stream.linear.scatter [tilespmem:s31], [sflag:$0x1], $0x80, $0x38;
	[tilespmem:$0x14800] =	vst v63  }
0x1f4: {  	s29 =	sadd.s32 $0xC00, s25;
	s30 =	sadd.s32 $0xE0, s24  }
0x1f5: {  	[hbm4b:s30+s4] =	stream.linear.scatter [tilespmem:s29], [sflag:$0x1], $0x80, $0x38;
	[tilespmem:$0x14800] =	vst v63  }
0x1f6: {  	s31 =	sadd.s32 $0x1000, s25;
	s29 =	sadd.s32 $0x160, s24  }
0x1f7: {  	[hbm4b:s29+s4] =	stream.linear.scatter [tilespmem:s31], [sflag:$0x1], $0x80, $0x38;
	[tilespmem:$0x14800] =	vst v63  }
0x1f8: {  	s25 =	sadd.s32 $0x1400, s25;
	s30 =	sadd.s32 $0x1E0, s24  }
0x1f9: {  	[hbm4b:s30+s4] =	stream.linear.scatter [tilespmem:s25], [sflag:$0x1], $0x80, $0x38;
	[tilespmem:$0x14800] =	vst v63  }
0x1fa: {  	s31 =	spop (v2sf)  }
0x1fb: {  	s28 =	sshrl.u32 s31, $0x3  }
0x1fc: {  	s26 =	smul.u32 $0x5000, s28  }
0x1fd: {  	s25 =	sshll.u32 s31, $0x7  }
0x1fe: {  	s25 =	sand.u32 $0x380, s25;
	s26 =	sshra.s32 s26, $0x2  }
0x1ff: {  	s25 =	sor.u32 s25, s26  }
0x200: {  	s29 =	sadd.s32 $0x70, s24;
	s30 =	sadd.s32 $0x800, s25  }
0x201: {  	[hbm4b:s29+s4] =	stream.linear.scatter [tilespmem:s30], [sflag:$0x1], $0x80, $0x38;
	[tilespmem:$0x14800] =	vst v63  }
0x202: {  	s31 =	sadd.s32 $0xC00, s25;
	s29 =	sadd.s32 $0xF0, s24  }
0x203: {  	[hbm4b:s29+s4] =	stream.linear.scatter [tilespmem:s31], [sflag:$0x1], $0x80, $0x38;
	[tilespmem:$0x14800] =	vst v63  }
0x204: {  	s21 =	sadd.s32 $0x9000, s21;
	s30 =	sadd.s32 $0x1000, s25;
	s31 =	sadd.s32 $0x170, s24  }
0x205: {  	[hbm4b:s31+s4] =	stream.linear.scatter [tilespmem:s30], [sflag:$0x1], $0x80, $0x38;
	[tilespmem:$0x14800] =	vst v63  }
0x206: {  	p3 =	sne.s32 s21, $0x240000;
	s25 =	sadd.s32 $0x1400, s25;
	s24 =	sadd.s32 $0x1F0, s24  }
0x207: {  	[hbm4b:s24+s4] =	stream.linear.scatter [tilespmem:s25], [sflag:$0x1], $0x80, $0x38;
	[tilespmem:$0x14800] =	vst v63  }
.Ltmp4:
0x208: {  	p2 =	slt.u32 s23, $0x2;
	(pc) =	sbr.rel @p3 .LBB2_4-.Ltmp4, $4  }
0x209: {  	s24 =	simm.s32 @!p2 $0x1  }
0x20a: {  	_ =	swait.ge @!p2 [sflag:s24], $0x2000  }
0x20b: {  	[sflag:s24] =	ssyncset.done @!p2 $0x0  }
0x20c: {  	s23 =	sadd.s32 $0x1, s23;
	s22 =	sadd.s32 $0x10, s22;
	[sflag:s24] =	ssyncadd.s32 @!p2 $0xFFFFE000  }
0x20d: {  	_ =	swait.ge [sflag:s6], $0x2000  }
.Ltmp5:
0x20e: {  	[sflag:s6] =	ssyncset.done $0x0;
	(pc) =	sbr.rel @p1 .LBB2_11-.Ltmp5, $4  }
0x20f: {  	[sflag:s6] =	ssyncadd.s32 $0xFFFFE000  }
0x210: {  	_ =	swait.ge [sflag:s6], $0x2000  }
0x211: {  	[sflag:s6] =	ssyncset.done $0x0  }
0x212: {  	[sflag:s6] =	ssyncadd.s32 $0xFFFFE000  }
.LBB2_6:
0x213: {  	s21 =	simm.s32 $0x0  }
0x214: {  	s22 =	smov.u32 s15;
	s23 =	simm.s32 $0x0;
	s24 =	simm.s32 $0x0  }
.LBB2_7:
0x215: {  	v0 =	vld [tilespmem:s21+$0x0];
	_ =	sdelay $0x4  }
0x216: {  	(v2sf) =	vpush v0, $0x0;
	_ =	sdelay $0xb  }
0x217: {  	(v2sf) =	vpush v0, $0x1;
	_ =	sdelay $0x2  }
0x218: {  	s25 =	spop (v2sf)  }
0x219: {  	s26 =	sshrl.u32 s25, $0x3  }
0x21a: {  	s26 =	smul.u32 $0x5000, s26  }
0x21b: {  	s25 =	sshll.u32 s25, $0x7  }
0x21c: {  	s28 =	sand.u32 $0x380, s25;
	s26 =	sshra.s32 s26, $0x2  }
0x21d: {  	s25 =	sshrl.u32 s22, $0x3;
	s26 =	sor.u32 s28, s26  }
0x21e: {  	s28 =	sadd.s32 s3, s25;
	s29 =	sadd.s32 $0xC00, s26  }
0x21f: {  	[hbm4b:s28+s4] =	stream.linear.scatter [tilespmem:s29], [sflag:$0x1], $0x80, $0x38;
	[tilespmem:$0x14800] =	vst v63  }
0x220: {  	s31 =	sadd.s32 $0x1000, s26;
	s30 =	sadd.s32 $0x80, s28  }
0x221: {  	[hbm4b:s30+s4] =	stream.linear.scatter [tilespmem:s31], [sflag:$0x1], $0x80, $0x38;
	[tilespmem:$0x14800] =	vst v63  }
0x222: {  	(v2sf) =	vpush v0, $0x2;
	s29 =	sadd.s32 $0x1400, s26;
	s31 =	sadd.s32 $0x100, s28  }
0x223: {  	[hbm4b:s31+s4] =	stream.linear.scatter [tilespmem:s29], [sflag:$0x1], $0x80, $0x38;
	[tilespmem:$0x14800] =	vst v63  }
0x224: {  	s31 =	spop (v2sf)  }
0x225: {  	s26 =	sadd.s32 $0x1800, s26;
	s28 =	sadd.s32 $0x180, s28;
	s29 =	sshrl.u32 s31, $0x3  }
0x226: {  	[hbm4b:s28+s4] =	stream.linear.scatter [tilespmem:s26], [sflag:$0x1], $0x80, $0x38;
	[tilespmem:$0x14800] =	vst v63  }
0x227: {  	s28 =	smul.u32 $0x5000, s29  }
0x228: {  	s26 =	sshll.u32 s31, $0x7  }
0x229: {  	s26 =	sand.u32 $0x380, s26;
	s28 =	sshra.s32 s28, $0x2  }
0x22a: {  	s26 =	sor.u32 s26, s28  }
0x22b: {  	s28 =	sadd.s32 s25, s8;
	s30 =	sadd.s32 $0xC00, s26  }
0x22c: {  	[hbm4b:s28+s4] =	stream.linear.scatter [tilespmem:s30], [sflag:$0x1], $0x80, $0x38;
	[tilespmem:$0x14800] =	vst v63  }
0x22d: {  	s29 =	sadd.s32 $0x1000, s26;
	s31 =	sadd.s32 $0x80, s28  }
0x22e: {  	[hbm4b:s31+s4] =	stream.linear.scatter [tilespmem:s29], [sflag:$0x1], $0x80, $0x38;
	[tilespmem:$0x14800] =	vst v63  }
0x22f: {  	(v2sf) =	vpush v0, $0x3;
	s29 =	sadd.s32 $0x1400, s26;
	s31 =	sadd.s32 $0x100, s28  }
0x230: {  	[hbm4b:s31+s4] =	stream.linear.scatter [tilespmem:s29], [sflag:$0x1], $0x80, $0x38;
	[tilespmem:$0x14800] =	vst v63  }
0x231: {  	s31 =	spop (v2sf)  }
0x232: {  	s26 =	sadd.s32 $0x1800, s26;
	s28 =	sadd.s32 $0x180, s28;
	s29 =	sshrl.u32 s31, $0x3  }
0x233: {  	[hbm4b:s28+s4] =	stream.linear.scatter [tilespmem:s26], [sflag:$0x1], $0x80, $0x38;
	[tilespmem:$0x14800] =	vst v63  }
0x234: {  	s28 =	smul.u32 $0x5000, s29  }
0x235: {  	s26 =	sshll.u32 s31, $0x7  }
0x236: {  	s26 =	sand.u32 $0x380, s26;
	s28 =	sshra.s32 s28, $0x2  }
0x237: {  	s26 =	sor.u32 s26, s28  }
0x238: {  	s28 =	sadd.s32 s25, s9;
	s30 =	sadd.s32 $0xC00, s26  }
0x239: {  	[hbm4b:s28+s4] =	stream.linear.scatter [tilespmem:s30], [sflag:$0x1], $0x80, $0x38;
	[tilespmem:$0x14800] =	vst v63  }
0x23a: {  	s29 =	sadd.s32 $0x1000, s26;
	s31 =	sadd.s32 $0x80, s28  }
0x23b: {  	[hbm4b:s31+s4] =	stream.linear.scatter [tilespmem:s29], [sflag:$0x1], $0x80, $0x38;
	[tilespmem:$0x14800] =	vst v63  }
0x23c: {  	(v2sf) =	vpush v0, $0x4;
	s29 =	sadd.s32 $0x1400, s26;
	s31 =	sadd.s32 $0x100, s28  }
0x23d: {  	[hbm4b:s31+s4] =	stream.linear.scatter [tilespmem:s29], [sflag:$0x1], $0x80, $0x38;
	[tilespmem:$0x14800] =	vst v63  }
0x23e: {  	s31 =	spop (v2sf)  }
0x23f: {  	s26 =	sadd.s32 $0x1800, s26;
	s28 =	sadd.s32 $0x180, s28;
	s29 =	sshrl.u32 s31, $0x3  }
0x240: {  	[hbm4b:s28+s4] =	stream.linear.scatter [tilespmem:s26], [sflag:$0x1], $0x80, $0x38;
	[tilespmem:$0x14800] =	vst v63  }
0x241: {  	s28 =	smul.u32 $0x5000, s29  }
0x242: {  	s26 =	sshll.u32 s31, $0x7  }
0x243: {  	s26 =	sand.u32 $0x380, s26;
	s28 =	sshra.s32 s28, $0x2  }
0x244: {  	s26 =	sor.u32 s26, s28  }
0x245: {  	s28 =	sadd.s32 s25, s10;
	s30 =	sadd.s32 $0xC00, s26  }
0x246: {  	[hbm4b:s28+s4] =	stream.linear.scatter [tilespmem:s30], [sflag:$0x1], $0x80, $0x38;
	[tilespmem:$0x14800] =	vst v63  }
0x247: {  	s29 =	sadd.s32 $0x1000, s26;
	s31 =	sadd.s32 $0x80, s28  }
0x248: {  	[hbm4b:s31+s4] =	stream.linear.scatter [tilespmem:s29], [sflag:$0x1], $0x80, $0x38;
	[tilespmem:$0x14800] =	vst v63  }
0x249: {  	(v2sf) =	vpush v0, $0x5;
	s29 =	sadd.s32 $0x1400, s26;
	s31 =	sadd.s32 $0x100, s28  }
0x24a: {  	[hbm4b:s31+s4] =	stream.linear.scatter [tilespmem:s29], [sflag:$0x1], $0x80, $0x38;
	[tilespmem:$0x14800] =	vst v63  }
0x24b: {  	s31 =	spop (v2sf)  }
0x24c: {  	s26 =	sadd.s32 $0x1800, s26;
	s28 =	sadd.s32 $0x180, s28;
	s29 =	sshrl.u32 s31, $0x3  }
0x24d: {  	[hbm4b:s28+s4] =	stream.linear.scatter [tilespmem:s26], [sflag:$0x1], $0x80, $0x38;
	[tilespmem:$0x14800] =	vst v63  }
0x24e: {  	s28 =	smul.u32 $0x5000, s29  }
0x24f: {  	s26 =	sshll.u32 s31, $0x7  }
0x250: {  	s26 =	sand.u32 $0x380, s26;
	s28 =	sshra.s32 s28, $0x2  }
0x251: {  	s26 =	sor.u32 s26, s28  }
0x252: {  	s28 =	sadd.s32 s25, s11;
	s30 =	sadd.s32 $0xC00, s26  }
0x253: {  	[hbm4b:s28+s4] =	stream.linear.scatter [tilespmem:s30], [sflag:$0x1], $0x80, $0x38;
	[tilespmem:$0x14800] =	vst v63  }
0x254: {  	s29 =	sadd.s32 $0x1000, s26;
	s31 =	sadd.s32 $0x80, s28  }
0x255: {  	[hbm4b:s31+s4] =	stream.linear.scatter [tilespmem:s29], [sflag:$0x1], $0x80, $0x38;
	[tilespmem:$0x14800] =	vst v63  }
0x256: {  	(v2sf) =	vpush v0, $0x6;
	s29 =	sadd.s32 $0x1400, s26;
	s31 =	sadd.s32 $0x100, s28  }
0x257: {  	[hbm4b:s31+s4] =	stream.linear.scatter [tilespmem:s29], [sflag:$0x1], $0x80, $0x38;
	[tilespmem:$0x14800] =	vst v63  }
0x258: {  	s31 =	spop (v2sf)  }
0x259: {  	s26 =	sadd.s32 $0x1800, s26;
	s28 =	sadd.s32 $0x180, s28;
	s29 =	sshrl.u32 s31, $0x3  }
0x25a: {  	[hbm4b:s28+s4] =	stream.linear.scatter [tilespmem:s26], [sflag:$0x1], $0x80, $0x38;
	[tilespmem:$0x14800] =	vst v63  }
0x25b: {  	s28 =	smul.u32 $0x5000, s29  }
0x25c: {  	s26 =	sshll.u32 s31, $0x7  }
0x25d: {  	s26 =	sand.u32 $0x380, s26;
	s28 =	sshra.s32 s28, $0x2  }
0x25e: {  	s26 =	sor.u32 s26, s28  }
0x25f: {  	s28 =	sadd.s32 s25, s12;
	s30 =	sadd.s32 $0xC00, s26  }
0x260: {  	[hbm4b:s28+s4] =	stream.linear.scatter [tilespmem:s30], [sflag:$0x1], $0x80, $0x38;
	[tilespmem:$0x14800] =	vst v63  }
0x261: {  	s29 =	sadd.s32 $0x1000, s26;
	s31 =	sadd.s32 $0x80, s28  }
0x262: {  	[hbm4b:s31+s4] =	stream.linear.scatter [tilespmem:s29], [sflag:$0x1], $0x80, $0x38;
	[tilespmem:$0x14800] =	vst v63  }
0x263: {  	(v2sf) =	vpush v0, $0x7;
	s29 =	sadd.s32 $0x1400, s26;
	s31 =	sadd.s32 $0x100, s28  }
0x264: {  	[hbm4b:s31+s4] =	stream.linear.scatter [tilespmem:s29], [sflag:$0x1], $0x80, $0x38;
	[tilespmem:$0x14800] =	vst v63  }
0x265: {  	s31 =	spop (v2sf)  }
0x266: {  	s26 =	sadd.s32 $0x1800, s26;
	s28 =	sadd.s32 $0x180, s28;
	s29 =	sshrl.u32 s31, $0x3  }
0x267: {  	[hbm4b:s28+s4] =	stream.linear.scatter [tilespmem:s26], [sflag:$0x1], $0x80, $0x38;
	[tilespmem:$0x14800] =	vst v63  }
0x268: {  	s28 =	smul.u32 $0x5000, s29  }
0x269: {  	s26 =	sshll.u32 s31, $0x7  }
0x26a: {  	s26 =	sand.u32 $0x380, s26;
	s28 =	sshra.s32 s28, $0x2  }
0x26b: {  	s26 =	sor.u32 s26, s28  }
0x26c: {  	s28 =	sadd.s32 s25, s13;
	s30 =	sadd.s32 $0xC00, s26  }
0x26d: {  	[hbm4b:s28+s4] =	stream.linear.scatter [tilespmem:s30], [sflag:$0x1], $0x80, $0x38;
	[tilespmem:$0x14800] =	vst v63  }
0x26e: {  	(v2sf) =	vpush v0, $0x8;
	s29 =	sadd.s32 $0x1000, s26;
	s31 =	sadd.s32 $0x80, s28  }
0x26f: {  	[hbm4b:s31+s4] =	stream.linear.scatter [tilespmem:s29], [sflag:$0x1], $0x80, $0x38;
	[tilespmem:$0x14800] =	vst v63  }
0x270: {  	s29 =	sadd.s32 $0x1400, s26;
	s31 =	sadd.s32 $0x100, s28  }
0x271: {  	[hbm4b:s31+s4] =	stream.linear.scatter [tilespmem:s29], [sflag:$0x1], $0x80, $0x38;
	[tilespmem:$0x14800] =	vst v63  }
0x272: {  	s31 =	spop (v2sf)  }
0x273: {  	s26 =	sadd.s32 $0x1800, s26;
	s28 =	sadd.s32 $0x180, s28;
	s29 =	sshrl.u32 s31, $0x3  }
0x274: {  	[hbm4b:s28+s4] =	stream.linear.scatter [tilespmem:s26], [sflag:$0x1], $0x80, $0x38;
	[tilespmem:$0x14800] =	vst v63  }
0x275: {  	s28 =	smul.u32 $0x5000, s29  }
0x276: {  	s26 =	sshll.u32 s31, $0x7  }
0x277: {  	s26 =	sand.u32 $0x380, s26;
	s28 =	sshra.s32 s28, $0x2  }
0x278: {  	s26 =	sor.u32 s26, s28  }
0x279: {  	s25 =	sadd.s32 s25, s14;
	s28 =	sadd.s32 $0xC00, s26  }
0x27a: {  	[hbm4b:s25+s4] =	stream.linear.scatter [tilespmem:s28], [sflag:$0x1], $0x80, $0x38;
	[tilespmem:$0x14800] =	vst v63  }
0x27b: {  	s31 =	sadd.s32 $0x80, s25;
	s30 =	sadd.s32 $0x1000, s26  }
0x27c: {  	(v2sf) =	vpush v0, $0x9;
	[hbm4b:s31+s4] =	stream.linear.scatter [tilespmem:s30], [sflag:$0x1], $0x80, $0x38;
	[tilespmem:$0x14800] =	vst v63  }
0x27d: {  	s29 =	spop (v2sf);
	s30 =	sadd.s32 $0x1400, s26;
	s31 =	sadd.s32 $0x100, s25  }
0x27e: {  	[hbm4b:s31+s4] =	stream.linear.scatter [tilespmem:s30], [sflag:$0x1], $0x80, $0x38;
	[tilespmem:$0x14800] =	vst v63  }
0x27f: {  	s26 =	sadd.s32 $0x1800, s26;
	s25 =	sadd.s32 $0x180, s25;
	s30 =	sshrl.u32 s29, $0x3  }
0x280: {  	[hbm4b:s25+s4] =	stream.linear.scatter [tilespmem:s26], [sflag:$0x1], $0x80, $0x38;
	[tilespmem:$0x14800] =	vst v63  }
0x281: {  	s26 =	smul.u32 $0x5000, s30  }
0x282: {  	s25 =	sshll.u32 s29, $0x7  }
0x283: {  	s25 =	sand.u32 $0x380, s25;
	s26 =	sshra.s32 s26, $0x2  }
0x284: {  	s31 =	rddreg [dreg:$0x7];
	s26 =	sor.u32 s25, s26  }
0x285: {  	s25 =	sadd.s32 s23, s31;
	s29 =	sadd.s32 $0xC00, s26  }
0x286: {  	[hbm4b:s25+s4] =	stream.linear.scatter [tilespmem:s29], [sflag:$0x1], $0x80, $0x38;
	[tilespmem:$0x14800] =	vst v63  }
0x287: {  	s30 =	sadd.s32 $0x1000, s26;
	s31 =	sadd.s32 $0x80, s25  }
0x288: {  	[hbm4b:s31+s4] =	stream.linear.scatter [tilespmem:s30], [sflag:$0x1], $0x80, $0x38;
	[tilespmem:$0x14800] =	vst v63  }
0x289: {  	(v2sf) =	vpush v0, $0xA;
	s30 =	sadd.s32 $0x1400, s26;
	s31 =	sadd.s32 $0x100, s25  }
0x28a: {  	[hbm4b:s31+s4] =	stream.linear.scatter [tilespmem:s30], [sflag:$0x1], $0x80, $0x38;
	[tilespmem:$0x14800] =	vst v63  }
0x28b: {  	s31 =	spop (v2sf)  }
0x28c: {  	s26 =	sadd.s32 $0x1800, s26;
	s30 =	sadd.s32 $0x180, s25;
	s29 =	sshrl.u32 s31, $0x3  }
0x28d: {  	[hbm4b:s30+s4] =	stream.linear.scatter [tilespmem:s26], [sflag:$0x1], $0x80, $0x38;
	[tilespmem:$0x14800] =	vst v63  }
0x28e: {  	s28 =	smul.u32 $0x5000, s29  }
0x28f: {  	s26 =	sshll.u32 s31, $0x7  }
0x290: {  	s26 =	sand.u32 $0x380, s26;
	s28 =	sshra.s32 s28, $0x2  }
0x291: {  	s26 =	sor.u32 s26, s28  }
0x292: {  	s30 =	sadd.s32 $0x10, s25;
	s31 =	sadd.s32 $0xC00, s26  }
0x293: {  	[hbm4b:s30+s4] =	stream.linear.scatter [tilespmem:s31], [sflag:$0x1], $0x80, $0x38;
	[tilespmem:$0x14800] =	vst v63  }
0x294: {  	s30 =	sadd.s32 $0x1000, s26;
	s31 =	sadd.s32 $0x90, s25  }
0x295: {  	[hbm4b:s31+s4] =	stream.linear.scatter [tilespmem:s30], [sflag:$0x1], $0x80, $0x38;
	[tilespmem:$0x14800] =	vst v63  }
0x296: {  	(v2sf) =	vpush v0, $0xB;
	s30 =	sadd.s32 $0x1400, s26;
	s31 =	sadd.s32 $0x110, s25  }
0x297: {  	[hbm4b:s31+s4] =	stream.linear.scatter [tilespmem:s30], [sflag:$0x1], $0x80, $0x38;
	[tilespmem:$0x14800] =	vst v63  }
0x298: {  	s31 =	spop (v2sf)  }
0x299: {  	s26 =	sadd.s32 $0x1800, s26;
	s30 =	sadd.s32 $0x190, s25;
	s29 =	sshrl.u32 s31, $0x3  }
0x29a: {  	[hbm4b:s30+s4] =	stream.linear.scatter [tilespmem:s26], [sflag:$0x1], $0x80, $0x38;
	[tilespmem:$0x14800] =	vst v63  }
0x29b: {  	s28 =	smul.u32 $0x5000, s29  }
0x29c: {  	s26 =	sshll.u32 s31, $0x7  }
0x29d: {  	s26 =	sand.u32 $0x380, s26;
	s28 =	sshra.s32 s28, $0x2  }
0x29e: {  	s26 =	sor.u32 s26, s28  }
0x29f: {  	s30 =	sadd.s32 $0x20, s25;
	s31 =	sadd.s32 $0xC00, s26  }
0x2a0: {  	[hbm4b:s30+s4] =	stream.linear.scatter [tilespmem:s31], [sflag:$0x1], $0x80, $0x38;
	[tilespmem:$0x14800] =	vst v63  }
0x2a1: {  	s30 =	sadd.s32 $0x1000, s26;
	s31 =	sadd.s32 $0xA0, s25  }
0x2a2: {  	[hbm4b:s31+s4] =	stream.linear.scatter [tilespmem:s30], [sflag:$0x1], $0x80, $0x38;
	[tilespmem:$0x14800] =	vst v63  }
0x2a3: {  	(v2sf) =	vpush v0, $0xC;
	s30 =	sadd.s32 $0x1400, s26;
	s31 =	sadd.s32 $0x120, s25  }
0x2a4: {  	[hbm4b:s31+s4] =	stream.linear.scatter [tilespmem:s30], [sflag:$0x1], $0x80, $0x38;
	[tilespmem:$0x14800] =	vst v63  }
0x2a5: {  	s31 =	spop (v2sf)  }
0x2a6: {  	s26 =	sadd.s32 $0x1800, s26;
	s30 =	sadd.s32 $0x1A0, s25;
	s29 =	sshrl.u32 s31, $0x3  }
0x2a7: {  	[hbm4b:s30+s4] =	stream.linear.scatter [tilespmem:s26], [sflag:$0x1], $0x80, $0x38;
	[tilespmem:$0x14800] =	vst v63  }
0x2a8: {  	s28 =	smul.u32 $0x5000, s29  }
0x2a9: {  	s26 =	sshll.u32 s31, $0x7  }
0x2aa: {  	s26 =	sand.u32 $0x380, s26;
	s28 =	sshra.s32 s28, $0x2  }
0x2ab: {  	s26 =	sor.u32 s26, s28  }
0x2ac: {  	s30 =	sadd.s32 $0x30, s25;
	s31 =	sadd.s32 $0xC00, s26  }
0x2ad: {  	[hbm4b:s30+s4] =	stream.linear.scatter [tilespmem:s31], [sflag:$0x1], $0x80, $0x38;
	[tilespmem:$0x14800] =	vst v63  }
0x2ae: {  	s30 =	sadd.s32 $0x1000, s26;
	s31 =	sadd.s32 $0xB0, s25  }
0x2af: {  	[hbm4b:s31+s4] =	stream.linear.scatter [tilespmem:s30], [sflag:$0x1], $0x80, $0x38;
	[tilespmem:$0x14800] =	vst v63  }
0x2b0: {  	(v2sf) =	vpush v0, $0xD;
	s30 =	sadd.s32 $0x1400, s26;
	s31 =	sadd.s32 $0x130, s25  }
0x2b1: {  	[hbm4b:s31+s4] =	stream.linear.scatter [tilespmem:s30], [sflag:$0x1], $0x80, $0x38;
	[tilespmem:$0x14800] =	vst v63  }
0x2b2: {  	s31 =	spop (v2sf)  }
0x2b3: {  	s26 =	sadd.s32 $0x1800, s26;
	s30 =	sadd.s32 $0x1B0, s25;
	s29 =	sshrl.u32 s31, $0x3  }
0x2b4: {  	[hbm4b:s30+s4] =	stream.linear.scatter [tilespmem:s26], [sflag:$0x1], $0x80, $0x38;
	[tilespmem:$0x14800] =	vst v63  }
0x2b5: {  	s28 =	smul.u32 $0x5000, s29  }
0x2b6: {  	s26 =	sshll.u32 s31, $0x7  }
0x2b7: {  	s26 =	sand.u32 $0x380, s26;
	s28 =	sshra.s32 s28, $0x2  }
0x2b8: {  	s26 =	sor.u32 s26, s28  }
0x2b9: {  	s30 =	sadd.s32 $0x40, s25;
	s31 =	sadd.s32 $0xC00, s26  }
0x2ba: {  	[hbm4b:s30+s4] =	stream.linear.scatter [tilespmem:s31], [sflag:$0x1], $0x80, $0x38;
	[tilespmem:$0x14800] =	vst v63  }
0x2bb: {  	s30 =	sadd.s32 $0x1000, s26;
	s31 =	sadd.s32 $0xC0, s25  }
0x2bc: {  	[hbm4b:s31+s4] =	stream.linear.scatter [tilespmem:s30], [sflag:$0x1], $0x80, $0x38;
	[tilespmem:$0x14800] =	vst v63  }
0x2bd: {  	(v2sf) =	vpush v0, $0xE;
	s30 =	sadd.s32 $0x1400, s26;
	s31 =	sadd.s32 $0x140, s25  }
0x2be: {  	[hbm4b:s31+s4] =	stream.linear.scatter [tilespmem:s30], [sflag:$0x1], $0x80, $0x38;
	[tilespmem:$0x14800] =	vst v63  }
0x2bf: {  	s30 =	spop (v2sf)  }
0x2c0: {  	s26 =	sadd.s32 $0x1800, s26;
	s31 =	sadd.s32 $0x1C0, s25;
	s29 =	sshrl.u32 s30, $0x3  }
0x2c1: {  	[hbm4b:s31+s4] =	stream.linear.scatter [tilespmem:s26], [sflag:$0x1], $0x80, $0x38;
	[tilespmem:$0x14800] =	vst v63  }
0x2c2: {  	s26 =	smul.u32 $0x5000, s29  }
0x2c3: {  	s28 =	sshll.u32 s30, $0x7  }
0x2c4: {  	s28 =	sand.u32 $0x380, s28;
	s26 =	sshra.s32 s26, $0x2  }
0x2c5: {  	s26 =	sor.u32 s28, s26  }
0x2c6: {  	s30 =	sadd.s32 $0x50, s25;
	s31 =	sadd.s32 $0xC00, s26  }
0x2c7: {  	[hbm4b:s30+s4] =	stream.linear.scatter [tilespmem:s31], [sflag:$0x1], $0x80, $0x38;
	[tilespmem:$0x14800] =	vst v63  }
0x2c8: {  	s30 =	sadd.s32 $0x1000, s26;
	s31 =	sadd.s32 $0xD0, s25  }
0x2c9: {  	[hbm4b:s31+s4] =	stream.linear.scatter [tilespmem:s30], [sflag:$0x1], $0x80, $0x38;
	[tilespmem:$0x14800] =	vst v63  }
0x2ca: {  	s30 =	sadd.s32 $0x1400, s26;
	s31 =	sadd.s32 $0x150, s25  }
0x2cb: {  	[hbm4b:s31+s4] =	stream.linear.scatter [tilespmem:s30], [sflag:$0x1], $0x80, $0x38;
	[tilespmem:$0x14800] =	vst v63  }
0x2cc: {  	s31 =	spop (v2sf);
	(v2sf) =	vpush v0, $0xF  }
0x2cd: {  	s26 =	sadd.s32 $0x1800, s26;
	s30 =	sadd.s32 $0x1D0, s25;
	s28 =	sshrl.u32 s31, $0x3  }
0x2ce: {  	[hbm4b:s30+s4] =	stream.linear.scatter [tilespmem:s26], [sflag:$0x1], $0x80, $0x38;
	[tilespmem:$0x14800] =	vst v63  }
0x2cf: {  	s26 =	smul.u32 $0x5000, s28  }
0x2d0: {  	s29 =	sshll.u32 s31, $0x7  }
0x2d1: {  	s28 =	sand.u32 $0x380, s29;
	s26 =	sshra.s32 s26, $0x2  }
0x2d2: {  	s26 =	sor.u32 s28, s26  }
0x2d3: {  	s30 =	sadd.s32 $0x60, s25;
	s31 =	sadd.s32 $0xC00, s26  }
0x2d4: {  	[hbm4b:s30+s4] =	stream.linear.scatter [tilespmem:s31], [sflag:$0x1], $0x80, $0x38;
	[tilespmem:$0x14800] =	vst v63  }
0x2d5: {  	s30 =	sadd.s32 $0x1000, s26;
	s31 =	sadd.s32 $0xE0, s25  }
0x2d6: {  	[hbm4b:s31+s4] =	stream.linear.scatter [tilespmem:s30], [sflag:$0x1], $0x80, $0x38;
	[tilespmem:$0x14800] =	vst v63  }
0x2d7: {  	s30 =	sadd.s32 $0x1400, s26;
	s31 =	sadd.s32 $0x160, s25  }
0x2d8: {  	[hbm4b:s31+s4] =	stream.linear.scatter [tilespmem:s30], [sflag:$0x1], $0x80, $0x38;
	[tilespmem:$0x14800] =	vst v63  }
0x2d9: {  	s26 =	sadd.s32 $0x1800, s26;
	s30 =	sadd.s32 $0x1E0, s25  }
0x2da: {  	[hbm4b:s30+s4] =	stream.linear.scatter [tilespmem:s26], [sflag:$0x1], $0x80, $0x38;
	[tilespmem:$0x14800] =	vst v63  }
0x2db: {  	s31 =	spop (v2sf)  }
0x2dc: {  	s29 =	sshrl.u32 s31, $0x3  }
0x2dd: {  	s28 =	smul.u32 $0x5000, s29  }
0x2de: {  	s26 =	sshll.u32 s31, $0x7  }
0x2df: {  	s26 =	sand.u32 $0x380, s26;
	s28 =	sshra.s32 s28, $0x2  }
0x2e0: {  	s26 =	sor.u32 s26, s28  }
0x2e1: {  	s30 =	sadd.s32 $0x70, s25;
	s31 =	sadd.s32 $0xC00, s26  }
0x2e2: {  	[hbm4b:s30+s4] =	stream.linear.scatter [tilespmem:s31], [sflag:$0x1], $0x80, $0x38;
	[tilespmem:$0x14800] =	vst v63  }
0x2e3: {  	s30 =	sadd.s32 $0x1000, s26;
	s31 =	sadd.s32 $0xF0, s25  }
0x2e4: {  	[hbm4b:s31+s4] =	stream.linear.scatter [tilespmem:s30], [sflag:$0x1], $0x80, $0x38;
	[tilespmem:$0x14800] =	vst v63  }
0x2e5: {  	s30 =	sadd.s32 $0x1400, s26;
	s31 =	sadd.s32 $0x170, s25  }
0x2e6: {  	[hbm4b:s31+s4] =	stream.linear.scatter [tilespmem:s30], [sflag:$0x1], $0x80, $0x38;
	[tilespmem:$0x14800] =	vst v63  }
0x2e7: {  	p2 =	slt.u32 s24, $0x2;
	s26 =	sadd.s32 $0x1800, s26;
	s25 =	sadd.s32 $0x1F0, s25  }
0x2e8: {  	[hbm4b:s25+s4] =	stream.linear.scatter [tilespmem:s26], [sflag:$0x1], $0x80, $0x38;
	[tilespmem:$0x14800] =	vst v63  }
0x2e9: {  	s25 =	simm.s32 @!p2 $0x1  }
0x2ea: {  	_ =	swait.ge @!p2 [sflag:s25], $0x2000  }
0x2eb: {  	s23 =	sadd.s32 $0x9000, s23;
	[sflag:s25] =	ssyncset.done @!p2 $0x0  }
0x2ec: {  	[sflag:s25] =	ssyncadd.s32 @!p2 $0xFFFFE000;
	p2 =	sne.s32 s23, $0x240000  }
.Ltmp6:
0x2ed: {  	_ = 	snop;
	(pc) =	sbr.rel @p2 .LBB2_7-.Ltmp6, $2  }
0x2ee: {  	_ =	sdelay $0x2  }
0x2ef: {  	s24 =	sadd.s32 $0x1, s24;
	s21 =	sadd.s32 $0x10, s21;
	s22 =	sadd.s32 $0x48000, s22  }
0x2f0: {  	_ =	swait.ge [sflag:s6], $0x2000  }
0x2f1: {  	[sflag:s6] =	ssyncset.done $0x0  }
0x2f2: {  	[sflag:s6] =	ssyncadd.s32 $0xFFFFE000  }
0x2f3: {  	_ =	swait.ge [sflag:s6], $0x2000  }
0x2f4: {  	s21 =	simm.s32 $0x0;
	[sflag:s6] =	ssyncset.done $0x0  }
0x2f5: {  	s22 =	simm.s32 $0x400;
	s23 =	simm.s32 $0x0;
	[sflag:s6] =	ssyncadd.s32 $0xFFFFE000  }
.LBB2_9:
0x2f6: {  	s24 =	sadd.s32 $0xFFFFFC00, s22  }
0x2f7: {  	s25 =	sand.u32 $0x780, s22;
	s24 =	sand.u32 $0x70, s24  }
0x2f8: {  	s24 =	sor.u32 s24, s25  }
0x2f9: {  	v0 =	vld [tilespmem:s24+$0x0];
	_ =	sdelay $0x4  }
0x2fa: {  	(v2sf) =	vpush v0, $0x0;
	_ =	sdelay $0xe  }
0x2fb: {  	s31 =	spop (v2sf)  }
0x2fc: {  	(v2sf) =	vpush v0, $0x1;
	s26 =	sshrl.u32 s31, $0x3  }
0x2fd: {  	s25 =	smul.u32 $0x5000, s26  }
0x2fe: {  	s24 =	sshll.u32 s31, $0x7  }
0x2ff: {  	s24 =	sand.u32 $0x380, s24;
	s25 =	sshra.s32 s25, $0x2  }
0x300: {  	s26 =	rddreg [dreg:$0x8];
	s25 =	sor.u32 s24, s25  }
0x301: {  	s24 =	sadd.s32 s21, s26;
	s28 =	sadd.s32 $0x800, s25  }
0x302: {  	[hbm4b:s24+s4] =	stream.linear.scatter [tilespmem:s28], [sflag:$0x1], $0x80, $0x38;
	[tilespmem:$0x14800] =	vst v63  }
0x303: {  	s29 =	sadd.s32 $0xC00, s25;
	s28 =	sadd.s32 $0x80, s24  }
0x304: {  	[hbm4b:s28+s4] =	stream.linear.scatter [tilespmem:s29], [sflag:$0x1], $0x80, $0x38;
	[tilespmem:$0x14800] =	vst v63  }
0x305: {  	s30 =	sadd.s32 $0x1000, s25;
	s31 =	sadd.s32 $0x100, s24  }
0x306: {  	[hbm4b:s31+s4] =	stream.linear.scatter [tilespmem:s30], [sflag:$0x1], $0x80, $0x38;
	[tilespmem:$0x14800] =	vst v63  }
0x307: {  	s29 =	sadd.s32 $0x1400, s25;
	s30 =	sadd.s32 $0x180, s24  }
0x308: {  	[hbm4b:s30+s4] =	stream.linear.scatter [tilespmem:s29], [sflag:$0x1], $0x80, $0x38;
	[tilespmem:$0x14800] =	vst v63  }
0x309: {  	s25 =	sadd.s32 $0x1800, s25;
	s31 =	sadd.s32 $0x200, s24  }
0x30a: {  	[hbm4b:s31+s4] =	stream.linear.scatter [tilespmem:s25], [sflag:$0x1], $0x80, $0x38;
	[tilespmem:$0x14800] =	vst v63  }
0x30b: {  	s28 =	spop (v2sf)  }
0x30c: {  	(v2sf) =	vpush v0, $0x2;
	s29 =	sshrl.u32 s28, $0x3  }
0x30d: {  	s26 =	smul.u32 $0x5000, s29  }
0x30e: {  	s25 =	sshll.u32 s28, $0x7  }
0x30f: {  	s25 =	sand.u32 $0x380, s25;
	s26 =	sshra.s32 s26, $0x2  }
0x310: {  	s25 =	sor.u32 s25, s26  }
0x311: {  	s30 =	sadd.s32 $0x10, s24;
	s31 =	sadd.s32 $0x800, s25  }
0x312: {  	[hbm4b:s30+s4] =	stream.linear.scatter [tilespmem:s31], [sflag:$0x1], $0x80, $0x38;
	[tilespmem:$0x14800] =	vst v63  }
0x313: {  	s29 =	sadd.s32 $0xC00, s25;
	s30 =	sadd.s32 $0x90, s24  }
0x314: {  	[hbm4b:s30+s4] =	stream.linear.scatter [tilespmem:s29], [sflag:$0x1], $0x80, $0x38;
	[tilespmem:$0x14800] =	vst v63  }
0x315: {  	s31 =	sadd.s32 $0x1000, s25;
	s29 =	sadd.s32 $0x110, s24  }
0x316: {  	[hbm4b:s29+s4] =	stream.linear.scatter [tilespmem:s31], [sflag:$0x1], $0x80, $0x38;
	[tilespmem:$0x14800] =	vst v63  }
0x317: {  	s30 =	sadd.s32 $0x1400, s25;
	s31 =	sadd.s32 $0x190, s24  }
0x318: {  	[hbm4b:s31+s4] =	stream.linear.scatter [tilespmem:s30], [sflag:$0x1], $0x80, $0x38;
	[tilespmem:$0x14800] =	vst v63  }
0x319: {  	s28 =	sadd.s32 $0x210, s24;
	s25 =	sadd.s32 $0x1800, s25  }
0x31a: {  	[hbm4b:s28+s4] =	stream.linear.scatter [tilespmem:s25], [sflag:$0x1], $0x80, $0x38;
	[tilespmem:$0x14800] =	vst v63  }
0x31b: {  	s29 =	spop (v2sf)  }
0x31c: {  	(v2sf) =	vpush v0, $0x3;
	s30 =	sshrl.u32 s29, $0x3  }
0x31d: {  	s26 =	smul.u32 $0x5000, s30  }
0x31e: {  	s25 =	sshll.u32 s29, $0x7  }
0x31f: {  	s25 =	sand.u32 $0x380, s25;
	s26 =	sshra.s32 s26, $0x2  }
0x320: {  	s25 =	sor.u32 s25, s26  }
0x321: {  	s31 =	sadd.s32 $0x20, s24;
	s29 =	sadd.s32 $0x800, s25  }
0x322: {  	[hbm4b:s31+s4] =	stream.linear.scatter [tilespmem:s29], [sflag:$0x1], $0x80, $0x38;
	[tilespmem:$0x14800] =	vst v63  }
0x323: {  	s30 =	sadd.s32 $0xC00, s25;
	s31 =	sadd.s32 $0xA0, s24  }
0x324: {  	[hbm4b:s31+s4] =	stream.linear.scatter [tilespmem:s30], [sflag:$0x1], $0x80, $0x38;
	[tilespmem:$0x14800] =	vst v63  }
0x325: {  	s29 =	sadd.s32 $0x1000, s25;
	s30 =	sadd.s32 $0x120, s24  }
0x326: {  	[hbm4b:s30+s4] =	stream.linear.scatter [tilespmem:s29], [sflag:$0x1], $0x80, $0x38;
	[tilespmem:$0x14800] =	vst v63  }
0x327: {  	s31 =	sadd.s32 $0x1400, s25;
	s29 =	sadd.s32 $0x1A0, s24  }
0x328: {  	[hbm4b:s29+s4] =	stream.linear.scatter [tilespmem:s31], [sflag:$0x1], $0x80, $0x38;
	[tilespmem:$0x14800] =	vst v63  }
0x329: {  	s25 =	sadd.s32 $0x1800, s25;
	s30 =	sadd.s32 $0x220, s24  }
0x32a: {  	[hbm4b:s30+s4] =	stream.linear.scatter [tilespmem:s25], [sflag:$0x1], $0x80, $0x38;
	[tilespmem:$0x14800] =	vst v63  }
0x32b: {  	s31 =	spop (v2sf)  }
0x32c: {  	(v2sf) =	vpush v0, $0x4;
	s28 =	sshrl.u32 s31, $0x3  }
0x32d: {  	s26 =	smul.u32 $0x5000, s28  }
0x32e: {  	s25 =	sshll.u32 s31, $0x7  }
0x32f: {  	s25 =	sand.u32 $0x380, s25;
	s26 =	sshra.s32 s26, $0x2  }
0x330: {  	s25 =	sor.u32 s25, s26  }
0x331: {  	s29 =	sadd.s32 $0x30, s24;
	s30 =	sadd.s32 $0x800, s25  }
0x332: {  	[hbm4b:s29+s4] =	stream.linear.scatter [tilespmem:s30], [sflag:$0x1], $0x80, $0x38;
	[tilespmem:$0x14800] =	vst v63  }
0x333: {  	s31 =	sadd.s32 $0xC00, s25;
	s29 =	sadd.s32 $0xB0, s24  }
0x334: {  	[hbm4b:s29+s4] =	stream.linear.scatter [tilespmem:s31], [sflag:$0x1], $0x80, $0x38;
	[tilespmem:$0x14800] =	vst v63  }
0x335: {  	s30 =	sadd.s32 $0x1000, s25;
	s31 =	sadd.s32 $0x130, s24  }
0x336: {  	[hbm4b:s31+s4] =	stream.linear.scatter [tilespmem:s30], [sflag:$0x1], $0x80, $0x38;
	[tilespmem:$0x14800] =	vst v63  }
0x337: {  	s29 =	sadd.s32 $0x1400, s25;
	s30 =	sadd.s32 $0x1B0, s24  }
0x338: {  	[hbm4b:s30+s4] =	stream.linear.scatter [tilespmem:s29], [sflag:$0x1], $0x80, $0x38;
	[tilespmem:$0x14800] =	vst v63  }
0x339: {  	s25 =	sadd.s32 $0x1800, s25;
	s31 =	sadd.s32 $0x230, s24  }
0x33a: {  	[hbm4b:s31+s4] =	stream.linear.scatter [tilespmem:s25], [sflag:$0x1], $0x80, $0x38;
	[tilespmem:$0x14800] =	vst v63  }
0x33b: {  	s28 =	spop (v2sf)  }
0x33c: {  	(v2sf) =	vpush v0, $0x5;
	s29 =	sshrl.u32 s28, $0x3  }
0x33d: {  	s26 =	smul.u32 $0x5000, s29  }
0x33e: {  	s25 =	sshll.u32 s28, $0x7  }
0x33f: {  	s25 =	sand.u32 $0x380, s25;
	s26 =	sshra.s32 s26, $0x2  }
0x340: {  	s25 =	sor.u32 s25, s26  }
0x341: {  	s30 =	sadd.s32 $0x40, s24;
	s31 =	sadd.s32 $0x800, s25  }
0x342: {  	[hbm4b:s30+s4] =	stream.linear.scatter [tilespmem:s31], [sflag:$0x1], $0x80, $0x38;
	[tilespmem:$0x14800] =	vst v63  }
0x343: {  	s29 =	sadd.s32 $0xC00, s25;
	s30 =	sadd.s32 $0xC0, s24  }
0x344: {  	[hbm4b:s30+s4] =	stream.linear.scatter [tilespmem:s29], [sflag:$0x1], $0x80, $0x38;
	[tilespmem:$0x14800] =	vst v63  }
0x345: {  	s31 =	sadd.s32 $0x1000, s25;
	s29 =	sadd.s32 $0x140, s24  }
0x346: {  	[hbm4b:s29+s4] =	stream.linear.scatter [tilespmem:s31], [sflag:$0x1], $0x80, $0x38;
	[tilespmem:$0x14800] =	vst v63  }
0x347: {  	s30 =	sadd.s32 $0x1400, s25;
	s31 =	sadd.s32 $0x1C0, s24  }
0x348: {  	[hbm4b:s31+s4] =	stream.linear.scatter [tilespmem:s30], [sflag:$0x1], $0x80, $0x38;
	[tilespmem:$0x14800] =	vst v63  }
0x349: {  	s28 =	sadd.s32 $0x240, s24;
	s25 =	sadd.s32 $0x1800, s25  }
0x34a: {  	[hbm4b:s28+s4] =	stream.linear.scatter [tilespmem:s25], [sflag:$0x1], $0x80, $0x38;
	[tilespmem:$0x14800] =	vst v63  }
0x34b: {  	s29 =	spop (v2sf)  }
0x34c: {  	(v2sf) =	vpush v0, $0x6;
	s30 =	sshrl.u32 s29, $0x3  }
0x34d: {  	s26 =	smul.u32 $0x5000, s30  }
0x34e: {  	s25 =	sshll.u32 s29, $0x7  }
0x34f: {  	s25 =	sand.u32 $0x380, s25;
	s26 =	sshra.s32 s26, $0x2  }
0x350: {  	s25 =	sor.u32 s25, s26  }
0x351: {  	s31 =	sadd.s32 $0x50, s24;
	s29 =	sadd.s32 $0x800, s25  }
0x352: {  	[hbm4b:s31+s4] =	stream.linear.scatter [tilespmem:s29], [sflag:$0x1], $0x80, $0x38;
	[tilespmem:$0x14800] =	vst v63  }
0x353: {  	s30 =	sadd.s32 $0xC00, s25;
	s31 =	sadd.s32 $0xD0, s24  }
0x354: {  	[hbm4b:s31+s4] =	stream.linear.scatter [tilespmem:s30], [sflag:$0x1], $0x80, $0x38;
	[tilespmem:$0x14800] =	vst v63  }
0x355: {  	s29 =	sadd.s32 $0x1000, s25;
	s30 =	sadd.s32 $0x150, s24  }
0x356: {  	[hbm4b:s30+s4] =	stream.linear.scatter [tilespmem:s29], [sflag:$0x1], $0x80, $0x38;
	[tilespmem:$0x14800] =	vst v63  }
0x357: {  	s31 =	sadd.s32 $0x1400, s25;
	s29 =	sadd.s32 $0x1D0, s24  }
0x358: {  	[hbm4b:s29+s4] =	stream.linear.scatter [tilespmem:s31], [sflag:$0x1], $0x80, $0x38;
	[tilespmem:$0x14800] =	vst v63  }
0x359: {  	s25 =	sadd.s32 $0x1800, s25;
	s30 =	sadd.s32 $0x250, s24  }
0x35a: {  	[hbm4b:s30+s4] =	stream.linear.scatter [tilespmem:s25], [sflag:$0x1], $0x80, $0x38;
	[tilespmem:$0x14800] =	vst v63  }
0x35b: {  	s31 =	spop (v2sf)  }
0x35c: {  	(v2sf) =	vpush v0, $0x7;
	s28 =	sshrl.u32 s31, $0x3  }
0x35d: {  	s26 =	smul.u32 $0x5000, s28  }
0x35e: {  	s25 =	sshll.u32 s31, $0x7  }
0x35f: {  	s25 =	sand.u32 $0x380, s25;
	s26 =	sshra.s32 s26, $0x2  }
0x360: {  	s25 =	sor.u32 s25, s26  }
0x361: {  	s29 =	sadd.s32 $0x60, s24;
	s30 =	sadd.s32 $0x800, s25  }
0x362: {  	[hbm4b:s29+s4] =	stream.linear.scatter [tilespmem:s30], [sflag:$0x1], $0x80, $0x38;
	[tilespmem:$0x14800] =	vst v63  }
0x363: {  	s31 =	sadd.s32 $0xC00, s25;
	s29 =	sadd.s32 $0xE0, s24  }
0x364: {  	[hbm4b:s29+s4] =	stream.linear.scatter [tilespmem:s31], [sflag:$0x1], $0x80, $0x38;
	[tilespmem:$0x14800] =	vst v63  }
0x365: {  	s30 =	sadd.s32 $0x1000, s25;
	s31 =	sadd.s32 $0x160, s24  }
0x366: {  	[hbm4b:s31+s4] =	stream.linear.scatter [tilespmem:s30], [sflag:$0x1], $0x80, $0x38;
	[tilespmem:$0x14800] =	vst v63  }
0x367: {  	s29 =	sadd.s32 $0x1400, s25;
	s30 =	sadd.s32 $0x1E0, s24  }
0x368: {  	[hbm4b:s30+s4] =	stream.linear.scatter [tilespmem:s29], [sflag:$0x1], $0x80, $0x38;
	[tilespmem:$0x14800] =	vst v63  }
0x369: {  	s25 =	sadd.s32 $0x1800, s25;
	s31 =	sadd.s32 $0x260, s24  }
0x36a: {  	[hbm4b:s31+s4] =	stream.linear.scatter [tilespmem:s25], [sflag:$0x1], $0x80, $0x38;
	[tilespmem:$0x14800] =	vst v63  }
0x36b: {  	s28 =	spop (v2sf)  }
0x36c: {  	(v2sf) =	vpush v0, $0x8;
	s29 =	sshrl.u32 s28, $0x3  }
0x36d: {  	s26 =	smul.u32 $0x5000, s29  }
0x36e: {  	s25 =	sshll.u32 s28, $0x7  }
0x36f: {  	s25 =	sand.u32 $0x380, s25;
	s26 =	sshra.s32 s26, $0x2  }
0x370: {  	s25 =	sor.u32 s25, s26  }
0x371: {  	s30 =	sadd.s32 $0x70, s24;
	s31 =	sadd.s32 $0x800, s25  }
0x372: {  	[hbm4b:s30+s4] =	stream.linear.scatter [tilespmem:s31], [sflag:$0x1], $0x80, $0x38;
	[tilespmem:$0x14800] =	vst v63  }
0x373: {  	s29 =	sadd.s32 $0xC00, s25;
	s30 =	sadd.s32 $0xF0, s24  }
0x374: {  	[hbm4b:s30+s4] =	stream.linear.scatter [tilespmem:s29], [sflag:$0x1], $0x80, $0x38;
	[tilespmem:$0x14800] =	vst v63  }
0x375: {  	s31 =	sadd.s32 $0x1000, s25;
	s29 =	sadd.s32 $0x170, s24  }
0x376: {  	[hbm4b:s29+s4] =	stream.linear.scatter [tilespmem:s31], [sflag:$0x1], $0x80, $0x38;
	[tilespmem:$0x14800] =	vst v63  }
0x377: {  	s30 =	sadd.s32 $0x1400, s25;
	s31 =	sadd.s32 $0x1F0, s24  }
0x378: {  	[hbm4b:s31+s4] =	stream.linear.scatter [tilespmem:s30], [sflag:$0x1], $0x80, $0x38;
	[tilespmem:$0x14800] =	vst v63  }
0x379: {  	s25 =	sadd.s32 $0x1800, s25;
	s24 =	sadd.s32 $0x270, s24  }
0x37a: {  	[hbm4b:s24+s4] =	stream.linear.scatter [tilespmem:s25], [sflag:$0x1], $0x80, $0x38;
	[tilespmem:$0x14800] =	vst v63  }
0x37b: {  	s26 =	spop (v2sf)  }
0x37c: {  	(v2sf) =	vpush v0, $0x9;
	s28 =	sshrl.u32 s26, $0x3  }
0x37d: {  	s25 =	smul.u32 $0x5000, s28  }
0x37e: {  	s24 =	sshll.u32 s26, $0x7  }
0x37f: {  	s24 =	sand.u32 $0x380, s24;
	s25 =	sshra.s32 s25, $0x2  }
0x380: {  	s29 =	rddreg [dreg:$0x9];
	s25 =	sor.u32 s24, s25  }
0x381: {  	s24 =	sadd.s32 s21, s29;
	s30 =	sadd.s32 $0x800, s25  }
0x382: {  	[hbm4b:s24+s4] =	stream.linear.scatter [tilespmem:s30], [sflag:$0x1], $0x80, $0x38;
	[tilespmem:$0x14800] =	vst v63  }
0x383: {  	s31 =	sadd.s32 $0xC00, s25;
	s29 =	sadd.s32 $0x80, s24  }
0x384: {  	[hbm4b:s29+s4] =	stream.linear.scatter [tilespmem:s31], [sflag:$0x1], $0x80, $0x38;
	[tilespmem:$0x14800] =	vst v63  }
0x385: {  	s30 =	sadd.s32 $0x1000, s25;
	s31 =	sadd.s32 $0x100, s24  }
0x386: {  	[hbm4b:s31+s4] =	stream.linear.scatter [tilespmem:s30], [sflag:$0x1], $0x80, $0x38;
	[tilespmem:$0x14800] =	vst v63  }
0x387: {  	s29 =	sadd.s32 $0x1400, s25;
	s30 =	sadd.s32 $0x180, s24  }
0x388: {  	[hbm4b:s30+s4] =	stream.linear.scatter [tilespmem:s29], [sflag:$0x1], $0x80, $0x38;
	[tilespmem:$0x14800] =	vst v63  }
0x389: {  	s25 =	sadd.s32 $0x1800, s25;
	s31 =	sadd.s32 $0x200, s24  }
0x38a: {  	[hbm4b:s31+s4] =	stream.linear.scatter [tilespmem:s25], [sflag:$0x1], $0x80, $0x38;
	[tilespmem:$0x14800] =	vst v63  }
0x38b: {  	s28 =	spop (v2sf)  }
0x38c: {  	(v2sf) =	vpush v0, $0xA;
	s29 =	sshrl.u32 s28, $0x3  }
0x38d: {  	s26 =	smul.u32 $0x5000, s29  }
0x38e: {  	s25 =	sshll.u32 s28, $0x7  }
0x38f: {  	s25 =	sand.u32 $0x380, s25;
	s26 =	sshra.s32 s26, $0x2  }
0x390: {  	s25 =	sor.u32 s25, s26  }
0x391: {  	s30 =	sadd.s32 $0x10, s24;
	s31 =	sadd.s32 $0x800, s25  }
0x392: {  	[hbm4b:s30+s4] =	stream.linear.scatter [tilespmem:s31], [sflag:$0x1], $0x80, $0x38;
	[tilespmem:$0x14800] =	vst v63  }
0x393: {  	s29 =	sadd.s32 $0xC00, s25;
	s30 =	sadd.s32 $0x90, s24  }
0x394: {  	[hbm4b:s30+s4] =	stream.linear.scatter [tilespmem:s29], [sflag:$0x1], $0x80, $0x38;
	[tilespmem:$0x14800] =	vst v63  }
0x395: {  	s31 =	sadd.s32 $0x1000, s25;
	s29 =	sadd.s32 $0x110, s24  }
0x396: {  	[hbm4b:s29+s4] =	stream.linear.scatter [tilespmem:s31], [sflag:$0x1], $0x80, $0x38;
	[tilespmem:$0x14800] =	vst v63  }
0x397: {  	s30 =	sadd.s32 $0x1400, s25;
	s31 =	sadd.s32 $0x190, s24  }
0x398: {  	[hbm4b:s31+s4] =	stream.linear.scatter [tilespmem:s30], [sflag:$0x1], $0x80, $0x38;
	[tilespmem:$0x14800] =	vst v63  }
0x399: {  	s28 =	sadd.s32 $0x210, s24;
	s25 =	sadd.s32 $0x1800, s25  }
0x39a: {  	[hbm4b:s28+s4] =	stream.linear.scatter [tilespmem:s25], [sflag:$0x1], $0x80, $0x38;
	[tilespmem:$0x14800] =	vst v63  }
0x39b: {  	s29 =	spop (v2sf)  }
0x39c: {  	(v2sf) =	vpush v0, $0xB;
	s30 =	sshrl.u32 s29, $0x3  }
0x39d: {  	s26 =	smul.u32 $0x5000, s30  }
0x39e: {  	s25 =	sshll.u32 s29, $0x7  }
0x39f: {  	s25 =	sand.u32 $0x380, s25;
	s26 =	sshra.s32 s26, $0x2  }
0x3a0: {  	s25 =	sor.u32 s25, s26  }
0x3a1: {  	s31 =	sadd.s32 $0x20, s24;
	s29 =	sadd.s32 $0x800, s25  }
0x3a2: {  	[hbm4b:s31+s4] =	stream.linear.scatter [tilespmem:s29], [sflag:$0x1], $0x80, $0x38;
	[tilespmem:$0x14800] =	vst v63  }
0x3a3: {  	s30 =	sadd.s32 $0xC00, s25;
	s31 =	sadd.s32 $0xA0, s24  }
0x3a4: {  	[hbm4b:s31+s4] =	stream.linear.scatter [tilespmem:s30], [sflag:$0x1], $0x80, $0x38;
	[tilespmem:$0x14800] =	vst v63  }
0x3a5: {  	s29 =	sadd.s32 $0x1000, s25;
	s30 =	sadd.s32 $0x120, s24  }
0x3a6: {  	[hbm4b:s30+s4] =	stream.linear.scatter [tilespmem:s29], [sflag:$0x1], $0x80, $0x38;
	[tilespmem:$0x14800] =	vst v63  }
0x3a7: {  	s31 =	sadd.s32 $0x1400, s25;
	s29 =	sadd.s32 $0x1A0, s24  }
0x3a8: {  	[hbm4b:s29+s4] =	stream.linear.scatter [tilespmem:s31], [sflag:$0x1], $0x80, $0x38;
	[tilespmem:$0x14800] =	vst v63  }
0x3a9: {  	s25 =	sadd.s32 $0x1800, s25;
	s30 =	sadd.s32 $0x220, s24  }
0x3aa: {  	[hbm4b:s30+s4] =	stream.linear.scatter [tilespmem:s25], [sflag:$0x1], $0x80, $0x38;
	[tilespmem:$0x14800] =	vst v63  }
0x3ab: {  	s31 =	spop (v2sf)  }
0x3ac: {  	(v2sf) =	vpush v0, $0xC;
	s28 =	sshrl.u32 s31, $0x3  }
0x3ad: {  	s26 =	smul.u32 $0x5000, s28  }
0x3ae: {  	s25 =	sshll.u32 s31, $0x7  }
0x3af: {  	s25 =	sand.u32 $0x380, s25;
	s26 =	sshra.s32 s26, $0x2  }
0x3b0: {  	s25 =	sor.u32 s25, s26  }
0x3b1: {  	s29 =	sadd.s32 $0x30, s24;
	s30 =	sadd.s32 $0x800, s25  }
0x3b2: {  	[hbm4b:s29+s4] =	stream.linear.scatter [tilespmem:s30], [sflag:$0x1], $0x80, $0x38;
	[tilespmem:$0x14800] =	vst v63  }
0x3b3: {  	s31 =	sadd.s32 $0xC00, s25;
	s29 =	sadd.s32 $0xB0, s24  }
0x3b4: {  	[hbm4b:s29+s4] =	stream.linear.scatter [tilespmem:s31], [sflag:$0x1], $0x80, $0x38;
	[tilespmem:$0x14800] =	vst v63  }
0x3b5: {  	s30 =	sadd.s32 $0x1000, s25;
	s31 =	sadd.s32 $0x130, s24  }
0x3b6: {  	[hbm4b:s31+s4] =	stream.linear.scatter [tilespmem:s30], [sflag:$0x1], $0x80, $0x38;
	[tilespmem:$0x14800] =	vst v63  }
0x3b7: {  	s29 =	sadd.s32 $0x1400, s25;
	s30 =	sadd.s32 $0x1B0, s24  }
0x3b8: {  	[hbm4b:s30+s4] =	stream.linear.scatter [tilespmem:s29], [sflag:$0x1], $0x80, $0x38;
	[tilespmem:$0x14800] =	vst v63  }
0x3b9: {  	s25 =	sadd.s32 $0x1800, s25;
	s31 =	sadd.s32 $0x230, s24  }
0x3ba: {  	[hbm4b:s31+s4] =	stream.linear.scatter [tilespmem:s25], [sflag:$0x1], $0x80, $0x38;
	[tilespmem:$0x14800] =	vst v63  }
0x3bb: {  	s28 =	spop (v2sf)  }
0x3bc: {  	(v2sf) =	vpush v0, $0xD;
	s29 =	sshrl.u32 s28, $0x3  }
0x3bd: {  	s26 =	smul.u32 $0x5000, s29  }
0x3be: {  	s25 =	sshll.u32 s28, $0x7  }
0x3bf: {  	s25 =	sand.u32 $0x380, s25;
	s26 =	sshra.s32 s26, $0x2  }
0x3c0: {  	s25 =	sor.u32 s25, s26  }
0x3c1: {  	s30 =	sadd.s32 $0x40, s24;
	s31 =	sadd.s32 $0x800, s25  }
0x3c2: {  	[hbm4b:s30+s4] =	stream.linear.scatter [tilespmem:s31], [sflag:$0x1], $0x80, $0x38;
	[tilespmem:$0x14800] =	vst v63  }
0x3c3: {  	s29 =	sadd.s32 $0xC00, s25;
	s30 =	sadd.s32 $0xC0, s24  }
0x3c4: {  	[hbm4b:s30+s4] =	stream.linear.scatter [tilespmem:s29], [sflag:$0x1], $0x80, $0x38;
	[tilespmem:$0x14800] =	vst v63  }
0x3c5: {  	s31 =	sadd.s32 $0x1000, s25;
	s29 =	sadd.s32 $0x140, s24  }
0x3c6: {  	[hbm4b:s29+s4] =	stream.linear.scatter [tilespmem:s31], [sflag:$0x1], $0x80, $0x38;
	[tilespmem:$0x14800] =	vst v63  }
0x3c7: {  	s30 =	sadd.s32 $0x1400, s25;
	s31 =	sadd.s32 $0x1C0, s24  }
0x3c8: {  	[hbm4b:s31+s4] =	stream.linear.scatter [tilespmem:s30], [sflag:$0x1], $0x80, $0x38;
	[tilespmem:$0x14800] =	vst v63  }
0x3c9: {  	s28 =	sadd.s32 $0x240, s24;
	s25 =	sadd.s32 $0x1800, s25  }
0x3ca: {  	[hbm4b:s28+s4] =	stream.linear.scatter [tilespmem:s25], [sflag:$0x1], $0x80, $0x38;
	[tilespmem:$0x14800] =	vst v63  }
0x3cb: {  	s29 =	spop (v2sf)  }
0x3cc: {  	(v2sf) =	vpush v0, $0xE;
	s30 =	sshrl.u32 s29, $0x3  }
0x3cd: {  	s26 =	smul.u32 $0x5000, s30  }
0x3ce: {  	s25 =	sshll.u32 s29, $0x7  }
0x3cf: {  	s25 =	sand.u32 $0x380, s25;
	s26 =	sshra.s32 s26, $0x2  }
0x3d0: {  	s25 =	sor.u32 s25, s26  }
0x3d1: {  	s31 =	sadd.s32 $0x50, s24;
	s29 =	sadd.s32 $0x800, s25  }
0x3d2: {  	[hbm4b:s31+s4] =	stream.linear.scatter [tilespmem:s29], [sflag:$0x1], $0x80, $0x38;
	[tilespmem:$0x14800] =	vst v63  }
0x3d3: {  	s30 =	sadd.s32 $0xC00, s25;
	s31 =	sadd.s32 $0xD0, s24  }
0x3d4: {  	[hbm4b:s31+s4] =	stream.linear.scatter [tilespmem:s30], [sflag:$0x1], $0x80, $0x38;
	[tilespmem:$0x14800] =	vst v63  }
0x3d5: {  	s29 =	sadd.s32 $0x1000, s25;
	s30 =	sadd.s32 $0x150, s24  }
0x3d6: {  	[hbm4b:s30+s4] =	stream.linear.scatter [tilespmem:s29], [sflag:$0x1], $0x80, $0x38;
	[tilespmem:$0x14800] =	vst v63  }
0x3d7: {  	s31 =	sadd.s32 $0x1400, s25;
	s29 =	sadd.s32 $0x1D0, s24  }
0x3d8: {  	[hbm4b:s29+s4] =	stream.linear.scatter [tilespmem:s31], [sflag:$0x1], $0x80, $0x38;
	[tilespmem:$0x14800] =	vst v63  }
0x3d9: {  	s25 =	sadd.s32 $0x1800, s25;
	s30 =	sadd.s32 $0x250, s24  }
0x3da: {  	[hbm4b:s30+s4] =	stream.linear.scatter [tilespmem:s25], [sflag:$0x1], $0x80, $0x38;
	[tilespmem:$0x14800] =	vst v63  }
0x3db: {  	s31 =	spop (v2sf)  }
0x3dc: {  	(v2sf) =	vpush v0, $0xF;
	s28 =	sshrl.u32 s31, $0x3  }
0x3dd: {  	s26 =	smul.u32 $0x5000, s28  }
0x3de: {  	s25 =	sshll.u32 s31, $0x7  }
0x3df: {  	s25 =	sand.u32 $0x380, s25;
	s26 =	sshra.s32 s26, $0x2  }
0x3e0: {  	s25 =	sor.u32 s25, s26  }
0x3e1: {  	s29 =	sadd.s32 $0x60, s24;
	s30 =	sadd.s32 $0x800, s25  }
0x3e2: {  	[hbm4b:s29+s4] =	stream.linear.scatter [tilespmem:s30], [sflag:$0x1], $0x80, $0x38;
	[tilespmem:$0x14800] =	vst v63  }
0x3e3: {  	s31 =	sadd.s32 $0xC00, s25;
	s29 =	sadd.s32 $0xE0, s24  }
0x3e4: {  	[hbm4b:s29+s4] =	stream.linear.scatter [tilespmem:s31], [sflag:$0x1], $0x80, $0x38;
	[tilespmem:$0x14800] =	vst v63  }
0x3e5: {  	s30 =	sadd.s32 $0x1000, s25;
	s31 =	sadd.s32 $0x160, s24  }
0x3e6: {  	[hbm4b:s31+s4] =	stream.linear.scatter [tilespmem:s30], [sflag:$0x1], $0x80, $0x38;
	[tilespmem:$0x14800] =	vst v63  }
0x3e7: {  	s29 =	sadd.s32 $0x1400, s25;
	s30 =	sadd.s32 $0x1E0, s24  }
0x3e8: {  	[hbm4b:s30+s4] =	stream.linear.scatter [tilespmem:s29], [sflag:$0x1], $0x80, $0x38;
	[tilespmem:$0x14800] =	vst v63  }
0x3e9: {  	s25 =	sadd.s32 $0x1800, s25;
	s31 =	sadd.s32 $0x260, s24  }
0x3ea: {  	[hbm4b:s31+s4] =	stream.linear.scatter [tilespmem:s25], [sflag:$0x1], $0x80, $0x38;
	[tilespmem:$0x14800] =	vst v63  }
0x3eb: {  	s28 =	spop (v2sf)  }
0x3ec: {  	s29 =	sshrl.u32 s28, $0x3  }
0x3ed: {  	s26 =	smul.u32 $0x5000, s29  }
0x3ee: {  	s25 =	sshll.u32 s28, $0x7  }
0x3ef: {  	s25 =	sand.u32 $0x380, s25;
	s26 =	sshra.s32 s26, $0x2  }
0x3f0: {  	s25 =	sor.u32 s25, s26  }
0x3f1: {  	s30 =	sadd.s32 $0x70, s24;
	s31 =	sadd.s32 $0x800, s25  }
0x3f2: {  	[hbm4b:s30+s4] =	stream.linear.scatter [tilespmem:s31], [sflag:$0x1], $0x80, $0x38;
	[tilespmem:$0x14800] =	vst v63  }
0x3f3: {  	s29 =	sadd.s32 $0xC00, s25;
	s30 =	sadd.s32 $0xF0, s24  }
0x3f4: {  	[hbm4b:s30+s4] =	stream.linear.scatter [tilespmem:s29], [sflag:$0x1], $0x80, $0x38;
	[tilespmem:$0x14800] =	vst v63  }
0x3f5: {  	s31 =	sadd.s32 $0x1000, s25;
	s29 =	sadd.s32 $0x170, s24  }
0x3f6: {  	[hbm4b:s29+s4] =	stream.linear.scatter [tilespmem:s31], [sflag:$0x1], $0x80, $0x38;
	[tilespmem:$0x14800] =	vst v63  }
0x3f7: {  	s21 =	sadd.s32 $0x9000, s21;
	s30 =	sadd.s32 $0x1400, s25;
	s31 =	sadd.s32 $0x1F0, s24  }
0x3f8: {  	[hbm4b:s31+s4] =	stream.linear.scatter [tilespmem:s30], [sflag:$0x1], $0x80, $0x38;
	[tilespmem:$0x14800] =	vst v63  }
0x3f9: {  	p3 =	sne.s32 s21, $0x240000;
	s25 =	sadd.s32 $0x1800, s25;
	s24 =	sadd.s32 $0x270, s24  }
0x3fa: {  	[hbm4b:s24+s4] =	stream.linear.scatter [tilespmem:s25], [sflag:$0x1], $0x80, $0x38;
	[tilespmem:$0x14800] =	vst v63  }
.Ltmp7:
0x3fb: {  	p2 =	slt.u32 s23, $0x2;
	(pc) =	sbr.rel @p3 .LBB2_9-.Ltmp7, $4  }
0x3fc: {  	s24 =	simm.s32 @!p2 $0x1  }
0x3fd: {  	_ =	swait.ge @!p2 [sflag:s24], $0x2800  }
0x3fe: {  	[sflag:s24] =	ssyncset.done @!p2 $0x0  }
0x3ff: {  	s23 =	sadd.s32 $0x1, s23;
	s22 =	sadd.s32 $0x10, s22;
	[sflag:s24] =	ssyncadd.s32 @!p2 $0xFFFFD800  }
.Ltmp8:
0x400: {  	_ = 	snop;
	(pc) =	sbr.rel .LBB2_10-.Ltmp8, $1  }
0x401: {  	_ =	sdelay $0x3  }
.LBB2_12:
0x402: {  	_ =	sfence.sel $0x180000  }
0x403: {  	[bflag:$0x0] =	sbarrier.arrive $0xFFFF  }
0x404: {  	p0 =	sne.s32 s0, $0x0;
	_ =	strace $0x90000047  }
0x405: {  	s0 =	sadd.s32 @!p0 $0x100000, s2;
	[bflag:$0x2] =	sbarrier.arrive $0xFFFF  }
0x406: {  	[sflag:s0] =	ssyncadd.tile.s32 @!p0 $0x1;
	_ =	shalt  }
.Lfunc_end2:
_tile_overlayer_lowered:
.L_overlay_start_2:
0x407: {  	(tag) =	ssettag $0x2  }
0x408: {  	s0 =	rddreg [dreg:$0x0];
	s2 =	stileid.u32  }
0x409: {  	s1 =	rddreg [dreg:$0x1];
	p0 =	sne.s32 s2, $0x0  }
0x40a: {  	s3 =	rddreg [dreg:$0x2];
	[bflag:$0x3] =	sbarrier.arrive $0xFFFF;
	s2 =	simm.s32 @!p0 $0x1C02  }
0x40b: {  	[timem:s3], [sflag:s2] =	dma.local @!p0 [hbm:s0], s1  }
0x40c: {  	s0 =	simm.s32 @!p0 $0x2  }
0x40d: {  	_ =	swait.ge @!p0 [sflag:s0], s1  }
0x40e: {  	s1 =	ssub.s32 @!p0 $0x0, s1;
	[sflag:s0] =	ssyncset.done @!p0 $0x0  }
0x40f: {  	[sflag:s0] =	ssyncadd.s32 @!p0 s1  }
0x410: {  	[bflag:$0x3] =	sbarrier.arrive $0xFFFF  }
0x411: {  	_ =	shalt  }

</sc_bundles>
